<compile_context>
chip_gen: v7x
topology: tpu7x:2x2x1
jax: 0.10.2.dev20260603
libtpu: 0.0.44.dev20260713+nightly
codegen_flags: <defaults>
</compile_context>

<pallas_src>
import functools

import jax
import jax.numpy as jnp
from jax import lax
from jax.experimental import pallas as pl
from jax.experimental.pallas import tpu as pltpu
from jax.experimental.pallas import tpu_sc as plsc

N = 800000
C = 8
M = 128
NGEN = 4
NSEG = 512

NC = 2
NS = 16
NW = NC * NS
GRP = 128
NGRP = N // GRP
GPW = NGRP // NW
XTRA = NGRP - GPW * NW
GPB = 39
NBLK = GPW // GPB
BK = GPB * GRP
ACCL = NSEG * NGEN


def _tables_body(b_ref, pi_ref, lik_ref, pack_ref):
    bt = b_ref[...]
    bm = jnp.max(bt, axis=2, keepdims=True)
    be = jnp.exp(bt - bm)
    sm_b = be / jnp.sum(be, axis=2, keepdims=True)

    pi = pi_ref[...]
    pm = jnp.max(pi, axis=1, keepdims=True)
    pe = jnp.exp(pi - pm)
    sm_pi = pe / jnp.sum(pe, axis=1, keepdims=True)

    num = sm_pi[:, :, None] * sm_b
    post = num / jnp.sum(num, axis=1, keepdims=True)
    lik_ref[...] = jnp.sum(post * jnp.log(num), axis=1)
    hmax = jnp.max(post, axis=1)
    ci = lax.broadcasted_iota(jnp.int32, (NGEN, C, M), 1)
    hidx = jnp.min(jnp.where(post == hmax[:, None, :], ci, C), axis=1)
    hbits = lax.bitcast_convert_type(hmax, jnp.int32)
    pack_ref[...] = lax.bitcast_convert_type(
        (hbits & -8) | hidx.astype(jnp.int32), jnp.float32)


_tables_call = pl.pallas_call(
    _tables_body,
    out_shape=[
        jax.ShapeDtypeStruct((NGEN, M), jnp.float32),
        jax.ShapeDtypeStruct((NGEN, M), jnp.float32),
    ],
)


def _combine_body(p_ref, out_ref):
    out_ref[...] = jnp.sum(p_ref[...], axis=0, keepdims=True)


_combine_call = pl.pallas_call(
    _combine_body,
    out_shape=jax.ShapeDtypeStruct((1, ACCL), jnp.float32),
)


@functools.cache
def _build_sc_main():
    mesh = plsc.VectorSubcoreMesh(
        core_axis_name="c", subcore_axis_name="s", num_cores=NC, num_subcores=NS
    )

    @functools.partial(
        pl.kernel,
        mesh=mesh,
        compiler_params=pltpu.CompilerParams(needs_layout_passes=False),
        out_type=[
            jax.ShapeDtypeStruct((N * NGEN,), jnp.float32),
            jax.ShapeDtypeStruct((N * NGEN,), jnp.int32),
            jax.ShapeDtypeStruct((NW, ACCL), jnp.float32),
        ],
        scratch_types=[
            pltpu.VMEM((M * NGEN,), jnp.float32),
            pltpu.VMEM((M * NGEN,), jnp.float32),
            pltpu.VMEM((BK + 16,), jnp.int32),
            pltpu.VMEM((BK + 16,), jnp.int32),
            pltpu.VMEM((BK * NGEN,), jnp.float32),
            pltpu.VMEM((BK * NGEN,), jnp.int32),
            pltpu.VMEM((ACCL,), jnp.float32),
            pltpu.SemaphoreType.DMA,
        ],
    )
    def _sc_main(x_hbm, batch_hbm, tlik_hbm, tpack_hbm,
                 hmax_out, hidx_out, part_out,
                 tlik_v, tpack_v, x_v, b_v, hm_v, hi_v, acc_v, sem):
        wid = lax.axis_index("s") * NC + lax.axis_index("c")
        base = (wid * GPW + jnp.minimum(wid, XTRA)) * GRP

        pltpu.sync_copy(tlik_hbm, tlik_v)
        pltpu.sync_copy(tpack_hbm, tpack_v)

        zeros16 = jnp.zeros((16,), jnp.float32)

        def _zero(i, carry):
            acc_v[pl.ds(i * 16, 16)] = zeros16
            return carry

        lax.fori_loop(0, ACCL // 16, _zero, 0)

        iota = lax.iota(jnp.int32, 16)
        l15 = iota == 15
        lt15 = iota < 15

        def _vec_body(i, rs):
            s = i * 16
            xv = x_v[pl.ds(s, 16)]
            bv = b_v[pl.ds(s, 16)]
            bn = b_v[pl.ds(s + 1, 16)]
            neq_full = bv != bn
            neq = neq_full & lt15
            x4 = xv * 4
            og = ((s >> 7) << 9) + (s & 127)
            likvs = []
            for g in range(NGEN):
                idxg = x4 + g if g else x4
                likvs.append(plsc.load_gather(tlik_v, [idxg]))
                pv = plsc.load_gather(tpack_v, [idxg])
                hm_v[pl.ds(og + g * GRP, 16)] = pv
                hi_v[pl.ds(og + g * GRP, 16)] = plsc.bitcast(pv, jnp.int32) & 7
            anyb = bv[0] != bn[15]

            def _fast(rs):
                return tuple(r + l for r, l in zip(rs, likvs))

            def _slow(rs):
                b4 = bv * 4
                bn4 = jnp.where(neq, bn, 0) * 4
                ends = neq | l15
                for g in range(NGEN):
                    cs = plsc.cumsum(likvs[g]) + jnp.sum(rs[g])
                    bidx = b4 + g if g else b4
                    bnidx = bn4 + g if g else bn4
                    plsc.addupdate_scatter(acc_v, [bidx], cs, mask=ends)
                    plsc.addupdate_scatter(acc_v, [bnidx], -cs, mask=neq)
                return tuple(zeros16 for _ in range(NGEN))

            return lax.cond(anyb, _slow, _fast, rs)

        def _block(off, gcount):
            bk = gcount * GRP
            pltpu.sync_copy(x_hbm.at[pl.ds(off, bk)], x_v.at[pl.ds(0, bk)])
            pltpu.sync_copy(batch_hbm.at[pl.ds(off, bk)], b_v.at[pl.ds(0, bk)])
            b_v[pl.ds(bk, 16)] = jnp.full((16,), jnp.int32(2**31 - 1))
            rs0 = tuple(zeros16 for _ in range(NGEN))
            rs = lax.fori_loop(0, bk // 16, _vec_body, rs0)
            bl4 = b_v[pl.ds(bk - 16, 16)] * 4
            for g in range(NGEN):
                tot = jnp.full((16,), jnp.sum(rs[g]), jnp.float32)
                bidx = bl4 + g if g else bl4
                plsc.addupdate_scatter(acc_v, [bidx], tot, mask=l15)
            off4 = pl.multiple_of(off * NGEN, 8)
            pltpu.sync_copy(hm_v.at[pl.ds(0, bk * NGEN)],
                            hmax_out.at[pl.ds(off4, bk * NGEN)])
            pltpu.sync_copy(hi_v.at[pl.ds(0, bk * NGEN)],
                            hidx_out.at[pl.ds(off4, bk * NGEN)])

        for blk in range(NBLK):
            _block(pl.multiple_of(base + blk * BK, 8), GPB)

        @pl.when(wid < XTRA)
        def _():
            _block(pl.multiple_of(base + GPW * GRP, 8), 1)

        pltpu.sync_copy(acc_v, part_out.at[wid])

    return _sc_main


def kernel(x, batch, B, Pi):
    bt = jnp.transpose(B, (2, 0, 1))
    pit = jnp.transpose(Pi, (1, 0))
    lik_t, pack_t = _tables_call(bt, pit)
    tlik = jnp.reshape(jnp.transpose(lik_t), (M * NGEN,))
    tpack = jnp.reshape(jnp.transpose(pack_t), (M * NGEN,))
    hm_flat, hi_flat, parts = _build_sc_main()(x, batch, tlik, tpack)
    lik_sum = _combine_call(parts)
    likelihood = jnp.reshape(lik_sum, (NSEG, NGEN))
    h_max_vals = jnp.reshape(
        jnp.transpose(jnp.reshape(hm_flat, (NGRP, NGEN, GRP)), (0, 2, 1)),
        (N, 1, NGEN))
    h_max_idx = jnp.reshape(
        jnp.transpose(jnp.reshape(hi_flat, (NGRP, NGEN, GRP)), (0, 2, 1)),
        (N, NGEN))
    return (likelihood, h_max_vals, h_max_idx)

# --- scband reference (transcript-rebuilt; emitter-appended) ---
"""Pipeline reference for scband-cgmmlayer-0-37864431682173 (READ-ONLY COPY).

The authoritative reference and input builder live on the scoring server;
editing this copy changes nothing except your own understanding.
"""

import jax, jax.numpy as jnp
import numpy as np

N = 800000
C = 8
M = 128
N_GEN = 4
NUM_SEGMENTS = 512


def setup_inputs(seed: int = 0) -> dict:
    key = jax.random.key(seed)
    k1, k2, k3, k4 = jax.random.split(key, 4)
    x = jax.random.randint(k1, (N,), 0, M, dtype=jnp.int64 if jax.config.jax_enable_x64 else jnp.int32)
    batch = jnp.sort(jax.random.randint(k2, (N,), 0, NUM_SEGMENTS, dtype=jnp.int64 if jax.config.jax_enable_x64 else jnp.int32))
    B = jax.random.uniform(k3, (C, M, N_GEN), minval=-5.0, maxval=5.0, dtype=jnp.float32)
    Pi = jax.random.uniform(k4, (C, N_GEN), minval=-5.0, maxval=5.0, dtype=jnp.float32)
    return {"x": x, "batch": batch, "B": B, "Pi": Pi}


def reference(x, batch, B, Pi):
    # softmax reparameterization: per-generator softmax over M (for B) and over C (for Pi)
    sm_B = jax.nn.softmax(B, axis=1)          # (C, M, n_gen)
    sm_Pi = jax.nn.softmax(Pi, axis=0)        # (C, n_gen)
    # gather node-label emission probs: sm_B[:, x] -> (C, N, n_gen) -> (N, C, n_gen)
    numerator = sm_Pi[None, :, :] * jnp.transpose(sm_B[:, x, :], (1, 0, 2))  # (N, C, n_gen)
    posterior = numerator / numerator.sum(axis=1, keepdims=True)             # (N, C, n_gen)
    likelihood = (posterior * jnp.log(numerator)).sum(axis=1)                # (N, n_gen)
    # scatter-add per-graph (segment reduce over batch ids)
    likelihood = jax.ops.segment_sum(likelihood, batch, num_segments=NUM_SEGMENTS)  # (512, n_gen)
    h_max_vals = jnp.max(posterior, axis=1, keepdims=True)  # (N, 1, n_gen)
    h_max_idx = jnp.argmax(posterior, axis=1)               # (N, n_gen) (squeezed)
    return (likelihood, h_max_vals, h_max_idx)

if __name__ == "__main__":
    import jax
    _d = setup_inputs()
    print(jax.jit(kernel)(*tuple(_d.values())))

</pallas_src>

<mosaic_0001>
#map = affine_map<(d0, d1) -> (0)>
#map1 = affine_map<(d0, d1) -> (0, 0)>
module attributes {stable_mosaic.version = 14 : i64} {
  func.func @_sc_main(%arg0: i32, %arg1: i32, %arg2: memref<800000xi32, #tpu.memory_space<hbm>>, %arg3: memref<800000xi32, #tpu.memory_space<hbm>>, %arg4: memref<512xf32, #tpu.memory_space<hbm>>, %arg5: memref<512xf32, #tpu.memory_space<hbm>>, %arg6: memref<3200000xf32, #tpu.memory_space<hbm>>, %arg7: memref<3200000xi32, #tpu.memory_space<hbm>>, %arg8: memref<32x2048xf32, #tpu.memory_space<hbm>>, %arg9: memref<512xf32, #tpu.memory_space<vmem>>, %arg10: memref<512xf32, #tpu.memory_space<vmem>>, %arg11: memref<5008xi32, #tpu.memory_space<vmem>>, %arg12: memref<5008xi32, #tpu.memory_space<vmem>>, %arg13: memref<19968xf32, #tpu.memory_space<vmem>>, %arg14: memref<19968xi32, #tpu.memory_space<vmem>>, %arg15: memref<2048xf32, #tpu.memory_space<vmem>>, %arg16: memref<!tpu.dma_semaphore, #tpu.memory_space<semaphore_mem>>) attributes {dimension_semantics = [#tpu.dimension_semantics<core_parallel>, #tpu.dimension_semantics<subcore_parallel>], iteration_bounds = array<i64: 2, 16>, scalar_prefetch = 0 : i64, scratch_operands = 8 : i64, tpu.core_type = #tpu.core_type<sc_vector_subcore>, window_params = [{transform_indices = #map}, {transform_indices = #map}, {transform_indices = #map}, {transform_indices = #map}, {transform_indices = #map}, {transform_indices = #map}, {transform_indices = #map1}]} {
    %mul3A = arith.constant 2 : i32
    %mul3A_0 = arith.muli %arg1, %mul3A : i32
    %add3A = arith.addi %mul3A_0, %arg0 : i32
    %mul3A_1 = arith.constant 195 : i32
    %mul3A_2 = arith.muli %add3A, %mul3A_1 : i32
    %min3A = arith.constant 10 : i32
    %min3A_3 = arith.minsi %add3A, %min3A : i32
    %add3A_4 = arith.addi %mul3A_2, %min3A_3 : i32
    %mul3A_5 = arith.constant 128 : i32
    %mul3A_6 = arith.muli %add3A_4, %mul3A_5 : i32
    "tpu.region"() ({
      %run_scoped3A = tpu.sem_alloc : memref<!tpu.dma_semaphore, #tpu.memory_space<semaphore_mem>>
      tpu.enqueue_dma source(%arg4 : memref<512xf32, #tpu.memory_space<hbm>>) target(%arg9 : memref<512xf32, #tpu.memory_space<vmem>>) target_semaphore(%run_scoped3A : memref<!tpu.dma_semaphore, #tpu.memory_space<semaphore_mem>>)
      tpu.wait_dma2 semaphore(%run_scoped3A : memref<!tpu.dma_semaphore, #tpu.memory_space<semaphore_mem>>) src(%arg4 : memref<512xf32, #tpu.memory_space<hbm>>) dst(%arg9 : memref<512xf32, #tpu.memory_space<vmem>>)
      tpu.yield
    }) : () -> ()
    "tpu.region"() ({
      %run_scoped3A = tpu.sem_alloc : memref<!tpu.dma_semaphore, #tpu.memory_space<semaphore_mem>>
      tpu.enqueue_dma source(%arg5 : memref<512xf32, #tpu.memory_space<hbm>>) target(%arg10 : memref<512xf32, #tpu.memory_space<vmem>>) target_semaphore(%run_scoped3A : memref<!tpu.dma_semaphore, #tpu.memory_space<semaphore_mem>>)
      tpu.wait_dma2 semaphore(%run_scoped3A : memref<!tpu.dma_semaphore, #tpu.memory_space<semaphore_mem>>) src(%arg5 : memref<512xf32, #tpu.memory_space<hbm>>) dst(%arg10 : memref<512xf32, #tpu.memory_space<vmem>>)
      tpu.yield
    }) : () -> ()
    %broadcast_in_dim3A = arith.constant 0.000000e+00 : f32
    %broadcast_in_dim3A_7 = vector.broadcast %broadcast_in_dim3A : f32 to vector<16xf32>
    %scan3A = arith.constant 0 : i32
    %scan3A_8 = arith.constant 0 : i32
    %scan3A_9 = arith.constant 128 : i32
    %scan3A_10 = arith.addi %scan3A_8, %scan3A_9 : i32
    %scan3A_11 = arith.constant 1 : i32
    scf.for %scan3A_266 = %scan3A_8 to %scan3A_10 step %scan3A_11  : i32 {
      %mul3A_267 = arith.constant 16 : i32
      %mul3A_268 = arith.muli %scan3A_266, %mul3A_267 : i32
      %swap3A_269 = arith.index_cast %mul3A_268 : i32 to index
      %swap3A_270 = tpu.vector_load %arg15[%swap3A_269] {strides = array<i32>} : memref<2048xf32, #tpu.memory_space<vmem>>, vector<16xf32>,
      tpu.vector_store %arg15[%swap3A_269], %broadcast_in_dim3A_7 {strides = array<i32>} : memref<2048xf32, #tpu.memory_space<vmem>>, vector<16xf32>,
    }
    %scan3A_12 = arith.constant 128 : i32
    %iota3A = tpu.iota {dimensions = array<i32: 0>} : vector<16xi32>
    %eq3A = arith.constant 15 : i32
    %eq3A_13 = vector.broadcast %eq3A : i32 to vector<16xi32>
    %eq3A_14 = arith.cmpi eq, %iota3A, %eq3A_13 : vector<16xi32>
    %lt3A = arith.constant 15 : i32
    %lt3A_15 = vector.broadcast %lt3A : i32 to vector<16xi32>
    %lt3A_16 = arith.cmpi slt, %iota3A, %lt3A_15 : vector<16xi32>
    %add3A_17 = arith.constant 0 : i32
    %add3A_18 = arith.addi %mul3A_6, %add3A_17 : i32
    %multiple_of3A = tpu.assume_multiple %add3A_18, 8 : i32
    "tpu.region"() ({
      %run_scoped3A = tpu.sem_alloc : memref<!tpu.dma_semaphore, #tpu.memory_space<semaphore_mem>>
      %dma_start3A = arith.constant 0 : i32
      %dma_start3A_266 = tpu.memref_slice %arg11[%dma_start3A] : memref<5008xi32, #tpu.memory_space<vmem>> -> memref<4992xi32, #tpu.memory_space<vmem>>
      %dma_start3A_267 = tpu.memref_slice %arg2[%multiple_of3A] : memref<800000xi32, #tpu.memory_space<hbm>> -> memref<4992xi32, #tpu.memory_space<hbm>>
      %dma_start3A_268 = arith.constant 0 : i32
      %dma_start3A_269 = tpu.memref_slice %arg11[%dma_start3A_268] : memref<5008xi32, #tpu.memory_space<vmem>> -> memref<4992xi32, #tpu.memory_space<vmem>>
      %dma_start3A_270 = tpu.memref_slice %arg2[%multiple_of3A] : memref<800000xi32, #tpu.memory_space<hbm>> -> memref<4992xi32, #tpu.memory_space<hbm>>
      tpu.enqueue_dma source(%dma_start3A_270 : memref<4992xi32, #tpu.memory_space<hbm>>) target(%dma_start3A_269 : memref<4992xi32, #tpu.memory_space<vmem>>) target_semaphore(%run_scoped3A : memref<!tpu.dma_semaphore, #tpu.memory_space<semaphore_mem>>)
      %dma_wait3A = arith.constant 0 : i32
      %dma_wait3A_271 = tpu.memref_slice %arg11[%dma_wait3A] : memref<5008xi32, #tpu.memory_space<vmem>> -> memref<4992xi32, #tpu.memory_space<vmem>>
      %dma_wait3A_272 = tpu.memref_slice %arg2[%multiple_of3A] : memref<800000xi32, #tpu.memory_space<hbm>> -> memref<4992xi32, #tpu.memory_space<hbm>>
      %dma_wait3A_273 = arith.constant 0 : i32
      %dma_wait3A_274 = tpu.memref_slice %arg11[%dma_wait3A_273] : memref<5008xi32, #tpu.memory_space<vmem>> -> memref<4992xi32, #tpu.memory_space<vmem>>
      %dma_wait3A_275 = tpu.memref_slice %arg2[%multiple_of3A] : memref<800000xi32, #tpu.memory_space<hbm>> -> memref<4992xi32, #tpu.memory_space<hbm>>
      tpu.wait_dma2 semaphore(%run_scoped3A : memref<!tpu.dma_semaphore, #tpu.memory_space<semaphore_mem>>) src(%dma_wait3A_275 : memref<4992xi32, #tpu.memory_space<hbm>>) dst(%dma_wait3A_274 : memref<4992xi32, #tpu.memory_space<vmem>>)
      tpu.yield
    }) : () -> ()
    "tpu.region"() ({
      %run_scoped3A = tpu.sem_alloc : memref<!tpu.dma_semaphore, #tpu.memory_space<semaphore_mem>>
      %dma_start3A = arith.constant 0 : i32
      %dma_start3A_266 = tpu.memref_slice %arg12[%dma_start3A] : memref<5008xi32, #tpu.memory_space<vmem>> -> memref<4992xi32, #tpu.memory_space<vmem>>
      %dma_start3A_267 = tpu.memref_slice %arg3[%multiple_of3A] : memref<800000xi32, #tpu.memory_space<hbm>> -> memref<4992xi32, #tpu.memory_space<hbm>>
      %dma_start3A_268 = arith.constant 0 : i32
      %dma_start3A_269 = tpu.memref_slice %arg12[%dma_start3A_268] : memref<5008xi32, #tpu.memory_space<vmem>> -> memref<4992xi32, #tpu.memory_space<vmem>>
      %dma_start3A_270 = tpu.memref_slice %arg3[%multiple_of3A] : memref<800000xi32, #tpu.memory_space<hbm>> -> memref<4992xi32, #tpu.memory_space<hbm>>
      tpu.enqueue_dma source(%dma_start3A_270 : memref<4992xi32, #tpu.memory_space<hbm>>) target(%dma_start3A_269 : memref<4992xi32, #tpu.memory_space<vmem>>) target_semaphore(%run_scoped3A : memref<!tpu.dma_semaphore, #tpu.memory_space<semaphore_mem>>)
      %dma_wait3A = arith.constant 0 : i32
      %dma_wait3A_271 = tpu.memref_slice %arg12[%dma_wait3A] : memref<5008xi32, #tpu.memory_space<vmem>> -> memref<4992xi32, #tpu.memory_space<vmem>>
      %dma_wait3A_272 = tpu.memref_slice %arg3[%multiple_of3A] : memref<800000xi32, #tpu.memory_space<hbm>> -> memref<4992xi32, #tpu.memory_space<hbm>>
      %dma_wait3A_273 = arith.constant 0 : i32
      %dma_wait3A_274 = tpu.memref_slice %arg12[%dma_wait3A_273] : memref<5008xi32, #tpu.memory_space<vmem>> -> memref<4992xi32, #tpu.memory_space<vmem>>
      %dma_wait3A_275 = tpu.memref_slice %arg3[%multiple_of3A] : memref<800000xi32, #tpu.memory_space<hbm>> -> memref<4992xi32, #tpu.memory_space<hbm>>
      tpu.wait_dma2 semaphore(%run_scoped3A : memref<!tpu.dma_semaphore, #tpu.memory_space<semaphore_mem>>) src(%dma_wait3A_275 : memref<4992xi32, #tpu.memory_space<hbm>>) dst(%dma_wait3A_274 : memref<4992xi32, #tpu.memory_space<vmem>>)
      tpu.yield
    }) : () -> ()
    %broadcast_in_dim3A_19 = arith.constant 2147483647 : i32
    %broadcast_in_dim3A_20 = vector.broadcast %broadcast_in_dim3A_19 : i32 to vector<16xi32>
    %swap3A = arith.constant 4992 : index
    %swap3A_21 = tpu.vector_load %arg12[%swap3A] {strides = array<i32>} : memref<5008xi32, #tpu.memory_space<vmem>>, vector<16xi32>,
    tpu.vector_store %arg12[%swap3A], %broadcast_in_dim3A_20 {strides = array<i32>} : memref<5008xi32, #tpu.memory_space<vmem>>, vector<16xi32>,
    %scan3A_22 = arith.constant 0 : i32
    %scan3A_23 = arith.constant 312 : i32
    %scan3A_24 = arith.addi %scan3A_22, %scan3A_23 : i32
    %scan3A_25 = arith.constant 1 : i32
    %scan3A_26:4 = scf.for %scan3A_266 = %scan3A_22 to %scan3A_24 step %scan3A_25 iter_args(%scan3A_267 = %broadcast_in_dim3A_7, %scan3A_268 = %broadcast_in_dim3A_7, %scan3A_269 = %broadcast_in_dim3A_7, %scan3A_270 = %broadcast_in_dim3A_7) -> (vector<16xf32>, vector<16xf32>, vector<16xf32>, vector<16xf32>)  : i32 {
      %mul3A_271 = arith.constant 16 : i32
      %mul3A_272 = arith.muli %scan3A_266, %mul3A_271 : i32
      %get3A_273 = arith.index_cast %mul3A_272 : i32 to index
      %get3A_274 = tpu.vector_load %arg11[%get3A_273] {strides = array<i32>} : memref<5008xi32, #tpu.memory_space<vmem>>, vector<16xi32>,
      %get3A_275 = arith.index_cast %mul3A_272 : i32 to index
      %get3A_276 = tpu.vector_load %arg12[%get3A_275] {strides = array<i32>} : memref<5008xi32, #tpu.memory_space<vmem>>, vector<16xi32>,
      %add3A_277 = arith.constant 1 : i32
      %add3A_278 = arith.addi %mul3A_272, %add3A_277 : i32
      %get3A_279 = arith.index_cast %add3A_278 : i32 to index
      %get3A_280 = tpu.vector_load %arg12[%get3A_279] {strides = array<i32>} : memref<5008xi32, #tpu.memory_space<vmem>>, vector<16xi32>,
      %ne3A = arith.cmpi ne, %get3A_276, %get3A_280 : vector<16xi32>
      %and3A = arith.andi %ne3A, %lt3A_16 : vector<16xi1>
      %mul3A_281 = arith.constant 4 : i32
      %mul3A_282 = vector.broadcast %mul3A_281 : i32 to vector<16xi32>
      %mul3A_283 = arith.muli %get3A_274, %mul3A_282 : vector<16xi32>
      %shift_right_arithmetic3A = arith.constant 7 : i32
      %shift_right_arithmetic3A_284 = arith.shrsi %mul3A_272, %shift_right_arithmetic3A : i32
      %shift_left3A = arith.constant 9 : i32
      %shift_left3A_285 = arith.shli %shift_right_arithmetic3A_284, %shift_left3A : i32
      %and3A_286 = arith.constant 127 : i32
      %and3A_287 = arith.andi %mul3A_272, %and3A_286 : i32
      %add3A_288 = arith.addi %shift_left3A_285, %and3A_287 : i32
      %gather3A = tpu.vector_load_idx %arg9[%mul3A_283] : memref<512xf32, #tpu.memory_space<vmem>>[vector<16xi32>], vector<16xf32>,
      %gather3A_289 = tpu.vector_load_idx %arg10[%mul3A_283] : memref<512xf32, #tpu.memory_space<vmem>>[vector<16xi32>], vector<16xf32>,
      %add3A_290 = arith.constant 0 : i32
      %add3A_291 = arith.addi %add3A_288, %add3A_290 : i32
      %swap3A_292 = arith.index_cast %add3A_291 : i32 to index
      %swap3A_293 = tpu.vector_load %arg13[%swap3A_292] {strides = array<i32>} : memref<19968xf32, #tpu.memory_space<vmem>>, vector<16xf32>,
      tpu.vector_store %arg13[%swap3A_292], %gather3A_289 {strides = array<i32>} : memref<19968xf32, #tpu.memory_space<vmem>>, vector<16xf32>,
      %bitcast3A = vector.bitcast %gather3A_289 : vector<16xf32> to vector<16xi32>
      %and3A_294 = arith.constant 7 : i32
      %and3A_295 = vector.broadcast %and3A_294 : i32 to vector<16xi32>
      %and3A_296 = arith.andi %bitcast3A, %and3A_295 : vector<16xi32>
      %add3A_297 = arith.constant 0 : i32
      %add3A_298 = arith.addi %add3A_288, %add3A_297 : i32
      %swap3A_299 = arith.index_cast %add3A_298 : i32 to index
      %swap3A_300 = tpu.vector_load %arg14[%swap3A_299] {strides = array<i32>} : memref<19968xi32, #tpu.memory_space<vmem>>, vector<16xi32>,
      tpu.vector_store %arg14[%swap3A_299], %and3A_296 {strides = array<i32>} : memref<19968xi32, #tpu.memory_space<vmem>>, vector<16xi32>,
      %add3A_301 = arith.constant 1 : i32
      %add3A_302 = vector.broadcast %add3A_301 : i32 to vector<16xi32>
      %add3A_303 = arith.addi %mul3A_283, %add3A_302 : vector<16xi32>
      %gather3A_304 = tpu.vector_load_idx %arg9[%add3A_303] : memref<512xf32, #tpu.memory_space<vmem>>[vector<16xi32>], vector<16xf32>,
      %gather3A_305 = tpu.vector_load_idx %arg10[%add3A_303] : memref<512xf32, #tpu.memory_space<vmem>>[vector<16xi32>], vector<16xf32>,
      %add3A_306 = arith.constant 128 : i32
      %add3A_307 = arith.addi %add3A_288, %add3A_306 : i32
      %swap3A_308 = arith.index_cast %add3A_307 : i32 to index
      %swap3A_309 = tpu.vector_load %arg13[%swap3A_308] {strides = array<i32>} : memref<19968xf32, #tpu.memory_space<vmem>>, vector<16xf32>,
      tpu.vector_store %arg13[%swap3A_308], %gather3A_305 {strides = array<i32>} : memref<19968xf32, #tpu.memory_space<vmem>>, vector<16xf32>,
      %bitcast3A_310 = vector.bitcast %gather3A_305 : vector<16xf32> to vector<16xi32>
      %and3A_311 = arith.constant 7 : i32
      %and3A_312 = vector.broadcast %and3A_311 : i32 to vector<16xi32>
      %and3A_313 = arith.andi %bitcast3A_310, %and3A_312 : vector<16xi32>
      %add3A_314 = arith.constant 128 : i32
      %add3A_315 = arith.addi %add3A_288, %add3A_314 : i32
      %swap3A_316 = arith.index_cast %add3A_315 : i32 to index
      %swap3A_317 = tpu.vector_load %arg14[%swap3A_316] {strides = array<i32>} : memref<19968xi32, #tpu.memory_space<vmem>>, vector<16xi32>,
      tpu.vector_store %arg14[%swap3A_316], %and3A_313 {strides = array<i32>} : memref<19968xi32, #tpu.memory_space<vmem>>, vector<16xi32>,
      %add3A_318 = arith.constant 2 : i32
      %add3A_319 = vector.broadcast %add3A_318 : i32 to vector<16xi32>
      %add3A_320 = arith.addi %mul3A_283, %add3A_319 : vector<16xi32>
      %gather3A_321 = tpu.vector_load_idx %arg9[%add3A_320] : memref<512xf32, #tpu.memory_space<vmem>>[vector<16xi32>], vector<16xf32>,
      %gather3A_322 = tpu.vector_load_idx %arg10[%add3A_320] : memref<512xf32, #tpu.memory_space<vmem>>[vector<16xi32>], vector<16xf32>,
      %add3A_323 = arith.constant 256 : i32
      %add3A_324 = arith.addi %add3A_288, %add3A_323 : i32
      %swap3A_325 = arith.index_cast %add3A_324 : i32 to index
      %swap3A_326 = tpu.vector_load %arg13[%swap3A_325] {strides = array<i32>} : memref<19968xf32, #tpu.memory_space<vmem>>, vector<16xf32>,
      tpu.vector_store %arg13[%swap3A_325], %gather3A_322 {strides = array<i32>} : memref<19968xf32, #tpu.memory_space<vmem>>, vector<16xf32>,
      %bitcast3A_327 = vector.bitcast %gather3A_322 : vector<16xf32> to vector<16xi32>
      %and3A_328 = arith.constant 7 : i32
      %and3A_329 = vector.broadcast %and3A_328 : i32 to vector<16xi32>
      %and3A_330 = arith.andi %bitcast3A_327, %and3A_329 : vector<16xi32>
      %add3A_331 = arith.constant 256 : i32
      %add3A_332 = arith.addi %add3A_288, %add3A_331 : i32
      %swap3A_333 = arith.index_cast %add3A_332 : i32 to index
      %swap3A_334 = tpu.vector_load %arg14[%swap3A_333] {strides = array<i32>} : memref<19968xi32, #tpu.memory_space<vmem>>, vector<16xi32>,
      tpu.vector_store %arg14[%swap3A_333], %and3A_330 {strides = array<i32>} : memref<19968xi32, #tpu.memory_space<vmem>>, vector<16xi32>,
      %add3A_335 = arith.constant 3 : i32
      %add3A_336 = vector.broadcast %add3A_335 : i32 to vector<16xi32>
      %add3A_337 = arith.addi %mul3A_283, %add3A_336 : vector<16xi32>
      %gather3A_338 = tpu.vector_load_idx %arg9[%add3A_337] : memref<512xf32, #tpu.memory_space<vmem>>[vector<16xi32>], vector<16xf32>,
      %gather3A_339 = tpu.vector_load_idx %arg10[%add3A_337] : memref<512xf32, #tpu.memory_space<vmem>>[vector<16xi32>], vector<16xf32>,
      %add3A_340 = arith.constant 384 : i32
      %add3A_341 = arith.addi %add3A_288, %add3A_340 : i32
      %swap3A_342 = arith.index_cast %add3A_341 : i32 to index
      %swap3A_343 = tpu.vector_load %arg13[%swap3A_342] {strides = array<i32>} : memref<19968xf32, #tpu.memory_space<vmem>>, vector<16xf32>,
      tpu.vector_store %arg13[%swap3A_342], %gather3A_339 {strides = array<i32>} : memref<19968xf32, #tpu.memory_space<vmem>>, vector<16xf32>,
      %bitcast3A_344 = vector.bitcast %gather3A_339 : vector<16xf32> to vector<16xi32>
      %and3A_345 = arith.constant 7 : i32
      %and3A_346 = vector.broadcast %and3A_345 : i32 to vector<16xi32>
      %and3A_347 = arith.andi %bitcast3A_344, %and3A_346 : vector<16xi32>
      %add3A_348 = arith.constant 384 : i32
      %add3A_349 = arith.addi %add3A_288, %add3A_348 : i32
      %swap3A_350 = arith.index_cast %add3A_349 : i32 to index
      %swap3A_351 = tpu.vector_load %arg14[%swap3A_350] {strides = array<i32>} : memref<19968xi32, #tpu.memory_space<vmem>>, vector<16xi32>,
      tpu.vector_store %arg14[%swap3A_350], %and3A_347 {strides = array<i32>} : memref<19968xi32, #tpu.memory_space<vmem>>, vector<16xi32>,
      %slice3A = vector.extract_strided_slice %get3A_276 {offsets = [0], sizes = [1], strides = [1]} : vector<16xi32> to vector<1xi32>
      %squeeze3A = vector.extract %slice3A[0] : i32 from vector<1xi32>
      %slice3A_352 = vector.extract_strided_slice %get3A_280 {offsets = [15], sizes = [1], strides = [1]} : vector<16xi32> to vector<1xi32>
      %squeeze3A_353 = vector.extract %slice3A_352[0] : i32 from vector<1xi32>
      %ne3A_354 = arith.cmpi ne, %squeeze3A, %squeeze3A_353 : i32
      %convert_element_type3A_355 = arith.extui %ne3A_354 : i1 to i32
      %cond3A_356 = arith.constant 0 : i32
      %cond3A_357 = arith.cmpi ne, %convert_element_type3A_355, %cond3A_356 : i32
      %cond3A_358:4 = scf.if %cond3A_357 -> (vector<16xf32>, vector<16xf32>, vector<16xf32>, vector<16xf32>) {
        %mul3A_359 = arith.constant 4 : i32
        %mul3A_360 = vector.broadcast %mul3A_359 : i32 to vector<16xi32>
        %mul3A_361 = arith.muli %get3A_276, %mul3A_360 : vector<16xi32>
        %jit3A = arith.constant 0 : i32
        %broadcast_in_dim3A_362 = vector.broadcast %jit3A : i32 to vector<16xi32>
        %select_n3A = arith.select %and3A, %get3A_280, %broadcast_in_dim3A_362 : vector<16xi1>, vector<16xi32>
        %mul3A_363 = arith.constant 4 : i32
        %mul3A_364 = vector.broadcast %mul3A_363 : i32 to vector<16xi32>
        %mul3A_365 = arith.muli %select_n3A, %mul3A_364 : vector<16xi32>
        %or3A = arith.ori %and3A, %eq3A_14 : vector<16xi1>
        %broadcast_in_dim3A_366 = arith.constant true
        %broadcast_in_dim3A_367 = vector.broadcast %broadcast_in_dim3A_366 : i1 to vector<16xi1>
        %masked_cumsum3A = tpu.scan <sum>, %gather3A masked %broadcast_in_dim3A_367 : vector<16xf32>, vector<16xi1> -> vector<16xf32>
        %reduce_sum3A_368 = arith.constant true
        %reduce_sum3A_369 = vector.broadcast %reduce_sum3A_368 : i1 to vector<16xi1>
        %reduce_sum3A_370 = tpu.scan <sum>, %scan3A_267 masked %reduce_sum3A_369 : vector<16xf32>, vector<16xi1> -> vector<16xf32>
        %reduce_sum3A_371 = vector.extract %reduce_sum3A_370[15] : f32 from vector<16xf32>
        %add3A_372 = vector.broadcast %reduce_sum3A_371 : f32 to vector<16xf32>
        %add3A_373 = arith.addf %masked_cumsum3A, %add3A_372 : vector<16xf32>
        tpu.vector_store_idx %arg15[%mul3A_361], %add3A_373 masked %or3A {add = true} : memref<2048xf32, #tpu.memory_space<vmem>>[vector<16xi32>], vector<16xf32>, vector<16xi1>
        %neg3A = arith.constant 0.000000e+00 : f32
        %neg3A_374 = vector.broadcast %neg3A : f32 to vector<16xf32>
        %neg3A_375 = arith.subf %neg3A_374, %add3A_373 : vector<16xf32>
        tpu.vector_store_idx %arg15[%mul3A_365], %neg3A_375 masked %and3A {add = true} : memref<2048xf32, #tpu.memory_space<vmem>>[vector<16xi32>], vector<16xf32>, vector<16xi1>
        %broadcast_in_dim3A_376 = arith.constant true
        %broadcast_in_dim3A_377 = vector.broadcast %broadcast_in_dim3A_376 : i1 to vector<16xi1>
        %masked_cumsum3A_378 = tpu.scan <sum>, %gather3A_304 masked %broadcast_in_dim3A_377 : vector<16xf32>, vector<16xi1> -> vector<16xf32>
        %reduce_sum3A_379 = arith.constant true
        %reduce_sum3A_380 = vector.broadcast %reduce_sum3A_379 : i1 to vector<16xi1>
        %reduce_sum3A_381 = tpu.scan <sum>, %scan3A_268 masked %reduce_sum3A_380 : vector<16xf32>, vector<16xi1> -> vector<16xf32>
        %reduce_sum3A_382 = vector.extract %reduce_sum3A_381[15] : f32 from vector<16xf32>
        %add3A_383 = vector.broadcast %reduce_sum3A_382 : f32 to vector<16xf32>
        %add3A_384 = arith.addf %masked_cumsum3A_378, %add3A_383 : vector<16xf32>
        %add3A_385 = arith.constant 1 : i32
        %add3A_386 = vector.broadcast %add3A_385 : i32 to vector<16xi32>
        %add3A_387 = arith.addi %mul3A_361, %add3A_386 : vector<16xi32>
        %add3A_388 = arith.constant 1 : i32
        %add3A_389 = vector.broadcast %add3A_388 : i32 to vector<16xi32>
        %add3A_390 = arith.addi %mul3A_365, %add3A_389 : vector<16xi32>
        tpu.vector_store_idx %arg15[%add3A_387], %add3A_384 masked %or3A {add = true} : memref<2048xf32, #tpu.memory_space<vmem>>[vector<16xi32>], vector<16xf32>, vector<16xi1>
        %neg3A_391 = arith.constant 0.000000e+00 : f32
        %neg3A_392 = vector.broadcast %neg3A_391 : f32 to vector<16xf32>
        %neg3A_393 = arith.subf %neg3A_392, %add3A_384 : vector<16xf32>
        tpu.vector_store_idx %arg15[%add3A_390], %neg3A_393 masked %and3A {add = true} : memref<2048xf32, #tpu.memory_space<vmem>>[vector<16xi32>], vector<16xf32>, vector<16xi1>
        %broadcast_in_dim3A_394 = arith.constant true
        %broadcast_in_dim3A_395 = vector.broadcast %broadcast_in_dim3A_394 : i1 to vector<16xi1>
        %masked_cumsum3A_396 = tpu.scan <sum>, %gather3A_321 masked %broadcast_in_dim3A_395 : vector<16xf32>, vector<16xi1> -> vector<16xf32>
        %reduce_sum3A_397 = arith.constant true
        %reduce_sum3A_398 = vector.broadcast %reduce_sum3A_397 : i1 to vector<16xi1>
        %reduce_sum3A_399 = tpu.scan <sum>, %scan3A_269 masked %reduce_sum3A_398 : vector<16xf32>, vector<16xi1> -> vector<16xf32>
        %reduce_sum3A_400 = vector.extract %reduce_sum3A_399[15] : f32 from vector<16xf32>
        %add3A_401 = vector.broadcast %reduce_sum3A_400 : f32 to vector<16xf32>
        %add3A_402 = arith.addf %masked_cumsum3A_396, %add3A_401 : vector<16xf32>
        %add3A_403 = arith.constant 2 : i32
        %add3A_404 = vector.broadcast %add3A_403 : i32 to vector<16xi32>
        %add3A_405 = arith.addi %mul3A_361, %add3A_404 : vector<16xi32>
        %add3A_406 = arith.constant 2 : i32
        %add3A_407 = vector.broadcast %add3A_406 : i32 to vector<16xi32>
        %add3A_408 = arith.addi %mul3A_365, %add3A_407 : vector<16xi32>
        tpu.vector_store_idx %arg15[%add3A_405], %add3A_402 masked %or3A {add = true} : memref<2048xf32, #tpu.memory_space<vmem>>[vector<16xi32>], vector<16xf32>, vector<16xi1>
        %neg3A_409 = arith.constant 0.000000e+00 : f32
        %neg3A_410 = vector.broadcast %neg3A_409 : f32 to vector<16xf32>
        %neg3A_411 = arith.subf %neg3A_410, %add3A_402 : vector<16xf32>
        tpu.vector_store_idx %arg15[%add3A_408], %neg3A_411 masked %and3A {add = true} : memref<2048xf32, #tpu.memory_space<vmem>>[vector<16xi32>], vector<16xf32>, vector<16xi1>
        %broadcast_in_dim3A_412 = arith.constant true
        %broadcast_in_dim3A_413 = vector.broadcast %broadcast_in_dim3A_412 : i1 to vector<16xi1>
        %masked_cumsum3A_414 = tpu.scan <sum>, %gather3A_338 masked %broadcast_in_dim3A_413 : vector<16xf32>, vector<16xi1> -> vector<16xf32>
        %reduce_sum3A_415 = arith.constant true
        %reduce_sum3A_416 = vector.broadcast %reduce_sum3A_415 : i1 to vector<16xi1>
        %reduce_sum3A_417 = tpu.scan <sum>, %scan3A_270 masked %reduce_sum3A_416 : vector<16xf32>, vector<16xi1> -> vector<16xf32>
        %reduce_sum3A_418 = vector.extract %reduce_sum3A_417[15] : f32 from vector<16xf32>
        %add3A_419 = vector.broadcast %reduce_sum3A_418 : f32 to vector<16xf32>
        %add3A_420 = arith.addf %masked_cumsum3A_414, %add3A_419 : vector<16xf32>
        %add3A_421 = arith.constant 3 : i32
        %add3A_422 = vector.broadcast %add3A_421 : i32 to vector<16xi32>
        %add3A_423 = arith.addi %mul3A_361, %add3A_422 : vector<16xi32>
        %add3A_424 = arith.constant 3 : i32
        %add3A_425 = vector.broadcast %add3A_424 : i32 to vector<16xi32>
        %add3A_426 = arith.addi %mul3A_365, %add3A_425 : vector<16xi32>
        tpu.vector_store_idx %arg15[%add3A_423], %add3A_420 masked %or3A {add = true} : memref<2048xf32, #tpu.memory_space<vmem>>[vector<16xi32>], vector<16xf32>, vector<16xi1>
        %neg3A_427 = arith.constant 0.000000e+00 : f32
        %neg3A_428 = vector.broadcast %neg3A_427 : f32 to vector<16xf32>
        %neg3A_429 = arith.subf %neg3A_428, %add3A_420 : vector<16xf32>
        tpu.vector_store_idx %arg15[%add3A_426], %neg3A_429 masked %and3A {add = true} : memref<2048xf32, #tpu.memory_space<vmem>>[vector<16xi32>], vector<16xf32>, vector<16xi1>
        scf.yield %broadcast_in_dim3A_7, %broadcast_in_dim3A_7, %broadcast_in_dim3A_7, %broadcast_in_dim3A_7 : vector<16xf32>, vector<16xf32>, vector<16xf32>, vector<16xf32>
      } else {
        %add3A_359 = arith.addf %scan3A_267, %gather3A : vector<16xf32>
        %add3A_360 = arith.addf %scan3A_268, %gather3A_304 : vector<16xf32>
        %add3A_361 = arith.addf %scan3A_269, %gather3A_321 : vector<16xf32>
        %add3A_362 = arith.addf %scan3A_270, %gather3A_338 : vector<16xf32>
        scf.yield %add3A_359, %add3A_360, %add3A_361, %add3A_362 : vector<16xf32>, vector<16xf32>, vector<16xf32>, vector<16xf32>
      }
      scf.yield %cond3A_358#0, %cond3A_358#1, %cond3A_358#2, %cond3A_358#3 : vector<16xf32>, vector<16xf32>, vector<16xf32>, vector<16xf32>
    }
    %scan3A_27 = arith.constant 312 : i32
    %get3A = arith.constant 4976 : index
    %get3A_28 = tpu.vector_load %arg12[%get3A] {strides = array<i32>} : memref<5008xi32, #tpu.memory_space<vmem>>, vector<16xi32>,
    %mul3A_29 = arith.constant 4 : i32
    %mul3A_30 = vector.broadcast %mul3A_29 : i32 to vector<16xi32>
    %mul3A_31 = arith.muli %get3A_28, %mul3A_30 : vector<16xi32>
    %reduce_sum3A = arith.constant true
    %reduce_sum3A_32 = vector.broadcast %reduce_sum3A : i1 to vector<16xi1>
    %reduce_sum3A_33 = tpu.scan <sum>, %scan3A_26#0 masked %reduce_sum3A_32 : vector<16xf32>, vector<16xi1> -> vector<16xf32>
    %reduce_sum3A_34 = vector.extract %reduce_sum3A_33[15] : f32 from vector<16xf32>
    %broadcast_in_dim3A_35 = vector.broadcast %reduce_sum3A_34 : f32 to vector<16xf32>
    tpu.vector_store_idx %arg15[%mul3A_31], %broadcast_in_dim3A_35 masked %eq3A_14 {add = true} : memref<2048xf32, #tpu.memory_space<vmem>>[vector<16xi32>], vector<16xf32>, vector<16xi1>
    %reduce_sum3A_36 = arith.constant true
    %reduce_sum3A_37 = vector.broadcast %reduce_sum3A_36 : i1 to vector<16xi1>
    %reduce_sum3A_38 = tpu.scan <sum>, %scan3A_26#1 masked %reduce_sum3A_37 : vector<16xf32>, vector<16xi1> -> vector<16xf32>
    %reduce_sum3A_39 = vector.extract %reduce_sum3A_38[15] : f32 from vector<16xf32>
    %broadcast_in_dim3A_40 = vector.broadcast %reduce_sum3A_39 : f32 to vector<16xf32>
    %add3A_41 = arith.constant 1 : i32
    %add3A_42 = vector.broadcast %add3A_41 : i32 to vector<16xi32>
    %add3A_43 = arith.addi %mul3A_31, %add3A_42 : vector<16xi32>
    tpu.vector_store_idx %arg15[%add3A_43], %broadcast_in_dim3A_40 masked %eq3A_14 {add = true} : memref<2048xf32, #tpu.memory_space<vmem>>[vector<16xi32>], vector<16xf32>, vector<16xi1>
    %reduce_sum3A_44 = arith.constant true
    %reduce_sum3A_45 = vector.broadcast %reduce_sum3A_44 : i1 to vector<16xi1>
    %reduce_sum3A_46 = tpu.scan <sum>, %scan3A_26#2 masked %reduce_sum3A_45 : vector<16xf32>, vector<16xi1> -> vector<16xf32>
    %reduce_sum3A_47 = vector.extract %reduce_sum3A_46[15] : f32 from vector<16xf32>
    %broadcast_in_dim3A_48 = vector.broadcast %reduce_sum3A_47 : f32 to vector<16xf32>
    %add3A_49 = arith.constant 2 : i32
    %add3A_50 = vector.broadcast %add3A_49 : i32 to vector<16xi32>
    %add3A_51 = arith.addi %mul3A_31, %add3A_50 : vector<16xi32>
    tpu.vector_store_idx %arg15[%add3A_51], %broadcast_in_dim3A_48 masked %eq3A_14 {add = true} : memref<2048xf32, #tpu.memory_space<vmem>>[vector<16xi32>], vector<16xf32>, vector<16xi1>
    %reduce_sum3A_52 = arith.constant true
    %reduce_sum3A_53 = vector.broadcast %reduce_sum3A_52 : i1 to vector<16xi1>
    %reduce_sum3A_54 = tpu.scan <sum>, %scan3A_26#3 masked %reduce_sum3A_53 : vector<16xf32>, vector<16xi1> -> vector<16xf32>
    %reduce_sum3A_55 = vector.extract %reduce_sum3A_54[15] : f32 from vector<16xf32>
    %broadcast_in_dim3A_56 = vector.broadcast %reduce_sum3A_55 : f32 to vector<16xf32>
    %add3A_57 = arith.constant 3 : i32
    %add3A_58 = vector.broadcast %add3A_57 : i32 to vector<16xi32>
    %add3A_59 = arith.addi %mul3A_31, %add3A_58 : vector<16xi32>
    tpu.vector_store_idx %arg15[%add3A_59], %broadcast_in_dim3A_56 masked %eq3A_14 {add = true} : memref<2048xf32, #tpu.memory_space<vmem>>[vector<16xi32>], vector<16xf32>, vector<16xi1>
    %mul3A_60 = arith.constant 4 : i32
    %mul3A_61 = arith.muli %multiple_of3A, %mul3A_60 : i32
    %multiple_of3A_62 = tpu.assume_multiple %mul3A_61, 8 : i32
    "tpu.region"() ({
      %run_scoped3A = tpu.sem_alloc : memref<!tpu.dma_semaphore, #tpu.memory_space<semaphore_mem>>
      %dma_start3A = arith.constant 0 : i32
      %dma_start3A_266 = tpu.memref_slice %arg13[%dma_start3A] : memref<19968xf32, #tpu.memory_space<vmem>> -> memref<19968xf32, #tpu.memory_space<vmem>>
      %dma_start3A_267 = tpu.memref_slice %arg6[%multiple_of3A_62] : memref<3200000xf32, #tpu.memory_space<hbm>> -> memref<19968xf32, #tpu.memory_space<hbm>>
      %dma_start3A_268 = tpu.memref_slice %arg6[%multiple_of3A_62] : memref<3200000xf32, #tpu.memory_space<hbm>> -> memref<19968xf32, #tpu.memory_space<hbm>>
      %dma_start3A_269 = arith.constant 0 : i32
      %dma_start3A_270 = tpu.memref_slice %arg13[%dma_start3A_269] : memref<19968xf32, #tpu.memory_space<vmem>> -> memref<19968xf32, #tpu.memory_space<vmem>>
      tpu.enqueue_dma source(%dma_start3A_270 : memref<19968xf32, #tpu.memory_space<vmem>>) target(%dma_start3A_268 : memref<19968xf32, #tpu.memory_space<hbm>>) target_semaphore(%run_scoped3A : memref<!tpu.dma_semaphore, #tpu.memory_space<semaphore_mem>>)
      %dma_wait3A = arith.constant 0 : i32
      %dma_wait3A_271 = tpu.memref_slice %arg13[%dma_wait3A] : memref<19968xf32, #tpu.memory_space<vmem>> -> memref<19968xf32, #tpu.memory_space<vmem>>
      %dma_wait3A_272 = tpu.memref_slice %arg6[%multiple_of3A_62] : memref<3200000xf32, #tpu.memory_space<hbm>> -> memref<19968xf32, #tpu.memory_space<hbm>>
      %dma_wait3A_273 = tpu.memref_slice %arg6[%multiple_of3A_62] : memref<3200000xf32, #tpu.memory_space<hbm>> -> memref<19968xf32, #tpu.memory_space<hbm>>
      %dma_wait3A_274 = arith.constant 0 : i32
      %dma_wait3A_275 = tpu.memref_slice %arg13[%dma_wait3A_274] : memref<19968xf32, #tpu.memory_space<vmem>> -> memref<19968xf32, #tpu.memory_space<vmem>>
      tpu.wait_dma2 semaphore(%run_scoped3A : memref<!tpu.dma_semaphore, #tpu.memory_space<semaphore_mem>>) src(%dma_wait3A_275 : memref<19968xf32, #tpu.memory_space<vmem>>) dst(%dma_wait3A_273 : memref<19968xf32, #tpu.memory_space<hbm>>)
      tpu.yield
    }) : () -> ()
    "tpu.region"() ({
      %run_scoped3A = tpu.sem_alloc : memref<!tpu.dma_semaphore, #tpu.memory_space<semaphore_mem>>
      %dma_start3A = arith.constant 0 : i32
      %dma_start3A_266 = tpu.memref_slice %arg14[%dma_start3A] : memref<19968xi32, #tpu.memory_space<vmem>> -> memref<19968xi32, #tpu.memory_space<vmem>>
      %dma_start3A_267 = tpu.memref_slice %arg7[%multiple_of3A_62] : memref<3200000xi32, #tpu.memory_space<hbm>> -> memref<19968xi32, #tpu.memory_space<hbm>>
      %dma_start3A_268 = tpu.memref_slice %arg7[%multiple_of3A_62] : memref<3200000xi32, #tpu.memory_space<hbm>> -> memref<19968xi32, #tpu.memory_space<hbm>>
      %dma_start3A_269 = arith.constant 0 : i32
      %dma_start3A_270 = tpu.memref_slice %arg14[%dma_start3A_269] : memref<19968xi32, #tpu.memory_space<vmem>> -> memref<19968xi32, #tpu.memory_space<vmem>>
      tpu.enqueue_dma source(%dma_start3A_270 : memref<19968xi32, #tpu.memory_space<vmem>>) target(%dma_start3A_268 : memref<19968xi32, #tpu.memory_space<hbm>>) target_semaphore(%run_scoped3A : memref<!tpu.dma_semaphore, #tpu.memory_space<semaphore_mem>>)
      %dma_wait3A = arith.constant 0 : i32
      %dma_wait3A_271 = tpu.memref_slice %arg14[%dma_wait3A] : memref<19968xi32, #tpu.memory_space<vmem>> -> memref<19968xi32, #tpu.memory_space<vmem>>
      %dma_wait3A_272 = tpu.memref_slice %arg7[%multiple_of3A_62] : memref<3200000xi32, #tpu.memory_space<hbm>> -> memref<19968xi32, #tpu.memory_space<hbm>>
      %dma_wait3A_273 = tpu.memref_slice %arg7[%multiple_of3A_62] : memref<3200000xi32, #tpu.memory_space<hbm>> -> memref<19968xi32, #tpu.memory_space<hbm>>
      %dma_wait3A_274 = arith.constant 0 : i32
      %dma_wait3A_275 = tpu.memref_slice %arg14[%dma_wait3A_274] : memref<19968xi32, #tpu.memory_space<vmem>> -> memref<19968xi32, #tpu.memory_space<vmem>>
      tpu.wait_dma2 semaphore(%run_scoped3A : memref<!tpu.dma_semaphore, #tpu.memory_space<semaphore_mem>>) src(%dma_wait3A_275 : memref<19968xi32, #tpu.memory_space<vmem>>) dst(%dma_wait3A_273 : memref<19968xi32, #tpu.memory_space<hbm>>)
      tpu.yield
    }) : () -> ()
    %add3A_63 = arith.constant 4992 : i32
    %add3A_64 = arith.addi %mul3A_6, %add3A_63 : i32
    %multiple_of3A_65 = tpu.assume_multiple %add3A_64, 8 : i32
    "tpu.region"() ({
      %run_scoped3A = tpu.sem_alloc : memref<!tpu.dma_semaphore, #tpu.memory_space<semaphore_mem>>
      %dma_start3A = arith.constant 0 : i32
      %dma_start3A_266 = tpu.memref_slice %arg11[%dma_start3A] : memref<5008xi32, #tpu.memory_space<vmem>> -> memref<4992xi32, #tpu.memory_space<vmem>>
      %dma_start3A_267 = tpu.memref_slice %arg2[%multiple_of3A_65] : memref<800000xi32, #tpu.memory_space<hbm>> -> memref<4992xi32, #tpu.memory_space<hbm>>
      %dma_start3A_268 = arith.constant 0 : i32
      %dma_start3A_269 = tpu.memref_slice %arg11[%dma_start3A_268] : memref<5008xi32, #tpu.memory_space<vmem>> -> memref<4992xi32, #tpu.memory_space<vmem>>
      %dma_start3A_270 = tpu.memref_slice %arg2[%multiple_of3A_65] : memref<800000xi32, #tpu.memory_space<hbm>> -> memref<4992xi32, #tpu.memory_space<hbm>>
      tpu.enqueue_dma source(%dma_start3A_270 : memref<4992xi32, #tpu.memory_space<hbm>>) target(%dma_start3A_269 : memref<4992xi32, #tpu.memory_space<vmem>>) target_semaphore(%run_scoped3A : memref<!tpu.dma_semaphore, #tpu.memory_space<semaphore_mem>>)
      %dma_wait3A = arith.constant 0 : i32
      %dma_wait3A_271 = tpu.memref_slice %arg11[%dma_wait3A] : memref<5008xi32, #tpu.memory_space<vmem>> -> memref<4992xi32, #tpu.memory_space<vmem>>
      %dma_wait3A_272 = tpu.memref_slice %arg2[%multiple_of3A_65] : memref<800000xi32, #tpu.memory_space<hbm>> -> memref<4992xi32, #tpu.memory_space<hbm>>
      %dma_wait3A_273 = arith.constant 0 : i32
      %dma_wait3A_274 = tpu.memref_slice %arg11[%dma_wait3A_273] : memref<5008xi32, #tpu.memory_space<vmem>> -> memref<4992xi32, #tpu.memory_space<vmem>>
      %dma_wait3A_275 = tpu.memref_slice %arg2[%multiple_of3A_65] : memref<800000xi32, #tpu.memory_space<hbm>> -> memref<4992xi32, #tpu.memory_space<hbm>>
      tpu.wait_dma2 semaphore(%run_scoped3A : memref<!tpu.dma_semaphore, #tpu.memory_space<semaphore_mem>>) src(%dma_wait3A_275 : memref<4992xi32, #tpu.memory_space<hbm>>) dst(%dma_wait3A_274 : memref<4992xi32, #tpu.memory_space<vmem>>)
      tpu.yield
    }) : () -> ()
    "tpu.region"() ({
      %run_scoped3A = tpu.sem_alloc : memref<!tpu.dma_semaphore, #tpu.memory_space<semaphore_mem>>
      %dma_start3A = arith.constant 0 : i32
      %dma_start3A_266 = tpu.memref_slice %arg12[%dma_start3A] : memref<5008xi32, #tpu.memory_space<vmem>> -> memref<4992xi32, #tpu.memory_space<vmem>>
      %dma_start3A_267 = tpu.memref_slice %arg3[%multiple_of3A_65] : memref<800000xi32, #tpu.memory_space<hbm>> -> memref<4992xi32, #tpu.memory_space<hbm>>
      %dma_start3A_268 = arith.constant 0 : i32
      %dma_start3A_269 = tpu.memref_slice %arg12[%dma_start3A_268] : memref<5008xi32, #tpu.memory_space<vmem>> -> memref<4992xi32, #tpu.memory_space<vmem>>
      %dma_start3A_270 = tpu.memref_slice %arg3[%multiple_of3A_65] : memref<800000xi32, #tpu.memory_space<hbm>> -> memref<4992xi32, #tpu.memory_space<hbm>>
      tpu.enqueue_dma source(%dma_start3A_270 : memref<4992xi32, #tpu.memory_space<hbm>>) target(%dma_start3A_269 : memref<4992xi32, #tpu.memory_space<vmem>>) target_semaphore(%run_scoped3A : memref<!tpu.dma_semaphore, #tpu.memory_space<semaphore_mem>>)
      %dma_wait3A = arith.constant 0 : i32
      %dma_wait3A_271 = tpu.memref_slice %arg12[%dma_wait3A] : memref<5008xi32, #tpu.memory_space<vmem>> -> memref<4992xi32, #tpu.memory_space<vmem>>
      %dma_wait3A_272 = tpu.memref_slice %arg3[%multiple_of3A_65] : memref<800000xi32, #tpu.memory_space<hbm>> -> memref<4992xi32, #tpu.memory_space<hbm>>
      %dma_wait3A_273 = arith.constant 0 : i32
      %dma_wait3A_274 = tpu.memref_slice %arg12[%dma_wait3A_273] : memref<5008xi32, #tpu.memory_space<vmem>> -> memref<4992xi32, #tpu.memory_space<vmem>>
      %dma_wait3A_275 = tpu.memref_slice %arg3[%multiple_of3A_65] : memref<800000xi32, #tpu.memory_space<hbm>> -> memref<4992xi32, #tpu.memory_space<hbm>>
      tpu.wait_dma2 semaphore(%run_scoped3A : memref<!tpu.dma_semaphore, #tpu.memory_space<semaphore_mem>>) src(%dma_wait3A_275 : memref<4992xi32, #tpu.memory_space<hbm>>) dst(%dma_wait3A_274 : memref<4992xi32, #tpu.memory_space<vmem>>)
      tpu.yield
    }) : () -> ()
    %broadcast_in_dim3A_66 = arith.constant 2147483647 : i32
    %broadcast_in_dim3A_67 = vector.broadcast %broadcast_in_dim3A_66 : i32 to vector<16xi32>
    %swap3A_68 = arith.constant 4992 : index
    %swap3A_69 = tpu.vector_load %arg12[%swap3A_68] {strides = array<i32>} : memref<5008xi32, #tpu.memory_space<vmem>>, vector<16xi32>,
    tpu.vector_store %arg12[%swap3A_68], %broadcast_in_dim3A_67 {strides = array<i32>} : memref<5008xi32, #tpu.memory_space<vmem>>, vector<16xi32>,
    %scan3A_70 = arith.constant 0 : i32
    %scan3A_71 = arith.constant 312 : i32
    %scan3A_72 = arith.addi %scan3A_70, %scan3A_71 : i32
    %scan3A_73 = arith.constant 1 : i32
    %scan3A_74:4 = scf.for %scan3A_266 = %scan3A_70 to %scan3A_72 step %scan3A_73 iter_args(%scan3A_267 = %broadcast_in_dim3A_7, %scan3A_268 = %broadcast_in_dim3A_7, %scan3A_269 = %broadcast_in_dim3A_7, %scan3A_270 = %broadcast_in_dim3A_7) -> (vector<16xf32>, vector<16xf32>, vector<16xf32>, vector<16xf32>)  : i32 {
      %mul3A_271 = arith.constant 16 : i32
      %mul3A_272 = arith.muli %scan3A_266, %mul3A_271 : i32
      %get3A_273 = arith.index_cast %mul3A_272 : i32 to index
      %get3A_274 = tpu.vector_load %arg11[%get3A_273] {strides = array<i32>} : memref<5008xi32, #tpu.memory_space<vmem>>, vector<16xi32>,
      %get3A_275 = arith.index_cast %mul3A_272 : i32 to index
      %get3A_276 = tpu.vector_load %arg12[%get3A_275] {strides = array<i32>} : memref<5008xi32, #tpu.memory_space<vmem>>, vector<16xi32>,
      %add3A_277 = arith.constant 1 : i32
      %add3A_278 = arith.addi %mul3A_272, %add3A_277 : i32
      %get3A_279 = arith.index_cast %add3A_278 : i32 to index
      %get3A_280 = tpu.vector_load %arg12[%get3A_279] {strides = array<i32>} : memref<5008xi32, #tpu.memory_space<vmem>>, vector<16xi32>,
      %ne3A = arith.cmpi ne, %get3A_276, %get3A_280 : vector<16xi32>
      %and3A = arith.andi %ne3A, %lt3A_16 : vector<16xi1>
      %mul3A_281 = arith.constant 4 : i32
      %mul3A_282 = vector.broadcast %mul3A_281 : i32 to vector<16xi32>
      %mul3A_283 = arith.muli %get3A_274, %mul3A_282 : vector<16xi32>
      %shift_right_arithmetic3A = arith.constant 7 : i32
      %shift_right_arithmetic3A_284 = arith.shrsi %mul3A_272, %shift_right_arithmetic3A : i32
      %shift_left3A = arith.constant 9 : i32
      %shift_left3A_285 = arith.shli %shift_right_arithmetic3A_284, %shift_left3A : i32
      %and3A_286 = arith.constant 127 : i32
      %and3A_287 = arith.andi %mul3A_272, %and3A_286 : i32
      %add3A_288 = arith.addi %shift_left3A_285, %and3A_287 : i32
      %gather3A = tpu.vector_load_idx %arg9[%mul3A_283] : memref<512xf32, #tpu.memory_space<vmem>>[vector<16xi32>], vector<16xf32>,
      %gather3A_289 = tpu.vector_load_idx %arg10[%mul3A_283] : memref<512xf32, #tpu.memory_space<vmem>>[vector<16xi32>], vector<16xf32>,
      %add3A_290 = arith.constant 0 : i32
      %add3A_291 = arith.addi %add3A_288, %add3A_290 : i32
      %swap3A_292 = arith.index_cast %add3A_291 : i32 to index
      %swap3A_293 = tpu.vector_load %arg13[%swap3A_292] {strides = array<i32>} : memref<19968xf32, #tpu.memory_space<vmem>>, vector<16xf32>,
      tpu.vector_store %arg13[%swap3A_292], %gather3A_289 {strides = array<i32>} : memref<19968xf32, #tpu.memory_space<vmem>>, vector<16xf32>,
      %bitcast3A = vector.bitcast %gather3A_289 : vector<16xf32> to vector<16xi32>
      %and3A_294 = arith.constant 7 : i32
      %and3A_295 = vector.broadcast %and3A_294 : i32 to vector<16xi32>
      %and3A_296 = arith.andi %bitcast3A, %and3A_295 : vector<16xi32>
      %add3A_297 = arith.constant 0 : i32
      %add3A_298 = arith.addi %add3A_288, %add3A_297 : i32
      %swap3A_299 = arith.index_cast %add3A_298 : i32 to index
      %swap3A_300 = tpu.vector_load %arg14[%swap3A_299] {strides = array<i32>} : memref<19968xi32, #tpu.memory_space<vmem>>, vector<16xi32>,
      tpu.vector_store %arg14[%swap3A_299], %and3A_296 {strides = array<i32>} : memref<19968xi32, #tpu.memory_space<vmem>>, vector<16xi32>,
      %add3A_301 = arith.constant 1 : i32
      %add3A_302 = vector.broadcast %add3A_301 : i32 to vector<16xi32>
      %add3A_303 = arith.addi %mul3A_283, %add3A_302 : vector<16xi32>
      %gather3A_304 = tpu.vector_load_idx %arg9[%add3A_303] : memref<512xf32, #tpu.memory_space<vmem>>[vector<16xi32>], vector<16xf32>,
      %gather3A_305 = tpu.vector_load_idx %arg10[%add3A_303] : memref<512xf32, #tpu.memory_space<vmem>>[vector<16xi32>], vector<16xf32>,
      %add3A_306 = arith.constant 128 : i32
      %add3A_307 = arith.addi %add3A_288, %add3A_306 : i32
      %swap3A_308 = arith.index_cast %add3A_307 : i32 to index
      %swap3A_309 = tpu.vector_load %arg13[%swap3A_308] {strides = array<i32>} : memref<19968xf32, #tpu.memory_space<vmem>>, vector<16xf32>,
      tpu.vector_store %arg13[%swap3A_308], %gather3A_305 {strides = array<i32>} : memref<19968xf32, #tpu.memory_space<vmem>>, vector<16xf32>,
      %bitcast3A_310 = vector.bitcast %gather3A_305 : vector<16xf32> to vector<16xi32>
      %and3A_311 = arith.constant 7 : i32
      %and3A_312 = vector.broadcast %and3A_311 : i32 to vector<16xi32>
      %and3A_313 = arith.andi %bitcast3A_310, %and3A_312 : vector<16xi32>
      %add3A_314 = arith.constant 128 : i32
      %add3A_315 = arith.addi %add3A_288, %add3A_314 : i32
      %swap3A_316 = arith.index_cast %add3A_315 : i32 to index
      %swap3A_317 = tpu.vector_load %arg14[%swap3A_316] {strides = array<i32>} : memref<19968xi32, #tpu.memory_space<vmem>>, vector<16xi32>,
      tpu.vector_store %arg14[%swap3A_316], %and3A_313 {strides = array<i32>} : memref<19968xi32, #tpu.memory_space<vmem>>, vector<16xi32>,
      %add3A_318 = arith.constant 2 : i32
      %add3A_319 = vector.broadcast %add3A_318 : i32 to vector<16xi32>
      %add3A_320 = arith.addi %mul3A_283, %add3A_319 : vector<16xi32>
      %gather3A_321 = tpu.vector_load_idx %arg9[%add3A_320] : memref<512xf32, #tpu.memory_space<vmem>>[vector<16xi32>], vector<16xf32>,
      %gather3A_322 = tpu.vector_load_idx %arg10[%add3A_320] : memref<512xf32, #tpu.memory_space<vmem>>[vector<16xi32>], vector<16xf32>,
      %add3A_323 = arith.constant 256 : i32
      %add3A_324 = arith.addi %add3A_288, %add3A_323 : i32
      %swap3A_325 = arith.index_cast %add3A_324 : i32 to index
      %swap3A_326 = tpu.vector_load %arg13[%swap3A_325] {strides = array<i32>} : memref<19968xf32, #tpu.memory_space<vmem>>, vector<16xf32>,
      tpu.vector_store %arg13[%swap3A_325], %gather3A_322 {strides = array<i32>} : memref<19968xf32, #tpu.memory_space<vmem>>, vector<16xf32>,
      %bitcast3A_327 = vector.bitcast %gather3A_322 : vector<16xf32> to vector<16xi32>
      %and3A_328 = arith.constant 7 : i32
      %and3A_329 = vector.broadcast %and3A_328 : i32 to vector<16xi32>
      %and3A_330 = arith.andi %bitcast3A_327, %and3A_329 : vector<16xi32>
      %add3A_331 = arith.constant 256 : i32
      %add3A_332 = arith.addi %add3A_288, %add3A_331 : i32
      %swap3A_333 = arith.index_cast %add3A_332 : i32 to index
      %swap3A_334 = tpu.vector_load %arg14[%swap3A_333] {strides = array<i32>} : memref<19968xi32, #tpu.memory_space<vmem>>, vector<16xi32>,
      tpu.vector_store %arg14[%swap3A_333], %and3A_330 {strides = array<i32>} : memref<19968xi32, #tpu.memory_space<vmem>>, vector<16xi32>,
      %add3A_335 = arith.constant 3 : i32
      %add3A_336 = vector.broadcast %add3A_335 : i32 to vector<16xi32>
      %add3A_337 = arith.addi %mul3A_283, %add3A_336 : vector<16xi32>
      %gather3A_338 = tpu.vector_load_idx %arg9[%add3A_337] : memref<512xf32, #tpu.memory_space<vmem>>[vector<16xi32>], vector<16xf32>,
      %gather3A_339 = tpu.vector_load_idx %arg10[%add3A_337] : memref<512xf32, #tpu.memory_space<vmem>>[vector<16xi32>], vector<16xf32>,
      %add3A_340 = arith.constant 384 : i32
      %add3A_341 = arith.addi %add3A_288, %add3A_340 : i32
      %swap3A_342 = arith.index_cast %add3A_341 : i32 to index
      %swap3A_343 = tpu.vector_load %arg13[%swap3A_342] {strides = array<i32>} : memref<19968xf32, #tpu.memory_space<vmem>>, vector<16xf32>,
      tpu.vector_store %arg13[%swap3A_342], %gather3A_339 {strides = array<i32>} : memref<19968xf32, #tpu.memory_space<vmem>>, vector<16xf32>,
      %bitcast3A_344 = vector.bitcast %gather3A_339 : vector<16xf32> to vector<16xi32>
      %and3A_345 = arith.constant 7 : i32
      %and3A_346 = vector.broadcast %and3A_345 : i32 to vector<16xi32>
      %and3A_347 = arith.andi %bitcast3A_344, %and3A_346 : vector<16xi32>
      %add3A_348 = arith.constant 384 : i32
      %add3A_349 = arith.addi %add3A_288, %add3A_348 : i32
      %swap3A_350 = arith.index_cast %add3A_349 : i32 to index
      %swap3A_351 = tpu.vector_load %arg14[%swap3A_350] {strides = array<i32>} : memref<19968xi32, #tpu.memory_space<vmem>>, vector<16xi32>,
      tpu.vector_store %arg14[%swap3A_350], %and3A_347 {strides = array<i32>} : memref<19968xi32, #tpu.memory_space<vmem>>, vector<16xi32>,
      %slice3A = vector.extract_strided_slice %get3A_276 {offsets = [0], sizes = [1], strides = [1]} : vector<16xi32> to vector<1xi32>
      %squeeze3A = vector.extract %slice3A[0] : i32 from vector<1xi32>
      %slice3A_352 = vector.extract_strided_slice %get3A_280 {offsets = [15], sizes = [1], strides = [1]} : vector<16xi32> to vector<1xi32>
      %squeeze3A_353 = vector.extract %slice3A_352[0] : i32 from vector<1xi32>
      %ne3A_354 = arith.cmpi ne, %squeeze3A, %squeeze3A_353 : i32
      %convert_element_type3A_355 = arith.extui %ne3A_354 : i1 to i32
      %cond3A_356 = arith.constant 0 : i32
      %cond3A_357 = arith.cmpi ne, %convert_element_type3A_355, %cond3A_356 : i32
      %cond3A_358:4 = scf.if %cond3A_357 -> (vector<16xf32>, vector<16xf32>, vector<16xf32>, vector<16xf32>) {
        %mul3A_359 = arith.constant 4 : i32
        %mul3A_360 = vector.broadcast %mul3A_359 : i32 to vector<16xi32>
        %mul3A_361 = arith.muli %get3A_276, %mul3A_360 : vector<16xi32>
        %jit3A = arith.constant 0 : i32
        %broadcast_in_dim3A_362 = vector.broadcast %jit3A : i32 to vector<16xi32>
        %select_n3A = arith.select %and3A, %get3A_280, %broadcast_in_dim3A_362 : vector<16xi1>, vector<16xi32>
        %mul3A_363 = arith.constant 4 : i32
        %mul3A_364 = vector.broadcast %mul3A_363 : i32 to vector<16xi32>
        %mul3A_365 = arith.muli %select_n3A, %mul3A_364 : vector<16xi32>
        %or3A = arith.ori %and3A, %eq3A_14 : vector<16xi1>
        %broadcast_in_dim3A_366 = arith.constant true
        %broadcast_in_dim3A_367 = vector.broadcast %broadcast_in_dim3A_366 : i1 to vector<16xi1>
        %masked_cumsum3A = tpu.scan <sum>, %gather3A masked %broadcast_in_dim3A_367 : vector<16xf32>, vector<16xi1> -> vector<16xf32>
        %reduce_sum3A_368 = arith.constant true
        %reduce_sum3A_369 = vector.broadcast %reduce_sum3A_368 : i1 to vector<16xi1>
        %reduce_sum3A_370 = tpu.scan <sum>, %scan3A_267 masked %reduce_sum3A_369 : vector<16xf32>, vector<16xi1> -> vector<16xf32>
        %reduce_sum3A_371 = vector.extract %reduce_sum3A_370[15] : f32 from vector<16xf32>
        %add3A_372 = vector.broadcast %reduce_sum3A_371 : f32 to vector<16xf32>
        %add3A_373 = arith.addf %masked_cumsum3A, %add3A_372 : vector<16xf32>
        tpu.vector_store_idx %arg15[%mul3A_361], %add3A_373 masked %or3A {add = true} : memref<2048xf32, #tpu.memory_space<vmem>>[vector<16xi32>], vector<16xf32>, vector<16xi1>
        %neg3A = arith.constant 0.000000e+00 : f32
        %neg3A_374 = vector.broadcast %neg3A : f32 to vector<16xf32>
        %neg3A_375 = arith.subf %neg3A_374, %add3A_373 : vector<16xf32>
        tpu.vector_store_idx %arg15[%mul3A_365], %neg3A_375 masked %and3A {add = true} : memref<2048xf32, #tpu.memory_space<vmem>>[vector<16xi32>], vector<16xf32>, vector<16xi1>
        %broadcast_in_dim3A_376 = arith.constant true
        %broadcast_in_dim3A_377 = vector.broadcast %broadcast_in_dim3A_376 : i1 to vector<16xi1>
        %masked_cumsum3A_378 = tpu.scan <sum>, %gather3A_304 masked %broadcast_in_dim3A_377 : vector<16xf32>, vector<16xi1> -> vector<16xf32>
        %reduce_sum3A_379 = arith.constant true
        %reduce_sum3A_380 = vector.broadcast %reduce_sum3A_379 : i1 to vector<16xi1>
        %reduce_sum3A_381 = tpu.scan <sum>, %scan3A_268 masked %reduce_sum3A_380 : vector<16xf32>, vector<16xi1> -> vector<16xf32>
        %reduce_sum3A_382 = vector.extract %reduce_sum3A_381[15] : f32 from vector<16xf32>
        %add3A_383 = vector.broadcast %reduce_sum3A_382 : f32 to vector<16xf32>
        %add3A_384 = arith.addf %masked_cumsum3A_378, %add3A_383 : vector<16xf32>
        %add3A_385 = arith.constant 1 : i32
        %add3A_386 = vector.broadcast %add3A_385 : i32 to vector<16xi32>
        %add3A_387 = arith.addi %mul3A_361, %add3A_386 : vector<16xi32>
        %add3A_388 = arith.constant 1 : i32
        %add3A_389 = vector.broadcast %add3A_388 : i32 to vector<16xi32>
        %add3A_390 = arith.addi %mul3A_365, %add3A_389 : vector<16xi32>
        tpu.vector_store_idx %arg15[%add3A_387], %add3A_384 masked %or3A {add = true} : memref<2048xf32, #tpu.memory_space<vmem>>[vector<16xi32>], vector<16xf32>, vector<16xi1>
        %neg3A_391 = arith.constant 0.000000e+00 : f32
        %neg3A_392 = vector.broadcast %neg3A_391 : f32 to vector<16xf32>
        %neg3A_393 = arith.subf %neg3A_392, %add3A_384 : vector<16xf32>
        tpu.vector_store_idx %arg15[%add3A_390], %neg3A_393 masked %and3A {add = true} : memref<2048xf32, #tpu.memory_space<vmem>>[vector<16xi32>], vector<16xf32>, vector<16xi1>
        %broadcast_in_dim3A_394 = arith.constant true
        %broadcast_in_dim3A_395 = vector.broadcast %broadcast_in_dim3A_394 : i1 to vector<16xi1>
        %masked_cumsum3A_396 = tpu.scan <sum>, %gather3A_321 masked %broadcast_in_dim3A_395 : vector<16xf32>, vector<16xi1> -> vector<16xf32>
        %reduce_sum3A_397 = arith.constant true
        %reduce_sum3A_398 = vector.broadcast %reduce_sum3A_397 : i1 to vector<16xi1>
        %reduce_sum3A_399 = tpu.scan <sum>, %scan3A_269 masked %reduce_sum3A_398 : vector<16xf32>, vector<16xi1> -> vector<16xf32>
        %reduce_sum3A_400 = vector.extract %reduce_sum3A_399[15] : f32 from vector<16xf32>
        %add3A_401 = vector.broadcast %reduce_sum3A_400 : f32 to vector<16xf32>
        %add3A_402 = arith.addf %masked_cumsum3A_396, %add3A_401 : vector<16xf32>
        %add3A_403 = arith.constant 2 : i32
        %add3A_404 = vector.broadcast %add3A_403 : i32 to vector<16xi32>
        %add3A_405 = arith.addi %mul3A_361, %add3A_404 : vector<16xi32>
        %add3A_406 = arith.constant 2 : i32
        %add3A_407 = vector.broadcast %add3A_406 : i32 to vector<16xi32>
        %add3A_408 = arith.addi %mul3A_365, %add3A_407 : vector<16xi32>
        tpu.vector_store_idx %arg15[%add3A_405], %add3A_402 masked %or3A {add = true} : memref<2048xf32, #tpu.memory_space<vmem>>[vector<16xi32>], vector<16xf32>, vector<16xi1>
        %neg3A_409 = arith.constant 0.000000e+00 : f32
        %neg3A_410 = vector.broadcast %neg3A_409 : f32 to vector<16xf32>
        %neg3A_411 = arith.subf %neg3A_410, %add3A_402 : vector<16xf32>
        tpu.vector_store_idx %arg15[%add3A_408], %neg3A_411 masked %and3A {add = true} : memref<2048xf32, #tpu.memory_space<vmem>>[vector<16xi32>], vector<16xf32>, vector<16xi1>
        %broadcast_in_dim3A_412 = arith.constant true
        %broadcast_in_dim3A_413 = vector.broadcast %broadcast_in_dim3A_412 : i1 to vector<16xi1>
        %masked_cumsum3A_414 = tpu.scan <sum>, %gather3A_338 masked %broadcast_in_dim3A_413 : vector<16xf32>, vector<16xi1> -> vector<16xf32>
        %reduce_sum3A_415 = arith.constant true
        %reduce_sum3A_416 = vector.broadcast %reduce_sum3A_415 : i1 to vector<16xi1>
        %reduce_sum3A_417 = tpu.scan <sum>, %scan3A_270 masked %reduce_sum3A_416 : vector<16xf32>, vector<16xi1> -> vector<16xf32>
        %reduce_sum3A_418 = vector.extract %reduce_sum3A_417[15] : f32 from vector<16xf32>
        %add3A_419 = vector.broadcast %reduce_sum3A_418 : f32 to vector<16xf32>
        %add3A_420 = arith.addf %masked_cumsum3A_414, %add3A_419 : vector<16xf32>
        %add3A_421 = arith.constant 3 : i32
        %add3A_422 = vector.broadcast %add3A_421 : i32 to vector<16xi32>
        %add3A_423 = arith.addi %mul3A_361, %add3A_422 : vector<16xi32>
        %add3A_424 = arith.constant 3 : i32
        %add3A_425 = vector.broadcast %add3A_424 : i32 to vector<16xi32>
        %add3A_426 = arith.addi %mul3A_365, %add3A_425 : vector<16xi32>
        tpu.vector_store_idx %arg15[%add3A_423], %add3A_420 masked %or3A {add = true} : memref<2048xf32, #tpu.memory_space<vmem>>[vector<16xi32>], vector<16xf32>, vector<16xi1>
        %neg3A_427 = arith.constant 0.000000e+00 : f32
        %neg3A_428 = vector.broadcast %neg3A_427 : f32 to vector<16xf32>
        %neg3A_429 = arith.subf %neg3A_428, %add3A_420 : vector<16xf32>
        tpu.vector_store_idx %arg15[%add3A_426], %neg3A_429 masked %and3A {add = true} : memref<2048xf32, #tpu.memory_space<vmem>>[vector<16xi32>], vector<16xf32>, vector<16xi1>
        scf.yield %broadcast_in_dim3A_7, %broadcast_in_dim3A_7, %broadcast_in_dim3A_7, %broadcast_in_dim3A_7 : vector<16xf32>, vector<16xf32>, vector<16xf32>, vector<16xf32>
      } else {
        %add3A_359 = arith.addf %scan3A_267, %gather3A : vector<16xf32>
        %add3A_360 = arith.addf %scan3A_268, %gather3A_304 : vector<16xf32>
        %add3A_361 = arith.addf %scan3A_269, %gather3A_321 : vector<16xf32>
        %add3A_362 = arith.addf %scan3A_270, %gather3A_338 : vector<16xf32>
        scf.yield %add3A_359, %add3A_360, %add3A_361, %add3A_362 : vector<16xf32>, vector<16xf32>, vector<16xf32>, vector<16xf32>
      }
      scf.yield %cond3A_358#0, %cond3A_358#1, %cond3A_358#2, %cond3A_358#3 : vector<16xf32>, vector<16xf32>, vector<16xf32>, vector<16xf32>
    }
    %scan3A_75 = arith.constant 312 : i32
    %get3A_76 = arith.constant 4976 : index
    %get3A_77 = tpu.vector_load %arg12[%get3A_76] {strides = array<i32>} : memref<5008xi32, #tpu.memory_space<vmem>>, vector<16xi32>,
    %mul3A_78 = arith.constant 4 : i32
    %mul3A_79 = vector.broadcast %mul3A_78 : i32 to vector<16xi32>
    %mul3A_80 = arith.muli %get3A_77, %mul3A_79 : vector<16xi32>
    %reduce_sum3A_81 = arith.constant true
    %reduce_sum3A_82 = vector.broadcast %reduce_sum3A_81 : i1 to vector<16xi1>
    %reduce_sum3A_83 = tpu.scan <sum>, %scan3A_74#0 masked %reduce_sum3A_82 : vector<16xf32>, vector<16xi1> -> vector<16xf32>
    %reduce_sum3A_84 = vector.extract %reduce_sum3A_83[15] : f32 from vector<16xf32>
    %broadcast_in_dim3A_85 = vector.broadcast %reduce_sum3A_84 : f32 to vector<16xf32>
    tpu.vector_store_idx %arg15[%mul3A_80], %broadcast_in_dim3A_85 masked %eq3A_14 {add = true} : memref<2048xf32, #tpu.memory_space<vmem>>[vector<16xi32>], vector<16xf32>, vector<16xi1>
    %reduce_sum3A_86 = arith.constant true
    %reduce_sum3A_87 = vector.broadcast %reduce_sum3A_86 : i1 to vector<16xi1>
    %reduce_sum3A_88 = tpu.scan <sum>, %scan3A_74#1 masked %reduce_sum3A_87 : vector<16xf32>, vector<16xi1> -> vector<16xf32>
    %reduce_sum3A_89 = vector.extract %reduce_sum3A_88[15] : f32 from vector<16xf32>
    %broadcast_in_dim3A_90 = vector.broadcast %reduce_sum3A_89 : f32 to vector<16xf32>
    %add3A_91 = arith.constant 1 : i32
    %add3A_92 = vector.broadcast %add3A_91 : i32 to vector<16xi32>
    %add3A_93 = arith.addi %mul3A_80, %add3A_92 : vector<16xi32>
    tpu.vector_store_idx %arg15[%add3A_93], %broadcast_in_dim3A_90 masked %eq3A_14 {add = true} : memref<2048xf32, #tpu.memory_space<vmem>>[vector<16xi32>], vector<16xf32>, vector<16xi1>
    %reduce_sum3A_94 = arith.constant true
    %reduce_sum3A_95 = vector.broadcast %reduce_sum3A_94 : i1 to vector<16xi1>
    %reduce_sum3A_96 = tpu.scan <sum>, %scan3A_74#2 masked %reduce_sum3A_95 : vector<16xf32>, vector<16xi1> -> vector<16xf32>
    %reduce_sum3A_97 = vector.extract %reduce_sum3A_96[15] : f32 from vector<16xf32>
    %broadcast_in_dim3A_98 = vector.broadcast %reduce_sum3A_97 : f32 to vector<16xf32>
    %add3A_99 = arith.constant 2 : i32
    %add3A_100 = vector.broadcast %add3A_99 : i32 to vector<16xi32>
    %add3A_101 = arith.addi %mul3A_80, %add3A_100 : vector<16xi32>
    tpu.vector_store_idx %arg15[%add3A_101], %broadcast_in_dim3A_98 masked %eq3A_14 {add = true} : memref<2048xf32, #tpu.memory_space<vmem>>[vector<16xi32>], vector<16xf32>, vector<16xi1>
    %reduce_sum3A_102 = arith.constant true
    %reduce_sum3A_103 = vector.broadcast %reduce_sum3A_102 : i1 to vector<16xi1>
    %reduce_sum3A_104 = tpu.scan <sum>, %scan3A_74#3 masked %reduce_sum3A_103 : vector<16xf32>, vector<16xi1> -> vector<16xf32>
    %reduce_sum3A_105 = vector.extract %reduce_sum3A_104[15] : f32 from vector<16xf32>
    %broadcast_in_dim3A_106 = vector.broadcast %reduce_sum3A_105 : f32 to vector<16xf32>
    %add3A_107 = arith.constant 3 : i32
    %add3A_108 = vector.broadcast %add3A_107 : i32 to vector<16xi32>
    %add3A_109 = arith.addi %mul3A_80, %add3A_108 : vector<16xi32>
    tpu.vector_store_idx %arg15[%add3A_109], %broadcast_in_dim3A_106 masked %eq3A_14 {add = true} : memref<2048xf32, #tpu.memory_space<vmem>>[vector<16xi32>], vector<16xf32>, vector<16xi1>
    %mul3A_110 = arith.constant 4 : i32
    %mul3A_111 = arith.muli %multiple_of3A_65, %mul3A_110 : i32
    %multiple_of3A_112 = tpu.assume_multiple %mul3A_111, 8 : i32
    "tpu.region"() ({
      %run_scoped3A = tpu.sem_alloc : memref<!tpu.dma_semaphore, #tpu.memory_space<semaphore_mem>>
      %dma_start3A = arith.constant 0 : i32
      %dma_start3A_266 = tpu.memref_slice %arg13[%dma_start3A] : memref<19968xf32, #tpu.memory_space<vmem>> -> memref<19968xf32, #tpu.memory_space<vmem>>
      %dma_start3A_267 = tpu.memref_slice %arg6[%multiple_of3A_112] : memref<3200000xf32, #tpu.memory_space<hbm>> -> memref<19968xf32, #tpu.memory_space<hbm>>
      %dma_start3A_268 = tpu.memref_slice %arg6[%multiple_of3A_112] : memref<3200000xf32, #tpu.memory_space<hbm>> -> memref<19968xf32, #tpu.memory_space<hbm>>
      %dma_start3A_269 = arith.constant 0 : i32
      %dma_start3A_270 = tpu.memref_slice %arg13[%dma_start3A_269] : memref<19968xf32, #tpu.memory_space<vmem>> -> memref<19968xf32, #tpu.memory_space<vmem>>
      tpu.enqueue_dma source(%dma_start3A_270 : memref<19968xf32, #tpu.memory_space<vmem>>) target(%dma_start3A_268 : memref<19968xf32, #tpu.memory_space<hbm>>) target_semaphore(%run_scoped3A : memref<!tpu.dma_semaphore, #tpu.memory_space<semaphore_mem>>)
      %dma_wait3A = arith.constant 0 : i32
      %dma_wait3A_271 = tpu.memref_slice %arg13[%dma_wait3A] : memref<19968xf32, #tpu.memory_space<vmem>> -> memref<19968xf32, #tpu.memory_space<vmem>>
      %dma_wait3A_272 = tpu.memref_slice %arg6[%multiple_of3A_112] : memref<3200000xf32, #tpu.memory_space<hbm>> -> memref<19968xf32, #tpu.memory_space<hbm>>
      %dma_wait3A_273 = tpu.memref_slice %arg6[%multiple_of3A_112] : memref<3200000xf32, #tpu.memory_space<hbm>> -> memref<19968xf32, #tpu.memory_space<hbm>>
      %dma_wait3A_274 = arith.constant 0 : i32
      %dma_wait3A_275 = tpu.memref_slice %arg13[%dma_wait3A_274] : memref<19968xf32, #tpu.memory_space<vmem>> -> memref<19968xf32, #tpu.memory_space<vmem>>
      tpu.wait_dma2 semaphore(%run_scoped3A : memref<!tpu.dma_semaphore, #tpu.memory_space<semaphore_mem>>) src(%dma_wait3A_275 : memref<19968xf32, #tpu.memory_space<vmem>>) dst(%dma_wait3A_273 : memref<19968xf32, #tpu.memory_space<hbm>>)
      tpu.yield
    }) : () -> ()
    "tpu.region"() ({
      %run_scoped3A = tpu.sem_alloc : memref<!tpu.dma_semaphore, #tpu.memory_space<semaphore_mem>>
      %dma_start3A = arith.constant 0 : i32
      %dma_start3A_266 = tpu.memref_slice %arg14[%dma_start3A] : memref<19968xi32, #tpu.memory_space<vmem>> -> memref<19968xi32, #tpu.memory_space<vmem>>
      %dma_start3A_267 = tpu.memref_slice %arg7[%multiple_of3A_112] : memref<3200000xi32, #tpu.memory_space<hbm>> -> memref<19968xi32, #tpu.memory_space<hbm>>
      %dma_start3A_268 = tpu.memref_slice %arg7[%multiple_of3A_112] : memref<3200000xi32, #tpu.memory_space<hbm>> -> memref<19968xi32, #tpu.memory_space<hbm>>
      %dma_start3A_269 = arith.constant 0 : i32
      %dma_start3A_270 = tpu.memref_slice %arg14[%dma_start3A_269] : memref<19968xi32, #tpu.memory_space<vmem>> -> memref<19968xi32, #tpu.memory_space<vmem>>
      tpu.enqueue_dma source(%dma_start3A_270 : memref<19968xi32, #tpu.memory_space<vmem>>) target(%dma_start3A_268 : memref<19968xi32, #tpu.memory_space<hbm>>) target_semaphore(%run_scoped3A : memref<!tpu.dma_semaphore, #tpu.memory_space<semaphore_mem>>)
      %dma_wait3A = arith.constant 0 : i32
      %dma_wait3A_271 = tpu.memref_slice %arg14[%dma_wait3A] : memref<19968xi32, #tpu.memory_space<vmem>> -> memref<19968xi32, #tpu.memory_space<vmem>>
      %dma_wait3A_272 = tpu.memref_slice %arg7[%multiple_of3A_112] : memref<3200000xi32, #tpu.memory_space<hbm>> -> memref<19968xi32, #tpu.memory_space<hbm>>
      %dma_wait3A_273 = tpu.memref_slice %arg7[%multiple_of3A_112] : memref<3200000xi32, #tpu.memory_space<hbm>> -> memref<19968xi32, #tpu.memory_space<hbm>>
      %dma_wait3A_274 = arith.constant 0 : i32
      %dma_wait3A_275 = tpu.memref_slice %arg14[%dma_wait3A_274] : memref<19968xi32, #tpu.memory_space<vmem>> -> memref<19968xi32, #tpu.memory_space<vmem>>
      tpu.wait_dma2 semaphore(%run_scoped3A : memref<!tpu.dma_semaphore, #tpu.memory_space<semaphore_mem>>) src(%dma_wait3A_275 : memref<19968xi32, #tpu.memory_space<vmem>>) dst(%dma_wait3A_273 : memref<19968xi32, #tpu.memory_space<hbm>>)
      tpu.yield
    }) : () -> ()
    %add3A_113 = arith.constant 9984 : i32
    %add3A_114 = arith.addi %mul3A_6, %add3A_113 : i32
    %multiple_of3A_115 = tpu.assume_multiple %add3A_114, 8 : i32
    "tpu.region"() ({
      %run_scoped3A = tpu.sem_alloc : memref<!tpu.dma_semaphore, #tpu.memory_space<semaphore_mem>>
      %dma_start3A = arith.constant 0 : i32
      %dma_start3A_266 = tpu.memref_slice %arg11[%dma_start3A] : memref<5008xi32, #tpu.memory_space<vmem>> -> memref<4992xi32, #tpu.memory_space<vmem>>
      %dma_start3A_267 = tpu.memref_slice %arg2[%multiple_of3A_115] : memref<800000xi32, #tpu.memory_space<hbm>> -> memref<4992xi32, #tpu.memory_space<hbm>>
      %dma_start3A_268 = arith.constant 0 : i32
      %dma_start3A_269 = tpu.memref_slice %arg11[%dma_start3A_268] : memref<5008xi32, #tpu.memory_space<vmem>> -> memref<4992xi32, #tpu.memory_space<vmem>>
      %dma_start3A_270 = tpu.memref_slice %arg2[%multiple_of3A_115] : memref<800000xi32, #tpu.memory_space<hbm>> -> memref<4992xi32, #tpu.memory_space<hbm>>
      tpu.enqueue_dma source(%dma_start3A_270 : memref<4992xi32, #tpu.memory_space<hbm>>) target(%dma_start3A_269 : memref<4992xi32, #tpu.memory_space<vmem>>) target_semaphore(%run_scoped3A : memref<!tpu.dma_semaphore, #tpu.memory_space<semaphore_mem>>)
      %dma_wait3A = arith.constant 0 : i32
      %dma_wait3A_271 = tpu.memref_slice %arg11[%dma_wait3A] : memref<5008xi32, #tpu.memory_space<vmem>> -> memref<4992xi32, #tpu.memory_space<vmem>>
      %dma_wait3A_272 = tpu.memref_slice %arg2[%multiple_of3A_115] : memref<800000xi32, #tpu.memory_space<hbm>> -> memref<4992xi32, #tpu.memory_space<hbm>>
      %dma_wait3A_273 = arith.constant 0 : i32
      %dma_wait3A_274 = tpu.memref_slice %arg11[%dma_wait3A_273] : memref<5008xi32, #tpu.memory_space<vmem>> -> memref<4992xi32, #tpu.memory_space<vmem>>
      %dma_wait3A_275 = tpu.memref_slice %arg2[%multiple_of3A_115] : memref<800000xi32, #tpu.memory_space<hbm>> -> memref<4992xi32, #tpu.memory_space<hbm>>
      tpu.wait_dma2 semaphore(%run_scoped3A : memref<!tpu.dma_semaphore, #tpu.memory_space<semaphore_mem>>) src(%dma_wait3A_275 : memref<4992xi32, #tpu.memory_space<hbm>>) dst(%dma_wait3A_274 : memref<4992xi32, #tpu.memory_space<vmem>>)
      tpu.yield
    }) : () -> ()
    "tpu.region"() ({
      %run_scoped3A = tpu.sem_alloc : memref<!tpu.dma_semaphore, #tpu.memory_space<semaphore_mem>>
      %dma_start3A = arith.constant 0 : i32
      %dma_start3A_266 = tpu.memref_slice %arg12[%dma_start3A] : memref<5008xi32, #tpu.memory_space<vmem>> -> memref<4992xi32, #tpu.memory_space<vmem>>
      %dma_start3A_267 = tpu.memref_slice %arg3[%multiple_of3A_115] : memref<800000xi32, #tpu.memory_space<hbm>> -> memref<4992xi32, #tpu.memory_space<hbm>>
      %dma_start3A_268 = arith.constant 0 : i32
      %dma_start3A_269 = tpu.memref_slice %arg12[%dma_start3A_268] : memref<5008xi32, #tpu.memory_space<vmem>> -> memref<4992xi32, #tpu.memory_space<vmem>>
      %dma_start3A_270 = tpu.memref_slice %arg3[%multiple_of3A_115] : memref<800000xi32, #tpu.memory_space<hbm>> -> memref<4992xi32, #tpu.memory_space<hbm>>
      tpu.enqueue_dma source(%dma_start3A_270 : memref<4992xi32, #tpu.memory_space<hbm>>) target(%dma_start3A_269 : memref<4992xi32, #tpu.memory_space<vmem>>) target_semaphore(%run_scoped3A : memref<!tpu.dma_semaphore, #tpu.memory_space<semaphore_mem>>)
      %dma_wait3A = arith.constant 0 : i32
      %dma_wait3A_271 = tpu.memref_slice %arg12[%dma_wait3A] : memref<5008xi32, #tpu.memory_space<vmem>> -> memref<4992xi32, #tpu.memory_space<vmem>>
      %dma_wait3A_272 = tpu.memref_slice %arg3[%multiple_of3A_115] : memref<800000xi32, #tpu.memory_space<hbm>> -> memref<4992xi32, #tpu.memory_space<hbm>>
      %dma_wait3A_273 = arith.constant 0 : i32
      %dma_wait3A_274 = tpu.memref_slice %arg12[%dma_wait3A_273] : memref<5008xi32, #tpu.memory_space<vmem>> -> memref<4992xi32, #tpu.memory_space<vmem>>
      %dma_wait3A_275 = tpu.memref_slice %arg3[%multiple_of3A_115] : memref<800000xi32, #tpu.memory_space<hbm>> -> memref<4992xi32, #tpu.memory_space<hbm>>
      tpu.wait_dma2 semaphore(%run_scoped3A : memref<!tpu.dma_semaphore, #tpu.memory_space<semaphore_mem>>) src(%dma_wait3A_275 : memref<4992xi32, #tpu.memory_space<hbm>>) dst(%dma_wait3A_274 : memref<4992xi32, #tpu.memory_space<vmem>>)
      tpu.yield
    }) : () -> ()
    %broadcast_in_dim3A_116 = arith.constant 2147483647 : i32
    %broadcast_in_dim3A_117 = vector.broadcast %broadcast_in_dim3A_116 : i32 to vector<16xi32>
    %swap3A_118 = arith.constant 4992 : index
    %swap3A_119 = tpu.vector_load %arg12[%swap3A_118] {strides = array<i32>} : memref<5008xi32, #tpu.memory_space<vmem>>, vector<16xi32>,
    tpu.vector_store %arg12[%swap3A_118], %broadcast_in_dim3A_117 {strides = array<i32>} : memref<5008xi32, #tpu.memory_space<vmem>>, vector<16xi32>,
    %scan3A_120 = arith.constant 0 : i32
    %scan3A_121 = arith.constant 312 : i32
    %scan3A_122 = arith.addi %scan3A_120, %scan3A_121 : i32
    %scan3A_123 = arith.constant 1 : i32
    %scan3A_124:4 = scf.for %scan3A_266 = %scan3A_120 to %scan3A_122 step %scan3A_123 iter_args(%scan3A_267 = %broadcast_in_dim3A_7, %scan3A_268 = %broadcast_in_dim3A_7, %scan3A_269 = %broadcast_in_dim3A_7, %scan3A_270 = %broadcast_in_dim3A_7) -> (vector<16xf32>, vector<16xf32>, vector<16xf32>, vector<16xf32>)  : i32 {
      %mul3A_271 = arith.constant 16 : i32
      %mul3A_272 = arith.muli %scan3A_266, %mul3A_271 : i32
      %get3A_273 = arith.index_cast %mul3A_272 : i32 to index
      %get3A_274 = tpu.vector_load %arg11[%get3A_273] {strides = array<i32>} : memref<5008xi32, #tpu.memory_space<vmem>>, vector<16xi32>,
      %get3A_275 = arith.index_cast %mul3A_272 : i32 to index
      %get3A_276 = tpu.vector_load %arg12[%get3A_275] {strides = array<i32>} : memref<5008xi32, #tpu.memory_space<vmem>>, vector<16xi32>,
      %add3A_277 = arith.constant 1 : i32
      %add3A_278 = arith.addi %mul3A_272, %add3A_277 : i32
      %get3A_279 = arith.index_cast %add3A_278 : i32 to index
      %get3A_280 = tpu.vector_load %arg12[%get3A_279] {strides = array<i32>} : memref<5008xi32, #tpu.memory_space<vmem>>, vector<16xi32>,
      %ne3A = arith.cmpi ne, %get3A_276, %get3A_280 : vector<16xi32>
      %and3A = arith.andi %ne3A, %lt3A_16 : vector<16xi1>
      %mul3A_281 = arith.constant 4 : i32
      %mul3A_282 = vector.broadcast %mul3A_281 : i32 to vector<16xi32>
      %mul3A_283 = arith.muli %get3A_274, %mul3A_282 : vector<16xi32>
      %shift_right_arithmetic3A = arith.constant 7 : i32
      %shift_right_arithmetic3A_284 = arith.shrsi %mul3A_272, %shift_right_arithmetic3A : i32
      %shift_left3A = arith.constant 9 : i32
      %shift_left3A_285 = arith.shli %shift_right_arithmetic3A_284, %shift_left3A : i32
      %and3A_286 = arith.constant 127 : i32
      %and3A_287 = arith.andi %mul3A_272, %and3A_286 : i32
      %add3A_288 = arith.addi %shift_left3A_285, %and3A_287 : i32
      %gather3A = tpu.vector_load_idx %arg9[%mul3A_283] : memref<512xf32, #tpu.memory_space<vmem>>[vector<16xi32>], vector<16xf32>,
      %gather3A_289 = tpu.vector_load_idx %arg10[%mul3A_283] : memref<512xf32, #tpu.memory_space<vmem>>[vector<16xi32>], vector<16xf32>,
      %add3A_290 = arith.constant 0 : i32
      %add3A_291 = arith.addi %add3A_288, %add3A_290 : i32
      %swap3A_292 = arith.index_cast %add3A_291 : i32 to index
      %swap3A_293 = tpu.vector_load %arg13[%swap3A_292] {strides = array<i32>} : memref<19968xf32, #tpu.memory_space<vmem>>, vector<16xf32>,
      tpu.vector_store %arg13[%swap3A_292], %gather3A_289 {strides = array<i32>} : memref<19968xf32, #tpu.memory_space<vmem>>, vector<16xf32>,
      %bitcast3A = vector.bitcast %gather3A_289 : vector<16xf32> to vector<16xi32>
      %and3A_294 = arith.constant 7 : i32
      %and3A_295 = vector.broadcast %and3A_294 : i32 to vector<16xi32>
      %and3A_296 = arith.andi %bitcast3A, %and3A_295 : vector<16xi32>
      %add3A_297 = arith.constant 0 : i32
      %add3A_298 = arith.addi %add3A_288, %add3A_297 : i32
      %swap3A_299 = arith.index_cast %add3A_298 : i32 to index
      %swap3A_300 = tpu.vector_load %arg14[%swap3A_299] {strides = array<i32>} : memref<19968xi32, #tpu.memory_space<vmem>>, vector<16xi32>,
      tpu.vector_store %arg14[%swap3A_299], %and3A_296 {strides = array<i32>} : memref<19968xi32, #tpu.memory_space<vmem>>, vector<16xi32>,
      %add3A_301 = arith.constant 1 : i32
      %add3A_302 = vector.broadcast %add3A_301 : i32 to vector<16xi32>
      %add3A_303 = arith.addi %mul3A_283, %add3A_302 : vector<16xi32>
      %gather3A_304 = tpu.vector_load_idx %arg9[%add3A_303] : memref<512xf32, #tpu.memory_space<vmem>>[vector<16xi32>], vector<16xf32>,
      %gather3A_305 = tpu.vector_load_idx %arg10[%add3A_303] : memref<512xf32, #tpu.memory_space<vmem>>[vector<16xi32>], vector<16xf32>,
      %add3A_306 = arith.constant 128 : i32
      %add3A_307 = arith.addi %add3A_288, %add3A_306 : i32
      %swap3A_308 = arith.index_cast %add3A_307 : i32 to index
      %swap3A_309 = tpu.vector_load %arg13[%swap3A_308] {strides = array<i32>} : memref<19968xf32, #tpu.memory_space<vmem>>, vector<16xf32>,
      tpu.vector_store %arg13[%swap3A_308], %gather3A_305 {strides = array<i32>} : memref<19968xf32, #tpu.memory_space<vmem>>, vector<16xf32>,
      %bitcast3A_310 = vector.bitcast %gather3A_305 : vector<16xf32> to vector<16xi32>
      %and3A_311 = arith.constant 7 : i32
      %and3A_312 = vector.broadcast %and3A_311 : i32 to vector<16xi32>
      %and3A_313 = arith.andi %bitcast3A_310, %and3A_312 : vector<16xi32>
      %add3A_314 = arith.constant 128 : i32
      %add3A_315 = arith.addi %add3A_288, %add3A_314 : i32
      %swap3A_316 = arith.index_cast %add3A_315 : i32 to index
      %swap3A_317 = tpu.vector_load %arg14[%swap3A_316] {strides = array<i32>} : memref<19968xi32, #tpu.memory_space<vmem>>, vector<16xi32>,
      tpu.vector_store %arg14[%swap3A_316], %and3A_313 {strides = array<i32>} : memref<19968xi32, #tpu.memory_space<vmem>>, vector<16xi32>,
      %add3A_318 = arith.constant 2 : i32
      %add3A_319 = vector.broadcast %add3A_318 : i32 to vector<16xi32>
      %add3A_320 = arith.addi %mul3A_283, %add3A_319 : vector<16xi32>
      %gather3A_321 = tpu.vector_load_idx %arg9[%add3A_320] : memref<512xf32, #tpu.memory_space<vmem>>[vector<16xi32>], vector<16xf32>,
      %gather3A_322 = tpu.vector_load_idx %arg10[%add3A_320] : memref<512xf32, #tpu.memory_space<vmem>>[vector<16xi32>], vector<16xf32>,
      %add3A_323 = arith.constant 256 : i32
      %add3A_324 = arith.addi %add3A_288, %add3A_323 : i32
      %swap3A_325 = arith.index_cast %add3A_324 : i32 to index
      %swap3A_326 = tpu.vector_load %arg13[%swap3A_325] {strides = array<i32>} : memref<19968xf32, #tpu.memory_space<vmem>>, vector<16xf32>,
      tpu.vector_store %arg13[%swap3A_325], %gather3A_322 {strides = array<i32>} : memref<19968xf32, #tpu.memory_space<vmem>>, vector<16xf32>,
      %bitcast3A_327 = vector.bitcast %gather3A_322 : vector<16xf32> to vector<16xi32>
      %and3A_328 = arith.constant 7 : i32
      %and3A_329 = vector.broadcast %and3A_328 : i32 to vector<16xi32>
      %and3A_330 = arith.andi %bitcast3A_327, %and3A_329 : vector<16xi32>
      %add3A_331 = arith.constant 256 : i32
      %add3A_332 = arith.addi %add3A_288, %add3A_331 : i32
      %swap3A_333 = arith.index_cast %add3A_332 : i32 to index
      %swap3A_334 = tpu.vector_load %arg14[%swap3A_333] {strides = array<i32>} : memref<19968xi32, #tpu.memory_space<vmem>>, vector<16xi32>,
      tpu.vector_store %arg14[%swap3A_333], %and3A_330 {strides = array<i32>} : memref<19968xi32, #tpu.memory_space<vmem>>, vector<16xi32>,
      %add3A_335 = arith.constant 3 : i32
      %add3A_336 = vector.broadcast %add3A_335 : i32 to vector<16xi32>
      %add3A_337 = arith.addi %mul3A_283, %add3A_336 : vector<16xi32>
      %gather3A_338 = tpu.vector_load_idx %arg9[%add3A_337] : memref<512xf32, #tpu.memory_space<vmem>>[vector<16xi32>], vector<16xf32>,
      %gather3A_339 = tpu.vector_load_idx %arg10[%add3A_337] : memref<512xf32, #tpu.memory_space<vmem>>[vector<16xi32>], vector<16xf32>,
      %add3A_340 = arith.constant 384 : i32
      %add3A_341 = arith.addi %add3A_288, %add3A_340 : i32
      %swap3A_342 = arith.index_cast %add3A_341 : i32 to index
      %swap3A_343 = tpu.vector_load %arg13[%swap3A_342] {strides = array<i32>} : memref<19968xf32, #tpu.memory_space<vmem>>, vector<16xf32>,
      tpu.vector_store %arg13[%swap3A_342], %gather3A_339 {strides = array<i32>} : memref<19968xf32, #tpu.memory_space<vmem>>, vector<16xf32>,
      %bitcast3A_344 = vector.bitcast %gather3A_339 : vector<16xf32> to vector<16xi32>
      %and3A_345 = arith.constant 7 : i32
      %and3A_346 = vector.broadcast %and3A_345 : i32 to vector<16xi32>
      %and3A_347 = arith.andi %bitcast3A_344, %and3A_346 : vector<16xi32>
      %add3A_348 = arith.constant 384 : i32
      %add3A_349 = arith.addi %add3A_288, %add3A_348 : i32
      %swap3A_350 = arith.index_cast %add3A_349 : i32 to index
      %swap3A_351 = tpu.vector_load %arg14[%swap3A_350] {strides = array<i32>} : memref<19968xi32, #tpu.memory_space<vmem>>, vector<16xi32>,
      tpu.vector_store %arg14[%swap3A_350], %and3A_347 {strides = array<i32>} : memref<19968xi32, #tpu.memory_space<vmem>>, vector<16xi32>,
      %slice3A = vector.extract_strided_slice %get3A_276 {offsets = [0], sizes = [1], strides = [1]} : vector<16xi32> to vector<1xi32>
      %squeeze3A = vector.extract %slice3A[0] : i32 from vector<1xi32>
      %slice3A_352 = vector.extract_strided_slice %get3A_280 {offsets = [15], sizes = [1], strides = [1]} : vector<16xi32> to vector<1xi32>
      %squeeze3A_353 = vector.extract %slice3A_352[0] : i32 from vector<1xi32>
      %ne3A_354 = arith.cmpi ne, %squeeze3A, %squeeze3A_353 : i32
      %convert_element_type3A_355 = arith.extui %ne3A_354 : i1 to i32
      %cond3A_356 = arith.constant 0 : i32
      %cond3A_357 = arith.cmpi ne, %convert_element_type3A_355, %cond3A_356 : i32
      %cond3A_358:4 = scf.if %cond3A_357 -> (vector<16xf32>, vector<16xf32>, vector<16xf32>, vector<16xf32>) {
        %mul3A_359 = arith.constant 4 : i32
        %mul3A_360 = vector.broadcast %mul3A_359 : i32 to vector<16xi32>
        %mul3A_361 = arith.muli %get3A_276, %mul3A_360 : vector<16xi32>
        %jit3A = arith.constant 0 : i32
        %broadcast_in_dim3A_362 = vector.broadcast %jit3A : i32 to vector<16xi32>
        %select_n3A = arith.select %and3A, %get3A_280, %broadcast_in_dim3A_362 : vector<16xi1>, vector<16xi32>
        %mul3A_363 = arith.constant 4 : i32
        %mul3A_364 = vector.broadcast %mul3A_363 : i32 to vector<16xi32>
        %mul3A_365 = arith.muli %select_n3A, %mul3A_364 : vector<16xi32>
        %or3A = arith.ori %and3A, %eq3A_14 : vector<16xi1>
        %broadcast_in_dim3A_366 = arith.constant true
        %broadcast_in_dim3A_367 = vector.broadcast %broadcast_in_dim3A_366 : i1 to vector<16xi1>
        %masked_cumsum3A = tpu.scan <sum>, %gather3A masked %broadcast_in_dim3A_367 : vector<16xf32>, vector<16xi1> -> vector<16xf32>
        %reduce_sum3A_368 = arith.constant true
        %reduce_sum3A_369 = vector.broadcast %reduce_sum3A_368 : i1 to vector<16xi1>
        %reduce_sum3A_370 = tpu.scan <sum>, %scan3A_267 masked %reduce_sum3A_369 : vector<16xf32>, vector<16xi1> -> vector<16xf32>
        %reduce_sum3A_371 = vector.extract %reduce_sum3A_370[15] : f32 from vector<16xf32>
        %add3A_372 = vector.broadcast %reduce_sum3A_371 : f32 to vector<16xf32>
        %add3A_373 = arith.addf %masked_cumsum3A, %add3A_372 : vector<16xf32>
        tpu.vector_store_idx %arg15[%mul3A_361], %add3A_373 masked %or3A {add = true} : memref<2048xf32, #tpu.memory_space<vmem>>[vector<16xi32>], vector<16xf32>, vector<16xi1>
        %neg3A = arith.constant 0.000000e+00 : f32
        %neg3A_374 = vector.broadcast %neg3A : f32 to vector<16xf32>
        %neg3A_375 = arith.subf %neg3A_374, %add3A_373 : vector<16xf32>
        tpu.vector_store_idx %arg15[%mul3A_365], %neg3A_375 masked %and3A {add = true} : memref<2048xf32, #tpu.memory_space<vmem>>[vector<16xi32>], vector<16xf32>, vector<16xi1>
        %broadcast_in_dim3A_376 = arith.constant true
        %broadcast_in_dim3A_377 = vector.broadcast %broadcast_in_dim3A_376 : i1 to vector<16xi1>
        %masked_cumsum3A_378 = tpu.scan <sum>, %gather3A_304 masked %broadcast_in_dim3A_377 : vector<16xf32>, vector<16xi1> -> vector<16xf32>
        %reduce_sum3A_379 = arith.constant true
        %reduce_sum3A_380 = vector.broadcast %reduce_sum3A_379 : i1 to vector<16xi1>
        %reduce_sum3A_381 = tpu.scan <sum>, %scan3A_268 masked %reduce_sum3A_380 : vector<16xf32>, vector<16xi1> -> vector<16xf32>
        %reduce_sum3A_382 = vector.extract %reduce_sum3A_381[15] : f32 from vector<16xf32>
        %add3A_383 = vector.broadcast %reduce_sum3A_382 : f32 to vector<16xf32>
        %add3A_384 = arith.addf %masked_cumsum3A_378, %add3A_383 : vector<16xf32>
        %add3A_385 = arith.constant 1 : i32
        %add3A_386 = vector.broadcast %add3A_385 : i32 to vector<16xi32>
        %add3A_387 = arith.addi %mul3A_361, %add3A_386 : vector<16xi32>
        %add3A_388 = arith.constant 1 : i32
        %add3A_389 = vector.broadcast %add3A_388 : i32 to vector<16xi32>
        %add3A_390 = arith.addi %mul3A_365, %add3A_389 : vector<16xi32>
        tpu.vector_store_idx %arg15[%add3A_387], %add3A_384 masked %or3A {add = true} : memref<2048xf32, #tpu.memory_space<vmem>>[vector<16xi32>], vector<16xf32>, vector<16xi1>
        %neg3A_391 = arith.constant 0.000000e+00 : f32
        %neg3A_392 = vector.broadcast %neg3A_391 : f32 to vector<16xf32>
        %neg3A_393 = arith.subf %neg3A_392, %add3A_384 : vector<16xf32>
        tpu.vector_store_idx %arg15[%add3A_390], %neg3A_393 masked %and3A {add = true} : memref<2048xf32, #tpu.memory_space<vmem>>[vector<16xi32>], vector<16xf32>, vector<16xi1>
        %broadcast_in_dim3A_394 = arith.constant true
        %broadcast_in_dim3A_395 = vector.broadcast %broadcast_in_dim3A_394 : i1 to vector<16xi1>
        %masked_cumsum3A_396 = tpu.scan <sum>, %gather3A_321 masked %broadcast_in_dim3A_395 : vector<16xf32>, vector<16xi1> -> vector<16xf32>
        %reduce_sum3A_397 = arith.constant true
        %reduce_sum3A_398 = vector.broadcast %reduce_sum3A_397 : i1 to vector<16xi1>
        %reduce_sum3A_399 = tpu.scan <sum>, %scan3A_269 masked %reduce_sum3A_398 : vector<16xf32>, vector<16xi1> -> vector<16xf32>
        %reduce_sum3A_400 = vector.extract %reduce_sum3A_399[15] : f32 from vector<16xf32>
        %add3A_401 = vector.broadcast %reduce_sum3A_400 : f32 to vector<16xf32>
        %add3A_402 = arith.addf %masked_cumsum3A_396, %add3A_401 : vector<16xf32>
        %add3A_403 = arith.constant 2 : i32
        %add3A_404 = vector.broadcast %add3A_403 : i32 to vector<16xi32>
        %add3A_405 = arith.addi %mul3A_361, %add3A_404 : vector<16xi32>
        %add3A_406 = arith.constant 2 : i32
        %add3A_407 = vector.broadcast %add3A_406 : i32 to vector<16xi32>
        %add3A_408 = arith.addi %mul3A_365, %add3A_407 : vector<16xi32>
        tpu.vector_store_idx %arg15[%add3A_405], %add3A_402 masked %or3A {add = true} : memref<2048xf32, #tpu.memory_space<vmem>>[vector<16xi32>], vector<16xf32>, vector<16xi1>
        %neg3A_409 = arith.constant 0.000000e+00 : f32
        %neg3A_410 = vector.broadcast %neg3A_409 : f32 to vector<16xf32>
        %neg3A_411 = arith.subf %neg3A_410, %add3A_402 : vector<16xf32>
        tpu.vector_store_idx %arg15[%add3A_408], %neg3A_411 masked %and3A {add = true} : memref<2048xf32, #tpu.memory_space<vmem>>[vector<16xi32>], vector<16xf32>, vector<16xi1>
        %broadcast_in_dim3A_412 = arith.constant true
        %broadcast_in_dim3A_413 = vector.broadcast %broadcast_in_dim3A_412 : i1 to vector<16xi1>
        %masked_cumsum3A_414 = tpu.scan <sum>, %gather3A_338 masked %broadcast_in_dim3A_413 : vector<16xf32>, vector<16xi1> -> vector<16xf32>
        %reduce_sum3A_415 = arith.constant true
        %reduce_sum3A_416 = vector.broadcast %reduce_sum3A_415 : i1 to vector<16xi1>
        %reduce_sum3A_417 = tpu.scan <sum>, %scan3A_270 masked %reduce_sum3A_416 : vector<16xf32>, vector<16xi1> -> vector<16xf32>
        %reduce_sum3A_418 = vector.extract %reduce_sum3A_417[15] : f32 from vector<16xf32>
        %add3A_419 = vector.broadcast %reduce_sum3A_418 : f32 to vector<16xf32>
        %add3A_420 = arith.addf %masked_cumsum3A_414, %add3A_419 : vector<16xf32>
        %add3A_421 = arith.constant 3 : i32
        %add3A_422 = vector.broadcast %add3A_421 : i32 to vector<16xi32>
        %add3A_423 = arith.addi %mul3A_361, %add3A_422 : vector<16xi32>
        %add3A_424 = arith.constant 3 : i32
        %add3A_425 = vector.broadcast %add3A_424 : i32 to vector<16xi32>
        %add3A_426 = arith.addi %mul3A_365, %add3A_425 : vector<16xi32>
        tpu.vector_store_idx %arg15[%add3A_423], %add3A_420 masked %or3A {add = true} : memref<2048xf32, #tpu.memory_space<vmem>>[vector<16xi32>], vector<16xf32>, vector<16xi1>
        %neg3A_427 = arith.constant 0.000000e+00 : f32
        %neg3A_428 = vector.broadcast %neg3A_427 : f32 to vector<16xf32>
        %neg3A_429 = arith.subf %neg3A_428, %add3A_420 : vector<16xf32>
        tpu.vector_store_idx %arg15[%add3A_426], %neg3A_429 masked %and3A {add = true} : memref<2048xf32, #tpu.memory_space<vmem>>[vector<16xi32>], vector<16xf32>, vector<16xi1>
        scf.yield %broadcast_in_dim3A_7, %broadcast_in_dim3A_7, %broadcast_in_dim3A_7, %broadcast_in_dim3A_7 : vector<16xf32>, vector<16xf32>, vector<16xf32>, vector<16xf32>
      } else {
        %add3A_359 = arith.addf %scan3A_267, %gather3A : vector<16xf32>
        %add3A_360 = arith.addf %scan3A_268, %gather3A_304 : vector<16xf32>
        %add3A_361 = arith.addf %scan3A_269, %gather3A_321 : vector<16xf32>
        %add3A_362 = arith.addf %scan3A_270, %gather3A_338 : vector<16xf32>
        scf.yield %add3A_359, %add3A_360, %add3A_361, %add3A_362 : vector<16xf32>, vector<16xf32>, vector<16xf32>, vector<16xf32>
      }
      scf.yield %cond3A_358#0, %cond3A_358#1, %cond3A_358#2, %cond3A_358#3 : vector<16xf32>, vector<16xf32>, vector<16xf32>, vector<16xf32>
    }
    %scan3A_125 = arith.constant 312 : i32
    %get3A_126 = arith.constant 4976 : index
    %get3A_127 = tpu.vector_load %arg12[%get3A_126] {strides = array<i32>} : memref<5008xi32, #tpu.memory_space<vmem>>, vector<16xi32>,
    %mul3A_128 = arith.constant 4 : i32
    %mul3A_129 = vector.broadcast %mul3A_128 : i32 to vector<16xi32>
    %mul3A_130 = arith.muli %get3A_127, %mul3A_129 : vector<16xi32>
    %reduce_sum3A_131 = arith.constant true
    %reduce_sum3A_132 = vector.broadcast %reduce_sum3A_131 : i1 to vector<16xi1>
    %reduce_sum3A_133 = tpu.scan <sum>, %scan3A_124#0 masked %reduce_sum3A_132 : vector<16xf32>, vector<16xi1> -> vector<16xf32>
    %reduce_sum3A_134 = vector.extract %reduce_sum3A_133[15] : f32 from vector<16xf32>
    %broadcast_in_dim3A_135 = vector.broadcast %reduce_sum3A_134 : f32 to vector<16xf32>
    tpu.vector_store_idx %arg15[%mul3A_130], %broadcast_in_dim3A_135 masked %eq3A_14 {add = true} : memref<2048xf32, #tpu.memory_space<vmem>>[vector<16xi32>], vector<16xf32>, vector<16xi1>
    %reduce_sum3A_136 = arith.constant true
    %reduce_sum3A_137 = vector.broadcast %reduce_sum3A_136 : i1 to vector<16xi1>
    %reduce_sum3A_138 = tpu.scan <sum>, %scan3A_124#1 masked %reduce_sum3A_137 : vector<16xf32>, vector<16xi1> -> vector<16xf32>
    %reduce_sum3A_139 = vector.extract %reduce_sum3A_138[15] : f32 from vector<16xf32>
    %broadcast_in_dim3A_140 = vector.broadcast %reduce_sum3A_139 : f32 to vector<16xf32>
    %add3A_141 = arith.constant 1 : i32
    %add3A_142 = vector.broadcast %add3A_141 : i32 to vector<16xi32>
    %add3A_143 = arith.addi %mul3A_130, %add3A_142 : vector<16xi32>
    tpu.vector_store_idx %arg15[%add3A_143], %broadcast_in_dim3A_140 masked %eq3A_14 {add = true} : memref<2048xf32, #tpu.memory_space<vmem>>[vector<16xi32>], vector<16xf32>, vector<16xi1>
    %reduce_sum3A_144 = arith.constant true
    %reduce_sum3A_145 = vector.broadcast %reduce_sum3A_144 : i1 to vector<16xi1>
    %reduce_sum3A_146 = tpu.scan <sum>, %scan3A_124#2 masked %reduce_sum3A_145 : vector<16xf32>, vector<16xi1> -> vector<16xf32>
    %reduce_sum3A_147 = vector.extract %reduce_sum3A_146[15] : f32 from vector<16xf32>
    %broadcast_in_dim3A_148 = vector.broadcast %reduce_sum3A_147 : f32 to vector<16xf32>
    %add3A_149 = arith.constant 2 : i32
    %add3A_150 = vector.broadcast %add3A_149 : i32 to vector<16xi32>
    %add3A_151 = arith.addi %mul3A_130, %add3A_150 : vector<16xi32>
    tpu.vector_store_idx %arg15[%add3A_151], %broadcast_in_dim3A_148 masked %eq3A_14 {add = true} : memref<2048xf32, #tpu.memory_space<vmem>>[vector<16xi32>], vector<16xf32>, vector<16xi1>
    %reduce_sum3A_152 = arith.constant true
    %reduce_sum3A_153 = vector.broadcast %reduce_sum3A_152 : i1 to vector<16xi1>
    %reduce_sum3A_154 = tpu.scan <sum>, %scan3A_124#3 masked %reduce_sum3A_153 : vector<16xf32>, vector<16xi1> -> vector<16xf32>
    %reduce_sum3A_155 = vector.extract %reduce_sum3A_154[15] : f32 from vector<16xf32>
    %broadcast_in_dim3A_156 = vector.broadcast %reduce_sum3A_155 : f32 to vector<16xf32>
    %add3A_157 = arith.constant 3 : i32
    %add3A_158 = vector.broadcast %add3A_157 : i32 to vector<16xi32>
    %add3A_159 = arith.addi %mul3A_130, %add3A_158 : vector<16xi32>
    tpu.vector_store_idx %arg15[%add3A_159], %broadcast_in_dim3A_156 masked %eq3A_14 {add = true} : memref<2048xf32, #tpu.memory_space<vmem>>[vector<16xi32>], vector<16xf32>, vector<16xi1>
    %mul3A_160 = arith.constant 4 : i32
    %mul3A_161 = arith.muli %multiple_of3A_115, %mul3A_160 : i32
    %multiple_of3A_162 = tpu.assume_multiple %mul3A_161, 8 : i32
    "tpu.region"() ({
      %run_scoped3A = tpu.sem_alloc : memref<!tpu.dma_semaphore, #tpu.memory_space<semaphore_mem>>
      %dma_start3A = arith.constant 0 : i32
      %dma_start3A_266 = tpu.memref_slice %arg13[%dma_start3A] : memref<19968xf32, #tpu.memory_space<vmem>> -> memref<19968xf32, #tpu.memory_space<vmem>>
      %dma_start3A_267 = tpu.memref_slice %arg6[%multiple_of3A_162] : memref<3200000xf32, #tpu.memory_space<hbm>> -> memref<19968xf32, #tpu.memory_space<hbm>>
      %dma_start3A_268 = tpu.memref_slice %arg6[%multiple_of3A_162] : memref<3200000xf32, #tpu.memory_space<hbm>> -> memref<19968xf32, #tpu.memory_space<hbm>>
      %dma_start3A_269 = arith.constant 0 : i32
      %dma_start3A_270 = tpu.memref_slice %arg13[%dma_start3A_269] : memref<19968xf32, #tpu.memory_space<vmem>> -> memref<19968xf32, #tpu.memory_space<vmem>>
      tpu.enqueue_dma source(%dma_start3A_270 : memref<19968xf32, #tpu.memory_space<vmem>>) target(%dma_start3A_268 : memref<19968xf32, #tpu.memory_space<hbm>>) target_semaphore(%run_scoped3A : memref<!tpu.dma_semaphore, #tpu.memory_space<semaphore_mem>>)
      %dma_wait3A = arith.constant 0 : i32
      %dma_wait3A_271 = tpu.memref_slice %arg13[%dma_wait3A] : memref<19968xf32, #tpu.memory_space<vmem>> -> memref<19968xf32, #tpu.memory_space<vmem>>
      %dma_wait3A_272 = tpu.memref_slice %arg6[%multiple_of3A_162] : memref<3200000xf32, #tpu.memory_space<hbm>> -> memref<19968xf32, #tpu.memory_space<hbm>>
      %dma_wait3A_273 = tpu.memref_slice %arg6[%multiple_of3A_162] : memref<3200000xf32, #tpu.memory_space<hbm>> -> memref<19968xf32, #tpu.memory_space<hbm>>
      %dma_wait3A_274 = arith.constant 0 : i32
      %dma_wait3A_275 = tpu.memref_slice %arg13[%dma_wait3A_274] : memref<19968xf32, #tpu.memory_space<vmem>> -> memref<19968xf32, #tpu.memory_space<vmem>>
      tpu.wait_dma2 semaphore(%run_scoped3A : memref<!tpu.dma_semaphore, #tpu.memory_space<semaphore_mem>>) src(%dma_wait3A_275 : memref<19968xf32, #tpu.memory_space<vmem>>) dst(%dma_wait3A_273 : memref<19968xf32, #tpu.memory_space<hbm>>)
      tpu.yield
    }) : () -> ()
    "tpu.region"() ({
      %run_scoped3A = tpu.sem_alloc : memref<!tpu.dma_semaphore, #tpu.memory_space<semaphore_mem>>
      %dma_start3A = arith.constant 0 : i32
      %dma_start3A_266 = tpu.memref_slice %arg14[%dma_start3A] : memref<19968xi32, #tpu.memory_space<vmem>> -> memref<19968xi32, #tpu.memory_space<vmem>>
      %dma_start3A_267 = tpu.memref_slice %arg7[%multiple_of3A_162] : memref<3200000xi32, #tpu.memory_space<hbm>> -> memref<19968xi32, #tpu.memory_space<hbm>>
      %dma_start3A_268 = tpu.memref_slice %arg7[%multiple_of3A_162] : memref<3200000xi32, #tpu.memory_space<hbm>> -> memref<19968xi32, #tpu.memory_space<hbm>>
      %dma_start3A_269 = arith.constant 0 : i32
      %dma_start3A_270 = tpu.memref_slice %arg14[%dma_start3A_269] : memref<19968xi32, #tpu.memory_space<vmem>> -> memref<19968xi32, #tpu.memory_space<vmem>>
      tpu.enqueue_dma source(%dma_start3A_270 : memref<19968xi32, #tpu.memory_space<vmem>>) target(%dma_start3A_268 : memref<19968xi32, #tpu.memory_space<hbm>>) target_semaphore(%run_scoped3A : memref<!tpu.dma_semaphore, #tpu.memory_space<semaphore_mem>>)
      %dma_wait3A = arith.constant 0 : i32
      %dma_wait3A_271 = tpu.memref_slice %arg14[%dma_wait3A] : memref<19968xi32, #tpu.memory_space<vmem>> -> memref<19968xi32, #tpu.memory_space<vmem>>
      %dma_wait3A_272 = tpu.memref_slice %arg7[%multiple_of3A_162] : memref<3200000xi32, #tpu.memory_space<hbm>> -> memref<19968xi32, #tpu.memory_space<hbm>>
      %dma_wait3A_273 = tpu.memref_slice %arg7[%multiple_of3A_162] : memref<3200000xi32, #tpu.memory_space<hbm>> -> memref<19968xi32, #tpu.memory_space<hbm>>
      %dma_wait3A_274 = arith.constant 0 : i32
      %dma_wait3A_275 = tpu.memref_slice %arg14[%dma_wait3A_274] : memref<19968xi32, #tpu.memory_space<vmem>> -> memref<19968xi32, #tpu.memory_space<vmem>>
      tpu.wait_dma2 semaphore(%run_scoped3A : memref<!tpu.dma_semaphore, #tpu.memory_space<semaphore_mem>>) src(%dma_wait3A_275 : memref<19968xi32, #tpu.memory_space<vmem>>) dst(%dma_wait3A_273 : memref<19968xi32, #tpu.memory_space<hbm>>)
      tpu.yield
    }) : () -> ()
    %add3A_163 = arith.constant 14976 : i32
    %add3A_164 = arith.addi %mul3A_6, %add3A_163 : i32
    %multiple_of3A_165 = tpu.assume_multiple %add3A_164, 8 : i32
    "tpu.region"() ({
      %run_scoped3A = tpu.sem_alloc : memref<!tpu.dma_semaphore, #tpu.memory_space<semaphore_mem>>
      %dma_start3A = arith.constant 0 : i32
      %dma_start3A_266 = tpu.memref_slice %arg11[%dma_start3A] : memref<5008xi32, #tpu.memory_space<vmem>> -> memref<4992xi32, #tpu.memory_space<vmem>>
      %dma_start3A_267 = tpu.memref_slice %arg2[%multiple_of3A_165] : memref<800000xi32, #tpu.memory_space<hbm>> -> memref<4992xi32, #tpu.memory_space<hbm>>
      %dma_start3A_268 = arith.constant 0 : i32
      %dma_start3A_269 = tpu.memref_slice %arg11[%dma_start3A_268] : memref<5008xi32, #tpu.memory_space<vmem>> -> memref<4992xi32, #tpu.memory_space<vmem>>
      %dma_start3A_270 = tpu.memref_slice %arg2[%multiple_of3A_165] : memref<800000xi32, #tpu.memory_space<hbm>> -> memref<4992xi32, #tpu.memory_space<hbm>>
      tpu.enqueue_dma source(%dma_start3A_270 : memref<4992xi32, #tpu.memory_space<hbm>>) target(%dma_start3A_269 : memref<4992xi32, #tpu.memory_space<vmem>>) target_semaphore(%run_scoped3A : memref<!tpu.dma_semaphore, #tpu.memory_space<semaphore_mem>>)
      %dma_wait3A = arith.constant 0 : i32
      %dma_wait3A_271 = tpu.memref_slice %arg11[%dma_wait3A] : memref<5008xi32, #tpu.memory_space<vmem>> -> memref<4992xi32, #tpu.memory_space<vmem>>
      %dma_wait3A_272 = tpu.memref_slice %arg2[%multiple_of3A_165] : memref<800000xi32, #tpu.memory_space<hbm>> -> memref<4992xi32, #tpu.memory_space<hbm>>
      %dma_wait3A_273 = arith.constant 0 : i32
      %dma_wait3A_274 = tpu.memref_slice %arg11[%dma_wait3A_273] : memref<5008xi32, #tpu.memory_space<vmem>> -> memref<4992xi32, #tpu.memory_space<vmem>>
      %dma_wait3A_275 = tpu.memref_slice %arg2[%multiple_of3A_165] : memref<800000xi32, #tpu.memory_space<hbm>> -> memref<4992xi32, #tpu.memory_space<hbm>>
      tpu.wait_dma2 semaphore(%run_scoped3A : memref<!tpu.dma_semaphore, #tpu.memory_space<semaphore_mem>>) src(%dma_wait3A_275 : memref<4992xi32, #tpu.memory_space<hbm>>) dst(%dma_wait3A_274 : memref<4992xi32, #tpu.memory_space<vmem>>)
      tpu.yield
    }) : () -> ()
    "tpu.region"() ({
      %run_scoped3A = tpu.sem_alloc : memref<!tpu.dma_semaphore, #tpu.memory_space<semaphore_mem>>
      %dma_start3A = arith.constant 0 : i32
      %dma_start3A_266 = tpu.memref_slice %arg12[%dma_start3A] : memref<5008xi32, #tpu.memory_space<vmem>> -> memref<4992xi32, #tpu.memory_space<vmem>>
      %dma_start3A_267 = tpu.memref_slice %arg3[%multiple_of3A_165] : memref<800000xi32, #tpu.memory_space<hbm>> -> memref<4992xi32, #tpu.memory_space<hbm>>
      %dma_start3A_268 = arith.constant 0 : i32
      %dma_start3A_269 = tpu.memref_slice %arg12[%dma_start3A_268] : memref<5008xi32, #tpu.memory_space<vmem>> -> memref<4992xi32, #tpu.memory_space<vmem>>
      %dma_start3A_270 = tpu.memref_slice %arg3[%multiple_of3A_165] : memref<800000xi32, #tpu.memory_space<hbm>> -> memref<4992xi32, #tpu.memory_space<hbm>>
      tpu.enqueue_dma source(%dma_start3A_270 : memref<4992xi32, #tpu.memory_space<hbm>>) target(%dma_start3A_269 : memref<4992xi32, #tpu.memory_space<vmem>>) target_semaphore(%run_scoped3A : memref<!tpu.dma_semaphore, #tpu.memory_space<semaphore_mem>>)
      %dma_wait3A = arith.constant 0 : i32
      %dma_wait3A_271 = tpu.memref_slice %arg12[%dma_wait3A] : memref<5008xi32, #tpu.memory_space<vmem>> -> memref<4992xi32, #tpu.memory_space<vmem>>
      %dma_wait3A_272 = tpu.memref_slice %arg3[%multiple_of3A_165] : memref<800000xi32, #tpu.memory_space<hbm>> -> memref<4992xi32, #tpu.memory_space<hbm>>
      %dma_wait3A_273 = arith.constant 0 : i32
      %dma_wait3A_274 = tpu.memref_slice %arg12[%dma_wait3A_273] : memref<5008xi32, #tpu.memory_space<vmem>> -> memref<4992xi32, #tpu.memory_space<vmem>>
      %dma_wait3A_275 = tpu.memref_slice %arg3[%multiple_of3A_165] : memref<800000xi32, #tpu.memory_space<hbm>> -> memref<4992xi32, #tpu.memory_space<hbm>>
      tpu.wait_dma2 semaphore(%run_scoped3A : memref<!tpu.dma_semaphore, #tpu.memory_space<semaphore_mem>>) src(%dma_wait3A_275 : memref<4992xi32, #tpu.memory_space<hbm>>) dst(%dma_wait3A_274 : memref<4992xi32, #tpu.memory_space<vmem>>)
      tpu.yield
    }) : () -> ()
    %broadcast_in_dim3A_166 = arith.constant 2147483647 : i32
    %broadcast_in_dim3A_167 = vector.broadcast %broadcast_in_dim3A_166 : i32 to vector<16xi32>
    %swap3A_168 = arith.constant 4992 : index
    %swap3A_169 = tpu.vector_load %arg12[%swap3A_168] {strides = array<i32>} : memref<5008xi32, #tpu.memory_space<vmem>>, vector<16xi32>,
    tpu.vector_store %arg12[%swap3A_168], %broadcast_in_dim3A_167 {strides = array<i32>} : memref<5008xi32, #tpu.memory_space<vmem>>, vector<16xi32>,
    %scan3A_170 = arith.constant 0 : i32
    %scan3A_171 = arith.constant 312 : i32
    %scan3A_172 = arith.addi %scan3A_170, %scan3A_171 : i32
    %scan3A_173 = arith.constant 1 : i32
    %scan3A_174:4 = scf.for %scan3A_266 = %scan3A_170 to %scan3A_172 step %scan3A_173 iter_args(%scan3A_267 = %broadcast_in_dim3A_7, %scan3A_268 = %broadcast_in_dim3A_7, %scan3A_269 = %broadcast_in_dim3A_7, %scan3A_270 = %broadcast_in_dim3A_7) -> (vector<16xf32>, vector<16xf32>, vector<16xf32>, vector<16xf32>)  : i32 {
      %mul3A_271 = arith.constant 16 : i32
      %mul3A_272 = arith.muli %scan3A_266, %mul3A_271 : i32
      %get3A_273 = arith.index_cast %mul3A_272 : i32 to index
      %get3A_274 = tpu.vector_load %arg11[%get3A_273] {strides = array<i32>} : memref<5008xi32, #tpu.memory_space<vmem>>, vector<16xi32>,
      %get3A_275 = arith.index_cast %mul3A_272 : i32 to index
      %get3A_276 = tpu.vector_load %arg12[%get3A_275] {strides = array<i32>} : memref<5008xi32, #tpu.memory_space<vmem>>, vector<16xi32>,
      %add3A_277 = arith.constant 1 : i32
      %add3A_278 = arith.addi %mul3A_272, %add3A_277 : i32
      %get3A_279 = arith.index_cast %add3A_278 : i32 to index
      %get3A_280 = tpu.vector_load %arg12[%get3A_279] {strides = array<i32>} : memref<5008xi32, #tpu.memory_space<vmem>>, vector<16xi32>,
      %ne3A = arith.cmpi ne, %get3A_276, %get3A_280 : vector<16xi32>
      %and3A = arith.andi %ne3A, %lt3A_16 : vector<16xi1>
      %mul3A_281 = arith.constant 4 : i32
      %mul3A_282 = vector.broadcast %mul3A_281 : i32 to vector<16xi32>
      %mul3A_283 = arith.muli %get3A_274, %mul3A_282 : vector<16xi32>
      %shift_right_arithmetic3A = arith.constant 7 : i32
      %shift_right_arithmetic3A_284 = arith.shrsi %mul3A_272, %shift_right_arithmetic3A : i32
      %shift_left3A = arith.constant 9 : i32
      %shift_left3A_285 = arith.shli %shift_right_arithmetic3A_284, %shift_left3A : i32
      %and3A_286 = arith.constant 127 : i32
      %and3A_287 = arith.andi %mul3A_272, %and3A_286 : i32
      %add3A_288 = arith.addi %shift_left3A_285, %and3A_287 : i32
      %gather3A = tpu.vector_load_idx %arg9[%mul3A_283] : memref<512xf32, #tpu.memory_space<vmem>>[vector<16xi32>], vector<16xf32>,
      %gather3A_289 = tpu.vector_load_idx %arg10[%mul3A_283] : memref<512xf32, #tpu.memory_space<vmem>>[vector<16xi32>], vector<16xf32>,
      %add3A_290 = arith.constant 0 : i32
      %add3A_291 = arith.addi %add3A_288, %add3A_290 : i32
      %swap3A_292 = arith.index_cast %add3A_291 : i32 to index
      %swap3A_293 = tpu.vector_load %arg13[%swap3A_292] {strides = array<i32>} : memref<19968xf32, #tpu.memory_space<vmem>>, vector<16xf32>,
      tpu.vector_store %arg13[%swap3A_292], %gather3A_289 {strides = array<i32>} : memref<19968xf32, #tpu.memory_space<vmem>>, vector<16xf32>,
      %bitcast3A = vector.bitcast %gather3A_289 : vector<16xf32> to vector<16xi32>
      %and3A_294 = arith.constant 7 : i32
      %and3A_295 = vector.broadcast %and3A_294 : i32 to vector<16xi32>
      %and3A_296 = arith.andi %bitcast3A, %and3A_295 : vector<16xi32>
      %add3A_297 = arith.constant 0 : i32
      %add3A_298 = arith.addi %add3A_288, %add3A_297 : i32
      %swap3A_299 = arith.index_cast %add3A_298 : i32 to index
      %swap3A_300 = tpu.vector_load %arg14[%swap3A_299] {strides = array<i32>} : memref<19968xi32, #tpu.memory_space<vmem>>, vector<16xi32>,
      tpu.vector_store %arg14[%swap3A_299], %and3A_296 {strides = array<i32>} : memref<19968xi32, #tpu.memory_space<vmem>>, vector<16xi32>,
      %add3A_301 = arith.constant 1 : i32
      %add3A_302 = vector.broadcast %add3A_301 : i32 to vector<16xi32>
      %add3A_303 = arith.addi %mul3A_283, %add3A_302 : vector<16xi32>
      %gather3A_304 = tpu.vector_load_idx %arg9[%add3A_303] : memref<512xf32, #tpu.memory_space<vmem>>[vector<16xi32>], vector<16xf32>,
      %gather3A_305 = tpu.vector_load_idx %arg10[%add3A_303] : memref<512xf32, #tpu.memory_space<vmem>>[vector<16xi32>], vector<16xf32>,
      %add3A_306 = arith.constant 128 : i32
      %add3A_307 = arith.addi %add3A_288, %add3A_306 : i32
      %swap3A_308 = arith.index_cast %add3A_307 : i32 to index
      %swap3A_309 = tpu.vector_load %arg13[%swap3A_308] {strides = array<i32>} : memref<19968xf32, #tpu.memory_space<vmem>>, vector<16xf32>,
      tpu.vector_store %arg13[%swap3A_308], %gather3A_305 {strides = array<i32>} : memref<19968xf32, #tpu.memory_space<vmem>>, vector<16xf32>,
      %bitcast3A_310 = vector.bitcast %gather3A_305 : vector<16xf32> to vector<16xi32>
      %and3A_311 = arith.constant 7 : i32
      %and3A_312 = vector.broadcast %and3A_311 : i32 to vector<16xi32>
      %and3A_313 = arith.andi %bitcast3A_310, %and3A_312 : vector<16xi32>
      %add3A_314 = arith.constant 128 : i32
      %add3A_315 = arith.addi %add3A_288, %add3A_314 : i32
      %swap3A_316 = arith.index_cast %add3A_315 : i32 to index
      %swap3A_317 = tpu.vector_load %arg14[%swap3A_316] {strides = array<i32>} : memref<19968xi32, #tpu.memory_space<vmem>>, vector<16xi32>,
      tpu.vector_store %arg14[%swap3A_316], %and3A_313 {strides = array<i32>} : memref<19968xi32, #tpu.memory_space<vmem>>, vector<16xi32>,
      %add3A_318 = arith.constant 2 : i32
      %add3A_319 = vector.broadcast %add3A_318 : i32 to vector<16xi32>
      %add3A_320 = arith.addi %mul3A_283, %add3A_319 : vector<16xi32>
      %gather3A_321 = tpu.vector_load_idx %arg9[%add3A_320] : memref<512xf32, #tpu.memory_space<vmem>>[vector<16xi32>], vector<16xf32>,
      %gather3A_322 = tpu.vector_load_idx %arg10[%add3A_320] : memref<512xf32, #tpu.memory_space<vmem>>[vector<16xi32>], vector<16xf32>,
      %add3A_323 = arith.constant 256 : i32
      %add3A_324 = arith.addi %add3A_288, %add3A_323 : i32
      %swap3A_325 = arith.index_cast %add3A_324 : i32 to index
      %swap3A_326 = tpu.vector_load %arg13[%swap3A_325] {strides = array<i32>} : memref<19968xf32, #tpu.memory_space<vmem>>, vector<16xf32>,
      tpu.vector_store %arg13[%swap3A_325], %gather3A_322 {strides = array<i32>} : memref<19968xf32, #tpu.memory_space<vmem>>, vector<16xf32>,
      %bitcast3A_327 = vector.bitcast %gather3A_322 : vector<16xf32> to vector<16xi32>
      %and3A_328 = arith.constant 7 : i32
      %and3A_329 = vector.broadcast %and3A_328 : i32 to vector<16xi32>
      %and3A_330 = arith.andi %bitcast3A_327, %and3A_329 : vector<16xi32>
      %add3A_331 = arith.constant 256 : i32
      %add3A_332 = arith.addi %add3A_288, %add3A_331 : i32
      %swap3A_333 = arith.index_cast %add3A_332 : i32 to index
      %swap3A_334 = tpu.vector_load %arg14[%swap3A_333] {strides = array<i32>} : memref<19968xi32, #tpu.memory_space<vmem>>, vector<16xi32>,
      tpu.vector_store %arg14[%swap3A_333], %and3A_330 {strides = array<i32>} : memref<19968xi32, #tpu.memory_space<vmem>>, vector<16xi32>,
      %add3A_335 = arith.constant 3 : i32
      %add3A_336 = vector.broadcast %add3A_335 : i32 to vector<16xi32>
      %add3A_337 = arith.addi %mul3A_283, %add3A_336 : vector<16xi32>
      %gather3A_338 = tpu.vector_load_idx %arg9[%add3A_337] : memref<512xf32, #tpu.memory_space<vmem>>[vector<16xi32>], vector<16xf32>,
      %gather3A_339 = tpu.vector_load_idx %arg10[%add3A_337] : memref<512xf32, #tpu.memory_space<vmem>>[vector<16xi32>], vector<16xf32>,
      %add3A_340 = arith.constant 384 : i32
      %add3A_341 = arith.addi %add3A_288, %add3A_340 : i32
      %swap3A_342 = arith.index_cast %add3A_341 : i32 to index
      %swap3A_343 = tpu.vector_load %arg13[%swap3A_342] {strides = array<i32>} : memref<19968xf32, #tpu.memory_space<vmem>>, vector<16xf32>,
      tpu.vector_store %arg13[%swap3A_342], %gather3A_339 {strides = array<i32>} : memref<19968xf32, #tpu.memory_space<vmem>>, vector<16xf32>,
      %bitcast3A_344 = vector.bitcast %gather3A_339 : vector<16xf32> to vector<16xi32>
      %and3A_345 = arith.constant 7 : i32
      %and3A_346 = vector.broadcast %and3A_345 : i32 to vector<16xi32>
      %and3A_347 = arith.andi %bitcast3A_344, %and3A_346 : vector<16xi32>
      %add3A_348 = arith.constant 384 : i32
      %add3A_349 = arith.addi %add3A_288, %add3A_348 : i32
      %swap3A_350 = arith.index_cast %add3A_349 : i32 to index
      %swap3A_351 = tpu.vector_load %arg14[%swap3A_350] {strides = array<i32>} : memref<19968xi32, #tpu.memory_space<vmem>>, vector<16xi32>,
      tpu.vector_store %arg14[%swap3A_350], %and3A_347 {strides = array<i32>} : memref<19968xi32, #tpu.memory_space<vmem>>, vector<16xi32>,
      %slice3A = vector.extract_strided_slice %get3A_276 {offsets = [0], sizes = [1], strides = [1]} : vector<16xi32> to vector<1xi32>
      %squeeze3A = vector.extract %slice3A[0] : i32 from vector<1xi32>
      %slice3A_352 = vector.extract_strided_slice %get3A_280 {offsets = [15], sizes = [1], strides = [1]} : vector<16xi32> to vector<1xi32>
      %squeeze3A_353 = vector.extract %slice3A_352[0] : i32 from vector<1xi32>
      %ne3A_354 = arith.cmpi ne, %squeeze3A, %squeeze3A_353 : i32
      %convert_element_type3A_355 = arith.extui %ne3A_354 : i1 to i32
      %cond3A_356 = arith.constant 0 : i32
      %cond3A_357 = arith.cmpi ne, %convert_element_type3A_355, %cond3A_356 : i32
      %cond3A_358:4 = scf.if %cond3A_357 -> (vector<16xf32>, vector<16xf32>, vector<16xf32>, vector<16xf32>) {
        %mul3A_359 = arith.constant 4 : i32
        %mul3A_360 = vector.broadcast %mul3A_359 : i32 to vector<16xi32>
        %mul3A_361 = arith.muli %get3A_276, %mul3A_360 : vector<16xi32>
        %jit3A = arith.constant 0 : i32
        %broadcast_in_dim3A_362 = vector.broadcast %jit3A : i32 to vector<16xi32>
        %select_n3A = arith.select %and3A, %get3A_280, %broadcast_in_dim3A_362 : vector<16xi1>, vector<16xi32>
        %mul3A_363 = arith.constant 4 : i32
        %mul3A_364 = vector.broadcast %mul3A_363 : i32 to vector<16xi32>
        %mul3A_365 = arith.muli %select_n3A, %mul3A_364 : vector<16xi32>
        %or3A = arith.ori %and3A, %eq3A_14 : vector<16xi1>
        %broadcast_in_dim3A_366 = arith.constant true
        %broadcast_in_dim3A_367 = vector.broadcast %broadcast_in_dim3A_366 : i1 to vector<16xi1>
        %masked_cumsum3A = tpu.scan <sum>, %gather3A masked %broadcast_in_dim3A_367 : vector<16xf32>, vector<16xi1> -> vector<16xf32>
        %reduce_sum3A_368 = arith.constant true
        %reduce_sum3A_369 = vector.broadcast %reduce_sum3A_368 : i1 to vector<16xi1>
        %reduce_sum3A_370 = tpu.scan <sum>, %scan3A_267 masked %reduce_sum3A_369 : vector<16xf32>, vector<16xi1> -> vector<16xf32>
        %reduce_sum3A_371 = vector.extract %reduce_sum3A_370[15] : f32 from vector<16xf32>
        %add3A_372 = vector.broadcast %reduce_sum3A_371 : f32 to vector<16xf32>
        %add3A_373 = arith.addf %masked_cumsum3A, %add3A_372 : vector<16xf32>
        tpu.vector_store_idx %arg15[%mul3A_361], %add3A_373 masked %or3A {add = true} : memref<2048xf32, #tpu.memory_space<vmem>>[vector<16xi32>], vector<16xf32>, vector<16xi1>
        %neg3A = arith.constant 0.000000e+00 : f32
        %neg3A_374 = vector.broadcast %neg3A : f32 to vector<16xf32>
        %neg3A_375 = arith.subf %neg3A_374, %add3A_373 : vector<16xf32>
        tpu.vector_store_idx %arg15[%mul3A_365], %neg3A_375 masked %and3A {add = true} : memref<2048xf32, #tpu.memory_space<vmem>>[vector<16xi32>], vector<16xf32>, vector<16xi1>
        %broadcast_in_dim3A_376 = arith.constant true
        %broadcast_in_dim3A_377 = vector.broadcast %broadcast_in_dim3A_376 : i1 to vector<16xi1>
        %masked_cumsum3A_378 = tpu.scan <sum>, %gather3A_304 masked %broadcast_in_dim3A_377 : vector<16xf32>, vector<16xi1> -> vector<16xf32>
        %reduce_sum3A_379 = arith.constant true
        %reduce_sum3A_380 = vector.broadcast %reduce_sum3A_379 : i1 to vector<16xi1>
        %reduce_sum3A_381 = tpu.scan <sum>, %scan3A_268 masked %reduce_sum3A_380 : vector<16xf32>, vector<16xi1> -> vector<16xf32>
        %reduce_sum3A_382 = vector.extract %reduce_sum3A_381[15] : f32 from vector<16xf32>
        %add3A_383 = vector.broadcast %reduce_sum3A_382 : f32 to vector<16xf32>
        %add3A_384 = arith.addf %masked_cumsum3A_378, %add3A_383 : vector<16xf32>
        %add3A_385 = arith.constant 1 : i32
        %add3A_386 = vector.broadcast %add3A_385 : i32 to vector<16xi32>
        %add3A_387 = arith.addi %mul3A_361, %add3A_386 : vector<16xi32>
        %add3A_388 = arith.constant 1 : i32
        %add3A_389 = vector.broadcast %add3A_388 : i32 to vector<16xi32>
        %add3A_390 = arith.addi %mul3A_365, %add3A_389 : vector<16xi32>
        tpu.vector_store_idx %arg15[%add3A_387], %add3A_384 masked %or3A {add = true} : memref<2048xf32, #tpu.memory_space<vmem>>[vector<16xi32>], vector<16xf32>, vector<16xi1>
        %neg3A_391 = arith.constant 0.000000e+00 : f32
        %neg3A_392 = vector.broadcast %neg3A_391 : f32 to vector<16xf32>
        %neg3A_393 = arith.subf %neg3A_392, %add3A_384 : vector<16xf32>
        tpu.vector_store_idx %arg15[%add3A_390], %neg3A_393 masked %and3A {add = true} : memref<2048xf32, #tpu.memory_space<vmem>>[vector<16xi32>], vector<16xf32>, vector<16xi1>
        %broadcast_in_dim3A_394 = arith.constant true
        %broadcast_in_dim3A_395 = vector.broadcast %broadcast_in_dim3A_394 : i1 to vector<16xi1>
        %masked_cumsum3A_396 = tpu.scan <sum>, %gather3A_321 masked %broadcast_in_dim3A_395 : vector<16xf32>, vector<16xi1> -> vector<16xf32>
        %reduce_sum3A_397 = arith.constant true
        %reduce_sum3A_398 = vector.broadcast %reduce_sum3A_397 : i1 to vector<16xi1>
        %reduce_sum3A_399 = tpu.scan <sum>, %scan3A_269 masked %reduce_sum3A_398 : vector<16xf32>, vector<16xi1> -> vector<16xf32>
        %reduce_sum3A_400 = vector.extract %reduce_sum3A_399[15] : f32 from vector<16xf32>
        %add3A_401 = vector.broadcast %reduce_sum3A_400 : f32 to vector<16xf32>
        %add3A_402 = arith.addf %masked_cumsum3A_396, %add3A_401 : vector<16xf32>
        %add3A_403 = arith.constant 2 : i32
        %add3A_404 = vector.broadcast %add3A_403 : i32 to vector<16xi32>
        %add3A_405 = arith.addi %mul3A_361, %add3A_404 : vector<16xi32>
        %add3A_406 = arith.constant 2 : i32
        %add3A_407 = vector.broadcast %add3A_406 : i32 to vector<16xi32>
        %add3A_408 = arith.addi %mul3A_365, %add3A_407 : vector<16xi32>
        tpu.vector_store_idx %arg15[%add3A_405], %add3A_402 masked %or3A {add = true} : memref<2048xf32, #tpu.memory_space<vmem>>[vector<16xi32>], vector<16xf32>, vector<16xi1>
        %neg3A_409 = arith.constant 0.000000e+00 : f32
        %neg3A_410 = vector.broadcast %neg3A_409 : f32 to vector<16xf32>
        %neg3A_411 = arith.subf %neg3A_410, %add3A_402 : vector<16xf32>
        tpu.vector_store_idx %arg15[%add3A_408], %neg3A_411 masked %and3A {add = true} : memref<2048xf32, #tpu.memory_space<vmem>>[vector<16xi32>], vector<16xf32>, vector<16xi1>
        %broadcast_in_dim3A_412 = arith.constant true
        %broadcast_in_dim3A_413 = vector.broadcast %broadcast_in_dim3A_412 : i1 to vector<16xi1>
        %masked_cumsum3A_414 = tpu.scan <sum>, %gather3A_338 masked %broadcast_in_dim3A_413 : vector<16xf32>, vector<16xi1> -> vector<16xf32>
        %reduce_sum3A_415 = arith.constant true
        %reduce_sum3A_416 = vector.broadcast %reduce_sum3A_415 : i1 to vector<16xi1>
        %reduce_sum3A_417 = tpu.scan <sum>, %scan3A_270 masked %reduce_sum3A_416 : vector<16xf32>, vector<16xi1> -> vector<16xf32>
        %reduce_sum3A_418 = vector.extract %reduce_sum3A_417[15] : f32 from vector<16xf32>
        %add3A_419 = vector.broadcast %reduce_sum3A_418 : f32 to vector<16xf32>
        %add3A_420 = arith.addf %masked_cumsum3A_414, %add3A_419 : vector<16xf32>
        %add3A_421 = arith.constant 3 : i32
        %add3A_422 = vector.broadcast %add3A_421 : i32 to vector<16xi32>
        %add3A_423 = arith.addi %mul3A_361, %add3A_422 : vector<16xi32>
        %add3A_424 = arith.constant 3 : i32
        %add3A_425 = vector.broadcast %add3A_424 : i32 to vector<16xi32>
        %add3A_426 = arith.addi %mul3A_365, %add3A_425 : vector<16xi32>
        tpu.vector_store_idx %arg15[%add3A_423], %add3A_420 masked %or3A {add = true} : memref<2048xf32, #tpu.memory_space<vmem>>[vector<16xi32>], vector<16xf32>, vector<16xi1>
        %neg3A_427 = arith.constant 0.000000e+00 : f32
        %neg3A_428 = vector.broadcast %neg3A_427 : f32 to vector<16xf32>
        %neg3A_429 = arith.subf %neg3A_428, %add3A_420 : vector<16xf32>
        tpu.vector_store_idx %arg15[%add3A_426], %neg3A_429 masked %and3A {add = true} : memref<2048xf32, #tpu.memory_space<vmem>>[vector<16xi32>], vector<16xf32>, vector<16xi1>
        scf.yield %broadcast_in_dim3A_7, %broadcast_in_dim3A_7, %broadcast_in_dim3A_7, %broadcast_in_dim3A_7 : vector<16xf32>, vector<16xf32>, vector<16xf32>, vector<16xf32>
      } else {
        %add3A_359 = arith.addf %scan3A_267, %gather3A : vector<16xf32>
        %add3A_360 = arith.addf %scan3A_268, %gather3A_304 : vector<16xf32>
        %add3A_361 = arith.addf %scan3A_269, %gather3A_321 : vector<16xf32>
        %add3A_362 = arith.addf %scan3A_270, %gather3A_338 : vector<16xf32>
        scf.yield %add3A_359, %add3A_360, %add3A_361, %add3A_362 : vector<16xf32>, vector<16xf32>, vector<16xf32>, vector<16xf32>
      }
      scf.yield %cond3A_358#0, %cond3A_358#1, %cond3A_358#2, %cond3A_358#3 : vector<16xf32>, vector<16xf32>, vector<16xf32>, vector<16xf32>
    }
    %scan3A_175 = arith.constant 312 : i32
    %get3A_176 = arith.constant 4976 : index
    %get3A_177 = tpu.vector_load %arg12[%get3A_176] {strides = array<i32>} : memref<5008xi32, #tpu.memory_space<vmem>>, vector<16xi32>,
    %mul3A_178 = arith.constant 4 : i32
    %mul3A_179 = vector.broadcast %mul3A_178 : i32 to vector<16xi32>
    %mul3A_180 = arith.muli %get3A_177, %mul3A_179 : vector<16xi32>
    %reduce_sum3A_181 = arith.constant true
    %reduce_sum3A_182 = vector.broadcast %reduce_sum3A_181 : i1 to vector<16xi1>
    %reduce_sum3A_183 = tpu.scan <sum>, %scan3A_174#0 masked %reduce_sum3A_182 : vector<16xf32>, vector<16xi1> -> vector<16xf32>
    %reduce_sum3A_184 = vector.extract %reduce_sum3A_183[15] : f32 from vector<16xf32>
    %broadcast_in_dim3A_185 = vector.broadcast %reduce_sum3A_184 : f32 to vector<16xf32>
    tpu.vector_store_idx %arg15[%mul3A_180], %broadcast_in_dim3A_185 masked %eq3A_14 {add = true} : memref<2048xf32, #tpu.memory_space<vmem>>[vector<16xi32>], vector<16xf32>, vector<16xi1>
    %reduce_sum3A_186 = arith.constant true
    %reduce_sum3A_187 = vector.broadcast %reduce_sum3A_186 : i1 to vector<16xi1>
    %reduce_sum3A_188 = tpu.scan <sum>, %scan3A_174#1 masked %reduce_sum3A_187 : vector<16xf32>, vector<16xi1> -> vector<16xf32>
    %reduce_sum3A_189 = vector.extract %reduce_sum3A_188[15] : f32 from vector<16xf32>
    %broadcast_in_dim3A_190 = vector.broadcast %reduce_sum3A_189 : f32 to vector<16xf32>
    %add3A_191 = arith.constant 1 : i32
    %add3A_192 = vector.broadcast %add3A_191 : i32 to vector<16xi32>
    %add3A_193 = arith.addi %mul3A_180, %add3A_192 : vector<16xi32>
    tpu.vector_store_idx %arg15[%add3A_193], %broadcast_in_dim3A_190 masked %eq3A_14 {add = true} : memref<2048xf32, #tpu.memory_space<vmem>>[vector<16xi32>], vector<16xf32>, vector<16xi1>
    %reduce_sum3A_194 = arith.constant true
    %reduce_sum3A_195 = vector.broadcast %reduce_sum3A_194 : i1 to vector<16xi1>
    %reduce_sum3A_196 = tpu.scan <sum>, %scan3A_174#2 masked %reduce_sum3A_195 : vector<16xf32>, vector<16xi1> -> vector<16xf32>
    %reduce_sum3A_197 = vector.extract %reduce_sum3A_196[15] : f32 from vector<16xf32>
    %broadcast_in_dim3A_198 = vector.broadcast %reduce_sum3A_197 : f32 to vector<16xf32>
    %add3A_199 = arith.constant 2 : i32
    %add3A_200 = vector.broadcast %add3A_199 : i32 to vector<16xi32>
    %add3A_201 = arith.addi %mul3A_180, %add3A_200 : vector<16xi32>
    tpu.vector_store_idx %arg15[%add3A_201], %broadcast_in_dim3A_198 masked %eq3A_14 {add = true} : memref<2048xf32, #tpu.memory_space<vmem>>[vector<16xi32>], vector<16xf32>, vector<16xi1>
    %reduce_sum3A_202 = arith.constant true
    %reduce_sum3A_203 = vector.broadcast %reduce_sum3A_202 : i1 to vector<16xi1>
    %reduce_sum3A_204 = tpu.scan <sum>, %scan3A_174#3 masked %reduce_sum3A_203 : vector<16xf32>, vector<16xi1> -> vector<16xf32>
    %reduce_sum3A_205 = vector.extract %reduce_sum3A_204[15] : f32 from vector<16xf32>
    %broadcast_in_dim3A_206 = vector.broadcast %reduce_sum3A_205 : f32 to vector<16xf32>
    %add3A_207 = arith.constant 3 : i32
    %add3A_208 = vector.broadcast %add3A_207 : i32 to vector<16xi32>
    %add3A_209 = arith.addi %mul3A_180, %add3A_208 : vector<16xi32>
    tpu.vector_store_idx %arg15[%add3A_209], %broadcast_in_dim3A_206 masked %eq3A_14 {add = true} : memref<2048xf32, #tpu.memory_space<vmem>>[vector<16xi32>], vector<16xf32>, vector<16xi1>
    %mul3A_210 = arith.constant 4 : i32
    %mul3A_211 = arith.muli %multiple_of3A_165, %mul3A_210 : i32
    %multiple_of3A_212 = tpu.assume_multiple %mul3A_211, 8 : i32
    "tpu.region"() ({
      %run_scoped3A = tpu.sem_alloc : memref<!tpu.dma_semaphore, #tpu.memory_space<semaphore_mem>>
      %dma_start3A = arith.constant 0 : i32
      %dma_start3A_266 = tpu.memref_slice %arg13[%dma_start3A] : memref<19968xf32, #tpu.memory_space<vmem>> -> memref<19968xf32, #tpu.memory_space<vmem>>
      %dma_start3A_267 = tpu.memref_slice %arg6[%multiple_of3A_212] : memref<3200000xf32, #tpu.memory_space<hbm>> -> memref<19968xf32, #tpu.memory_space<hbm>>
      %dma_start3A_268 = tpu.memref_slice %arg6[%multiple_of3A_212] : memref<3200000xf32, #tpu.memory_space<hbm>> -> memref<19968xf32, #tpu.memory_space<hbm>>
      %dma_start3A_269 = arith.constant 0 : i32
      %dma_start3A_270 = tpu.memref_slice %arg13[%dma_start3A_269] : memref<19968xf32, #tpu.memory_space<vmem>> -> memref<19968xf32, #tpu.memory_space<vmem>>
      tpu.enqueue_dma source(%dma_start3A_270 : memref<19968xf32, #tpu.memory_space<vmem>>) target(%dma_start3A_268 : memref<19968xf32, #tpu.memory_space<hbm>>) target_semaphore(%run_scoped3A : memref<!tpu.dma_semaphore, #tpu.memory_space<semaphore_mem>>)
      %dma_wait3A = arith.constant 0 : i32
      %dma_wait3A_271 = tpu.memref_slice %arg13[%dma_wait3A] : memref<19968xf32, #tpu.memory_space<vmem>> -> memref<19968xf32, #tpu.memory_space<vmem>>
      %dma_wait3A_272 = tpu.memref_slice %arg6[%multiple_of3A_212] : memref<3200000xf32, #tpu.memory_space<hbm>> -> memref<19968xf32, #tpu.memory_space<hbm>>
      %dma_wait3A_273 = tpu.memref_slice %arg6[%multiple_of3A_212] : memref<3200000xf32, #tpu.memory_space<hbm>> -> memref<19968xf32, #tpu.memory_space<hbm>>
      %dma_wait3A_274 = arith.constant 0 : i32
      %dma_wait3A_275 = tpu.memref_slice %arg13[%dma_wait3A_274] : memref<19968xf32, #tpu.memory_space<vmem>> -> memref<19968xf32, #tpu.memory_space<vmem>>
      tpu.wait_dma2 semaphore(%run_scoped3A : memref<!tpu.dma_semaphore, #tpu.memory_space<semaphore_mem>>) src(%dma_wait3A_275 : memref<19968xf32, #tpu.memory_space<vmem>>) dst(%dma_wait3A_273 : memref<19968xf32, #tpu.memory_space<hbm>>)
      tpu.yield
    }) : () -> ()
    "tpu.region"() ({
      %run_scoped3A = tpu.sem_alloc : memref<!tpu.dma_semaphore, #tpu.memory_space<semaphore_mem>>
      %dma_start3A = arith.constant 0 : i32
      %dma_start3A_266 = tpu.memref_slice %arg14[%dma_start3A] : memref<19968xi32, #tpu.memory_space<vmem>> -> memref<19968xi32, #tpu.memory_space<vmem>>
      %dma_start3A_267 = tpu.memref_slice %arg7[%multiple_of3A_212] : memref<3200000xi32, #tpu.memory_space<hbm>> -> memref<19968xi32, #tpu.memory_space<hbm>>
      %dma_start3A_268 = tpu.memref_slice %arg7[%multiple_of3A_212] : memref<3200000xi32, #tpu.memory_space<hbm>> -> memref<19968xi32, #tpu.memory_space<hbm>>
      %dma_start3A_269 = arith.constant 0 : i32
      %dma_start3A_270 = tpu.memref_slice %arg14[%dma_start3A_269] : memref<19968xi32, #tpu.memory_space<vmem>> -> memref<19968xi32, #tpu.memory_space<vmem>>
      tpu.enqueue_dma source(%dma_start3A_270 : memref<19968xi32, #tpu.memory_space<vmem>>) target(%dma_start3A_268 : memref<19968xi32, #tpu.memory_space<hbm>>) target_semaphore(%run_scoped3A : memref<!tpu.dma_semaphore, #tpu.memory_space<semaphore_mem>>)
      %dma_wait3A = arith.constant 0 : i32
      %dma_wait3A_271 = tpu.memref_slice %arg14[%dma_wait3A] : memref<19968xi32, #tpu.memory_space<vmem>> -> memref<19968xi32, #tpu.memory_space<vmem>>
      %dma_wait3A_272 = tpu.memref_slice %arg7[%multiple_of3A_212] : memref<3200000xi32, #tpu.memory_space<hbm>> -> memref<19968xi32, #tpu.memory_space<hbm>>
      %dma_wait3A_273 = tpu.memref_slice %arg7[%multiple_of3A_212] : memref<3200000xi32, #tpu.memory_space<hbm>> -> memref<19968xi32, #tpu.memory_space<hbm>>
      %dma_wait3A_274 = arith.constant 0 : i32
      %dma_wait3A_275 = tpu.memref_slice %arg14[%dma_wait3A_274] : memref<19968xi32, #tpu.memory_space<vmem>> -> memref<19968xi32, #tpu.memory_space<vmem>>
      tpu.wait_dma2 semaphore(%run_scoped3A : memref<!tpu.dma_semaphore, #tpu.memory_space<semaphore_mem>>) src(%dma_wait3A_275 : memref<19968xi32, #tpu.memory_space<vmem>>) dst(%dma_wait3A_273 : memref<19968xi32, #tpu.memory_space<hbm>>)
      tpu.yield
    }) : () -> ()
    %add3A_213 = arith.constant 19968 : i32
    %add3A_214 = arith.addi %mul3A_6, %add3A_213 : i32
    %multiple_of3A_215 = tpu.assume_multiple %add3A_214, 8 : i32
    "tpu.region"() ({
      %run_scoped3A = tpu.sem_alloc : memref<!tpu.dma_semaphore, #tpu.memory_space<semaphore_mem>>
      %dma_start3A = arith.constant 0 : i32
      %dma_start3A_266 = tpu.memref_slice %arg11[%dma_start3A] : memref<5008xi32, #tpu.memory_space<vmem>> -> memref<4992xi32, #tpu.memory_space<vmem>>
      %dma_start3A_267 = tpu.memref_slice %arg2[%multiple_of3A_215] : memref<800000xi32, #tpu.memory_space<hbm>> -> memref<4992xi32, #tpu.memory_space<hbm>>
      %dma_start3A_268 = arith.constant 0 : i32
      %dma_start3A_269 = tpu.memref_slice %arg11[%dma_start3A_268] : memref<5008xi32, #tpu.memory_space<vmem>> -> memref<4992xi32, #tpu.memory_space<vmem>>
      %dma_start3A_270 = tpu.memref_slice %arg2[%multiple_of3A_215] : memref<800000xi32, #tpu.memory_space<hbm>> -> memref<4992xi32, #tpu.memory_space<hbm>>
      tpu.enqueue_dma source(%dma_start3A_270 : memref<4992xi32, #tpu.memory_space<hbm>>) target(%dma_start3A_269 : memref<4992xi32, #tpu.memory_space<vmem>>) target_semaphore(%run_scoped3A : memref<!tpu.dma_semaphore, #tpu.memory_space<semaphore_mem>>)
      %dma_wait3A = arith.constant 0 : i32
      %dma_wait3A_271 = tpu.memref_slice %arg11[%dma_wait3A] : memref<5008xi32, #tpu.memory_space<vmem>> -> memref<4992xi32, #tpu.memory_space<vmem>>
      %dma_wait3A_272 = tpu.memref_slice %arg2[%multiple_of3A_215] : memref<800000xi32, #tpu.memory_space<hbm>> -> memref<4992xi32, #tpu.memory_space<hbm>>
      %dma_wait3A_273 = arith.constant 0 : i32
      %dma_wait3A_274 = tpu.memref_slice %arg11[%dma_wait3A_273] : memref<5008xi32, #tpu.memory_space<vmem>> -> memref<4992xi32, #tpu.memory_space<vmem>>
      %dma_wait3A_275 = tpu.memref_slice %arg2[%multiple_of3A_215] : memref<800000xi32, #tpu.memory_space<hbm>> -> memref<4992xi32, #tpu.memory_space<hbm>>
      tpu.wait_dma2 semaphore(%run_scoped3A : memref<!tpu.dma_semaphore, #tpu.memory_space<semaphore_mem>>) src(%dma_wait3A_275 : memref<4992xi32, #tpu.memory_space<hbm>>) dst(%dma_wait3A_274 : memref<4992xi32, #tpu.memory_space<vmem>>)
      tpu.yield
    }) : () -> ()
    "tpu.region"() ({
      %run_scoped3A = tpu.sem_alloc : memref<!tpu.dma_semaphore, #tpu.memory_space<semaphore_mem>>
      %dma_start3A = arith.constant 0 : i32
      %dma_start3A_266 = tpu.memref_slice %arg12[%dma_start3A] : memref<5008xi32, #tpu.memory_space<vmem>> -> memref<4992xi32, #tpu.memory_space<vmem>>
      %dma_start3A_267 = tpu.memref_slice %arg3[%multiple_of3A_215] : memref<800000xi32, #tpu.memory_space<hbm>> -> memref<4992xi32, #tpu.memory_space<hbm>>
      %dma_start3A_268 = arith.constant 0 : i32
      %dma_start3A_269 = tpu.memref_slice %arg12[%dma_start3A_268] : memref<5008xi32, #tpu.memory_space<vmem>> -> memref<4992xi32, #tpu.memory_space<vmem>>
      %dma_start3A_270 = tpu.memref_slice %arg3[%multiple_of3A_215] : memref<800000xi32, #tpu.memory_space<hbm>> -> memref<4992xi32, #tpu.memory_space<hbm>>
      tpu.enqueue_dma source(%dma_start3A_270 : memref<4992xi32, #tpu.memory_space<hbm>>) target(%dma_start3A_269 : memref<4992xi32, #tpu.memory_space<vmem>>) target_semaphore(%run_scoped3A : memref<!tpu.dma_semaphore, #tpu.memory_space<semaphore_mem>>)
      %dma_wait3A = arith.constant 0 : i32
      %dma_wait3A_271 = tpu.memref_slice %arg12[%dma_wait3A] : memref<5008xi32, #tpu.memory_space<vmem>> -> memref<4992xi32, #tpu.memory_space<vmem>>
      %dma_wait3A_272 = tpu.memref_slice %arg3[%multiple_of3A_215] : memref<800000xi32, #tpu.memory_space<hbm>> -> memref<4992xi32, #tpu.memory_space<hbm>>
      %dma_wait3A_273 = arith.constant 0 : i32
      %dma_wait3A_274 = tpu.memref_slice %arg12[%dma_wait3A_273] : memref<5008xi32, #tpu.memory_space<vmem>> -> memref<4992xi32, #tpu.memory_space<vmem>>
      %dma_wait3A_275 = tpu.memref_slice %arg3[%multiple_of3A_215] : memref<800000xi32, #tpu.memory_space<hbm>> -> memref<4992xi32, #tpu.memory_space<hbm>>
      tpu.wait_dma2 semaphore(%run_scoped3A : memref<!tpu.dma_semaphore, #tpu.memory_space<semaphore_mem>>) src(%dma_wait3A_275 : memref<4992xi32, #tpu.memory_space<hbm>>) dst(%dma_wait3A_274 : memref<4992xi32, #tpu.memory_space<vmem>>)
      tpu.yield
    }) : () -> ()
    %broadcast_in_dim3A_216 = arith.constant 2147483647 : i32
    %broadcast_in_dim3A_217 = vector.broadcast %broadcast_in_dim3A_216 : i32 to vector<16xi32>
    %swap3A_218 = arith.constant 4992 : index
    %swap3A_219 = tpu.vector_load %arg12[%swap3A_218] {strides = array<i32>} : memref<5008xi32, #tpu.memory_space<vmem>>, vector<16xi32>,
    tpu.vector_store %arg12[%swap3A_218], %broadcast_in_dim3A_217 {strides = array<i32>} : memref<5008xi32, #tpu.memory_space<vmem>>, vector<16xi32>,
    %scan3A_220 = arith.constant 0 : i32
    %scan3A_221 = arith.constant 312 : i32
    %scan3A_222 = arith.addi %scan3A_220, %scan3A_221 : i32
    %scan3A_223 = arith.constant 1 : i32
    %scan3A_224:4 = scf.for %scan3A_266 = %scan3A_220 to %scan3A_222 step %scan3A_223 iter_args(%scan3A_267 = %broadcast_in_dim3A_7, %scan3A_268 = %broadcast_in_dim3A_7, %scan3A_269 = %broadcast_in_dim3A_7, %scan3A_270 = %broadcast_in_dim3A_7) -> (vector<16xf32>, vector<16xf32>, vector<16xf32>, vector<16xf32>)  : i32 {
      %mul3A_271 = arith.constant 16 : i32
      %mul3A_272 = arith.muli %scan3A_266, %mul3A_271 : i32
      %get3A_273 = arith.index_cast %mul3A_272 : i32 to index
      %get3A_274 = tpu.vector_load %arg11[%get3A_273] {strides = array<i32>} : memref<5008xi32, #tpu.memory_space<vmem>>, vector<16xi32>,
      %get3A_275 = arith.index_cast %mul3A_272 : i32 to index
      %get3A_276 = tpu.vector_load %arg12[%get3A_275] {strides = array<i32>} : memref<5008xi32, #tpu.memory_space<vmem>>, vector<16xi32>,
      %add3A_277 = arith.constant 1 : i32
      %add3A_278 = arith.addi %mul3A_272, %add3A_277 : i32
      %get3A_279 = arith.index_cast %add3A_278 : i32 to index
      %get3A_280 = tpu.vector_load %arg12[%get3A_279] {strides = array<i32>} : memref<5008xi32, #tpu.memory_space<vmem>>, vector<16xi32>,
      %ne3A = arith.cmpi ne, %get3A_276, %get3A_280 : vector<16xi32>
      %and3A = arith.andi %ne3A, %lt3A_16 : vector<16xi1>
      %mul3A_281 = arith.constant 4 : i32
      %mul3A_282 = vector.broadcast %mul3A_281 : i32 to vector<16xi32>
      %mul3A_283 = arith.muli %get3A_274, %mul3A_282 : vector<16xi32>
      %shift_right_arithmetic3A = arith.constant 7 : i32
      %shift_right_arithmetic3A_284 = arith.shrsi %mul3A_272, %shift_right_arithmetic3A : i32
      %shift_left3A = arith.constant 9 : i32
      %shift_left3A_285 = arith.shli %shift_right_arithmetic3A_284, %shift_left3A : i32
      %and3A_286 = arith.constant 127 : i32
      %and3A_287 = arith.andi %mul3A_272, %and3A_286 : i32
      %add3A_288 = arith.addi %shift_left3A_285, %and3A_287 : i32
      %gather3A = tpu.vector_load_idx %arg9[%mul3A_283] : memref<512xf32, #tpu.memory_space<vmem>>[vector<16xi32>], vector<16xf32>,
      %gather3A_289 = tpu.vector_load_idx %arg10[%mul3A_283] : memref<512xf32, #tpu.memory_space<vmem>>[vector<16xi32>], vector<16xf32>,
      %add3A_290 = arith.constant 0 : i32
      %add3A_291 = arith.addi %add3A_288, %add3A_290 : i32
      %swap3A_292 = arith.index_cast %add3A_291 : i32 to index
      %swap3A_293 = tpu.vector_load %arg13[%swap3A_292] {strides = array<i32>} : memref<19968xf32, #tpu.memory_space<vmem>>, vector<16xf32>,
      tpu.vector_store %arg13[%swap3A_292], %gather3A_289 {strides = array<i32>} : memref<19968xf32, #tpu.memory_space<vmem>>, vector<16xf32>,
      %bitcast3A = vector.bitcast %gather3A_289 : vector<16xf32> to vector<16xi32>
      %and3A_294 = arith.constant 7 : i32
      %and3A_295 = vector.broadcast %and3A_294 : i32 to vector<16xi32>
      %and3A_296 = arith.andi %bitcast3A, %and3A_295 : vector<16xi32>
      %add3A_297 = arith.constant 0 : i32
      %add3A_298 = arith.addi %add3A_288, %add3A_297 : i32
      %swap3A_299 = arith.index_cast %add3A_298 : i32 to index
      %swap3A_300 = tpu.vector_load %arg14[%swap3A_299] {strides = array<i32>} : memref<19968xi32, #tpu.memory_space<vmem>>, vector<16xi32>,
      tpu.vector_store %arg14[%swap3A_299], %and3A_296 {strides = array<i32>} : memref<19968xi32, #tpu.memory_space<vmem>>, vector<16xi32>,
      %add3A_301 = arith.constant 1 : i32
      %add3A_302 = vector.broadcast %add3A_301 : i32 to vector<16xi32>
      %add3A_303 = arith.addi %mul3A_283, %add3A_302 : vector<16xi32>
      %gather3A_304 = tpu.vector_load_idx %arg9[%add3A_303] : memref<512xf32, #tpu.memory_space<vmem>>[vector<16xi32>], vector<16xf32>,
      %gather3A_305 = tpu.vector_load_idx %arg10[%add3A_303] : memref<512xf32, #tpu.memory_space<vmem>>[vector<16xi32>], vector<16xf32>,
      %add3A_306 = arith.constant 128 : i32
      %add3A_307 = arith.addi %add3A_288, %add3A_306 : i32
      %swap3A_308 = arith.index_cast %add3A_307 : i32 to index
      %swap3A_309 = tpu.vector_load %arg13[%swap3A_308] {strides = array<i32>} : memref<19968xf32, #tpu.memory_space<vmem>>, vector<16xf32>,
      tpu.vector_store %arg13[%swap3A_308], %gather3A_305 {strides = array<i32>} : memref<19968xf32, #tpu.memory_space<vmem>>, vector<16xf32>,
      %bitcast3A_310 = vector.bitcast %gather3A_305 : vector<16xf32> to vector<16xi32>
      %and3A_311 = arith.constant 7 : i32
      %and3A_312 = vector.broadcast %and3A_311 : i32 to vector<16xi32>
      %and3A_313 = arith.andi %bitcast3A_310, %and3A_312 : vector<16xi32>
      %add3A_314 = arith.constant 128 : i32
      %add3A_315 = arith.addi %add3A_288, %add3A_314 : i32
      %swap3A_316 = arith.index_cast %add3A_315 : i32 to index
      %swap3A_317 = tpu.vector_load %arg14[%swap3A_316] {strides = array<i32>} : memref<19968xi32, #tpu.memory_space<vmem>>, vector<16xi32>,
      tpu.vector_store %arg14[%swap3A_316], %and3A_313 {strides = array<i32>} : memref<19968xi32, #tpu.memory_space<vmem>>, vector<16xi32>,
      %add3A_318 = arith.constant 2 : i32
      %add3A_319 = vector.broadcast %add3A_318 : i32 to vector<16xi32>
      %add3A_320 = arith.addi %mul3A_283, %add3A_319 : vector<16xi32>
      %gather3A_321 = tpu.vector_load_idx %arg9[%add3A_320] : memref<512xf32, #tpu.memory_space<vmem>>[vector<16xi32>], vector<16xf32>,
      %gather3A_322 = tpu.vector_load_idx %arg10[%add3A_320] : memref<512xf32, #tpu.memory_space<vmem>>[vector<16xi32>], vector<16xf32>,
      %add3A_323 = arith.constant 256 : i32
      %add3A_324 = arith.addi %add3A_288, %add3A_323 : i32
      %swap3A_325 = arith.index_cast %add3A_324 : i32 to index
      %swap3A_326 = tpu.vector_load %arg13[%swap3A_325] {strides = array<i32>} : memref<19968xf32, #tpu.memory_space<vmem>>, vector<16xf32>,
      tpu.vector_store %arg13[%swap3A_325], %gather3A_322 {strides = array<i32>} : memref<19968xf32, #tpu.memory_space<vmem>>, vector<16xf32>,
      %bitcast3A_327 = vector.bitcast %gather3A_322 : vector<16xf32> to vector<16xi32>
      %and3A_328 = arith.constant 7 : i32
      %and3A_329 = vector.broadcast %and3A_328 : i32 to vector<16xi32>
      %and3A_330 = arith.andi %bitcast3A_327, %and3A_329 : vector<16xi32>
      %add3A_331 = arith.constant 256 : i32
      %add3A_332 = arith.addi %add3A_288, %add3A_331 : i32
      %swap3A_333 = arith.index_cast %add3A_332 : i32 to index
      %swap3A_334 = tpu.vector_load %arg14[%swap3A_333] {strides = array<i32>} : memref<19968xi32, #tpu.memory_space<vmem>>, vector<16xi32>,
      tpu.vector_store %arg14[%swap3A_333], %and3A_330 {strides = array<i32>} : memref<19968xi32, #tpu.memory_space<vmem>>, vector<16xi32>,
      %add3A_335 = arith.constant 3 : i32
      %add3A_336 = vector.broadcast %add3A_335 : i32 to vector<16xi32>
      %add3A_337 = arith.addi %mul3A_283, %add3A_336 : vector<16xi32>
      %gather3A_338 = tpu.vector_load_idx %arg9[%add3A_337] : memref<512xf32, #tpu.memory_space<vmem>>[vector<16xi32>], vector<16xf32>,
      %gather3A_339 = tpu.vector_load_idx %arg10[%add3A_337] : memref<512xf32, #tpu.memory_space<vmem>>[vector<16xi32>], vector<16xf32>,
      %add3A_340 = arith.constant 384 : i32
      %add3A_341 = arith.addi %add3A_288, %add3A_340 : i32
      %swap3A_342 = arith.index_cast %add3A_341 : i32 to index
      %swap3A_343 = tpu.vector_load %arg13[%swap3A_342] {strides = array<i32>} : memref<19968xf32, #tpu.memory_space<vmem>>, vector<16xf32>,
      tpu.vector_store %arg13[%swap3A_342], %gather3A_339 {strides = array<i32>} : memref<19968xf32, #tpu.memory_space<vmem>>, vector<16xf32>,
      %bitcast3A_344 = vector.bitcast %gather3A_339 : vector<16xf32> to vector<16xi32>
      %and3A_345 = arith.constant 7 : i32
      %and3A_346 = vector.broadcast %and3A_345 : i32 to vector<16xi32>
      %and3A_347 = arith.andi %bitcast3A_344, %and3A_346 : vector<16xi32>
      %add3A_348 = arith.constant 384 : i32
      %add3A_349 = arith.addi %add3A_288, %add3A_348 : i32
      %swap3A_350 = arith.index_cast %add3A_349 : i32 to index
      %swap3A_351 = tpu.vector_load %arg14[%swap3A_350] {strides = array<i32>} : memref<19968xi32, #tpu.memory_space<vmem>>, vector<16xi32>,
      tpu.vector_store %arg14[%swap3A_350], %and3A_347 {strides = array<i32>} : memref<19968xi32, #tpu.memory_space<vmem>>, vector<16xi32>,
      %slice3A = vector.extract_strided_slice %get3A_276 {offsets = [0], sizes = [1], strides = [1]} : vector<16xi32> to vector<1xi32>
      %squeeze3A = vector.extract %slice3A[0] : i32 from vector<1xi32>
      %slice3A_352 = vector.extract_strided_slice %get3A_280 {offsets = [15], sizes = [1], strides = [1]} : vector<16xi32> to vector<1xi32>
      %squeeze3A_353 = vector.extract %slice3A_352[0] : i32 from vector<1xi32>
      %ne3A_354 = arith.cmpi ne, %squeeze3A, %squeeze3A_353 : i32
      %convert_element_type3A_355 = arith.extui %ne3A_354 : i1 to i32
      %cond3A_356 = arith.constant 0 : i32
      %cond3A_357 = arith.cmpi ne, %convert_element_type3A_355, %cond3A_356 : i32
      %cond3A_358:4 = scf.if %cond3A_357 -> (vector<16xf32>, vector<16xf32>, vector<16xf32>, vector<16xf32>) {
        %mul3A_359 = arith.constant 4 : i32
        %mul3A_360 = vector.broadcast %mul3A_359 : i32 to vector<16xi32>
        %mul3A_361 = arith.muli %get3A_276, %mul3A_360 : vector<16xi32>
        %jit3A = arith.constant 0 : i32
        %broadcast_in_dim3A_362 = vector.broadcast %jit3A : i32 to vector<16xi32>
        %select_n3A = arith.select %and3A, %get3A_280, %broadcast_in_dim3A_362 : vector<16xi1>, vector<16xi32>
        %mul3A_363 = arith.constant 4 : i32
        %mul3A_364 = vector.broadcast %mul3A_363 : i32 to vector<16xi32>
        %mul3A_365 = arith.muli %select_n3A, %mul3A_364 : vector<16xi32>
        %or3A = arith.ori %and3A, %eq3A_14 : vector<16xi1>
        %broadcast_in_dim3A_366 = arith.constant true
        %broadcast_in_dim3A_367 = vector.broadcast %broadcast_in_dim3A_366 : i1 to vector<16xi1>
        %masked_cumsum3A = tpu.scan <sum>, %gather3A masked %broadcast_in_dim3A_367 : vector<16xf32>, vector<16xi1> -> vector<16xf32>
        %reduce_sum3A_368 = arith.constant true
        %reduce_sum3A_369 = vector.broadcast %reduce_sum3A_368 : i1 to vector<16xi1>
        %reduce_sum3A_370 = tpu.scan <sum>, %scan3A_267 masked %reduce_sum3A_369 : vector<16xf32>, vector<16xi1> -> vector<16xf32>
        %reduce_sum3A_371 = vector.extract %reduce_sum3A_370[15] : f32 from vector<16xf32>
        %add3A_372 = vector.broadcast %reduce_sum3A_371 : f32 to vector<16xf32>
        %add3A_373 = arith.addf %masked_cumsum3A, %add3A_372 : vector<16xf32>
        tpu.vector_store_idx %arg15[%mul3A_361], %add3A_373 masked %or3A {add = true} : memref<2048xf32, #tpu.memory_space<vmem>>[vector<16xi32>], vector<16xf32>, vector<16xi1>
        %neg3A = arith.constant 0.000000e+00 : f32
        %neg3A_374 = vector.broadcast %neg3A : f32 to vector<16xf32>
        %neg3A_375 = arith.subf %neg3A_374, %add3A_373 : vector<16xf32>
        tpu.vector_store_idx %arg15[%mul3A_365], %neg3A_375 masked %and3A {add = true} : memref<2048xf32, #tpu.memory_space<vmem>>[vector<16xi32>], vector<16xf32>, vector<16xi1>
        %broadcast_in_dim3A_376 = arith.constant true
        %broadcast_in_dim3A_377 = vector.broadcast %broadcast_in_dim3A_376 : i1 to vector<16xi1>
        %masked_cumsum3A_378 = tpu.scan <sum>, %gather3A_304 masked %broadcast_in_dim3A_377 : vector<16xf32>, vector<16xi1> -> vector<16xf32>
        %reduce_sum3A_379 = arith.constant true
        %reduce_sum3A_380 = vector.broadcast %reduce_sum3A_379 : i1 to vector<16xi1>
        %reduce_sum3A_381 = tpu.scan <sum>, %scan3A_268 masked %reduce_sum3A_380 : vector<16xf32>, vector<16xi1> -> vector<16xf32>
        %reduce_sum3A_382 = vector.extract %reduce_sum3A_381[15] : f32 from vector<16xf32>
        %add3A_383 = vector.broadcast %reduce_sum3A_382 : f32 to vector<16xf32>
        %add3A_384 = arith.addf %masked_cumsum3A_378, %add3A_383 : vector<16xf32>
        %add3A_385 = arith.constant 1 : i32
        %add3A_386 = vector.broadcast %add3A_385 : i32 to vector<16xi32>
        %add3A_387 = arith.addi %mul3A_361, %add3A_386 : vector<16xi32>
        %add3A_388 = arith.constant 1 : i32
        %add3A_389 = vector.broadcast %add3A_388 : i32 to vector<16xi32>
        %add3A_390 = arith.addi %mul3A_365, %add3A_389 : vector<16xi32>
        tpu.vector_store_idx %arg15[%add3A_387], %add3A_384 masked %or3A {add = true} : memref<2048xf32, #tpu.memory_space<vmem>>[vector<16xi32>], vector<16xf32>, vector<16xi1>
        %neg3A_391 = arith.constant 0.000000e+00 : f32
        %neg3A_392 = vector.broadcast %neg3A_391 : f32 to vector<16xf32>
        %neg3A_393 = arith.subf %neg3A_392, %add3A_384 : vector<16xf32>
        tpu.vector_store_idx %arg15[%add3A_390], %neg3A_393 masked %and3A {add = true} : memref<2048xf32, #tpu.memory_space<vmem>>[vector<16xi32>], vector<16xf32>, vector<16xi1>
        %broadcast_in_dim3A_394 = arith.constant true
        %broadcast_in_dim3A_395 = vector.broadcast %broadcast_in_dim3A_394 : i1 to vector<16xi1>
        %masked_cumsum3A_396 = tpu.scan <sum>, %gather3A_321 masked %broadcast_in_dim3A_395 : vector<16xf32>, vector<16xi1> -> vector<16xf32>
        %reduce_sum3A_397 = arith.constant true
        %reduce_sum3A_398 = vector.broadcast %reduce_sum3A_397 : i1 to vector<16xi1>
        %reduce_sum3A_399 = tpu.scan <sum>, %scan3A_269 masked %reduce_sum3A_398 : vector<16xf32>, vector<16xi1> -> vector<16xf32>
        %reduce_sum3A_400 = vector.extract %reduce_sum3A_399[15] : f32 from vector<16xf32>
        %add3A_401 = vector.broadcast %reduce_sum3A_400 : f32 to vector<16xf32>
        %add3A_402 = arith.addf %masked_cumsum3A_396, %add3A_401 : vector<16xf32>
        %add3A_403 = arith.constant 2 : i32
        %add3A_404 = vector.broadcast %add3A_403 : i32 to vector<16xi32>
        %add3A_405 = arith.addi %mul3A_361, %add3A_404 : vector<16xi32>
        %add3A_406 = arith.constant 2 : i32
        %add3A_407 = vector.broadcast %add3A_406 : i32 to vector<16xi32>
        %add3A_408 = arith.addi %mul3A_365, %add3A_407 : vector<16xi32>
        tpu.vector_store_idx %arg15[%add3A_405], %add3A_402 masked %or3A {add = true} : memref<2048xf32, #tpu.memory_space<vmem>>[vector<16xi32>], vector<16xf32>, vector<16xi1>
        %neg3A_409 = arith.constant 0.000000e+00 : f32
        %neg3A_410 = vector.broadcast %neg3A_409 : f32 to vector<16xf32>
        %neg3A_411 = arith.subf %neg3A_410, %add3A_402 : vector<16xf32>
        tpu.vector_store_idx %arg15[%add3A_408], %neg3A_411 masked %and3A {add = true} : memref<2048xf32, #tpu.memory_space<vmem>>[vector<16xi32>], vector<16xf32>, vector<16xi1>
        %broadcast_in_dim3A_412 = arith.constant true
        %broadcast_in_dim3A_413 = vector.broadcast %broadcast_in_dim3A_412 : i1 to vector<16xi1>
        %masked_cumsum3A_414 = tpu.scan <sum>, %gather3A_338 masked %broadcast_in_dim3A_413 : vector<16xf32>, vector<16xi1> -> vector<16xf32>
        %reduce_sum3A_415 = arith.constant true
        %reduce_sum3A_416 = vector.broadcast %reduce_sum3A_415 : i1 to vector<16xi1>
        %reduce_sum3A_417 = tpu.scan <sum>, %scan3A_270 masked %reduce_sum3A_416 : vector<16xf32>, vector<16xi1> -> vector<16xf32>
        %reduce_sum3A_418 = vector.extract %reduce_sum3A_417[15] : f32 from vector<16xf32>
        %add3A_419 = vector.broadcast %reduce_sum3A_418 : f32 to vector<16xf32>
        %add3A_420 = arith.addf %masked_cumsum3A_414, %add3A_419 : vector<16xf32>
        %add3A_421 = arith.constant 3 : i32
        %add3A_422 = vector.broadcast %add3A_421 : i32 to vector<16xi32>
        %add3A_423 = arith.addi %mul3A_361, %add3A_422 : vector<16xi32>
        %add3A_424 = arith.constant 3 : i32
        %add3A_425 = vector.broadcast %add3A_424 : i32 to vector<16xi32>
        %add3A_426 = arith.addi %mul3A_365, %add3A_425 : vector<16xi32>
        tpu.vector_store_idx %arg15[%add3A_423], %add3A_420 masked %or3A {add = true} : memref<2048xf32, #tpu.memory_space<vmem>>[vector<16xi32>], vector<16xf32>, vector<16xi1>
        %neg3A_427 = arith.constant 0.000000e+00 : f32
        %neg3A_428 = vector.broadcast %neg3A_427 : f32 to vector<16xf32>
        %neg3A_429 = arith.subf %neg3A_428, %add3A_420 : vector<16xf32>
        tpu.vector_store_idx %arg15[%add3A_426], %neg3A_429 masked %and3A {add = true} : memref<2048xf32, #tpu.memory_space<vmem>>[vector<16xi32>], vector<16xf32>, vector<16xi1>
        scf.yield %broadcast_in_dim3A_7, %broadcast_in_dim3A_7, %broadcast_in_dim3A_7, %broadcast_in_dim3A_7 : vector<16xf32>, vector<16xf32>, vector<16xf32>, vector<16xf32>
      } else {
        %add3A_359 = arith.addf %scan3A_267, %gather3A : vector<16xf32>
        %add3A_360 = arith.addf %scan3A_268, %gather3A_304 : vector<16xf32>
        %add3A_361 = arith.addf %scan3A_269, %gather3A_321 : vector<16xf32>
        %add3A_362 = arith.addf %scan3A_270, %gather3A_338 : vector<16xf32>
        scf.yield %add3A_359, %add3A_360, %add3A_361, %add3A_362 : vector<16xf32>, vector<16xf32>, vector<16xf32>, vector<16xf32>
      }
      scf.yield %cond3A_358#0, %cond3A_358#1, %cond3A_358#2, %cond3A_358#3 : vector<16xf32>, vector<16xf32>, vector<16xf32>, vector<16xf32>
    }
    %scan3A_225 = arith.constant 312 : i32
    %get3A_226 = arith.constant 4976 : index
    %get3A_227 = tpu.vector_load %arg12[%get3A_226] {strides = array<i32>} : memref<5008xi32, #tpu.memory_space<vmem>>, vector<16xi32>,
    %mul3A_228 = arith.constant 4 : i32
    %mul3A_229 = vector.broadcast %mul3A_228 : i32 to vector<16xi32>
    %mul3A_230 = arith.muli %get3A_227, %mul3A_229 : vector<16xi32>
    %reduce_sum3A_231 = arith.constant true
    %reduce_sum3A_232 = vector.broadcast %reduce_sum3A_231 : i1 to vector<16xi1>
    %reduce_sum3A_233 = tpu.scan <sum>, %scan3A_224#0 masked %reduce_sum3A_232 : vector<16xf32>, vector<16xi1> -> vector<16xf32>
    %reduce_sum3A_234 = vector.extract %reduce_sum3A_233[15] : f32 from vector<16xf32>
    %broadcast_in_dim3A_235 = vector.broadcast %reduce_sum3A_234 : f32 to vector<16xf32>
    tpu.vector_store_idx %arg15[%mul3A_230], %broadcast_in_dim3A_235 masked %eq3A_14 {add = true} : memref<2048xf32, #tpu.memory_space<vmem>>[vector<16xi32>], vector<16xf32>, vector<16xi1>
    %reduce_sum3A_236 = arith.constant true
    %reduce_sum3A_237 = vector.broadcast %reduce_sum3A_236 : i1 to vector<16xi1>
    %reduce_sum3A_238 = tpu.scan <sum>, %scan3A_224#1 masked %reduce_sum3A_237 : vector<16xf32>, vector<16xi1> -> vector<16xf32>
    %reduce_sum3A_239 = vector.extract %reduce_sum3A_238[15] : f32 from vector<16xf32>
    %broadcast_in_dim3A_240 = vector.broadcast %reduce_sum3A_239 : f32 to vector<16xf32>
    %add3A_241 = arith.constant 1 : i32
    %add3A_242 = vector.broadcast %add3A_241 : i32 to vector<16xi32>
    %add3A_243 = arith.addi %mul3A_230, %add3A_242 : vector<16xi32>
    tpu.vector_store_idx %arg15[%add3A_243], %broadcast_in_dim3A_240 masked %eq3A_14 {add = true} : memref<2048xf32, #tpu.memory_space<vmem>>[vector<16xi32>], vector<16xf32>, vector<16xi1>
    %reduce_sum3A_244 = arith.constant true
    %reduce_sum3A_245 = vector.broadcast %reduce_sum3A_244 : i1 to vector<16xi1>
    %reduce_sum3A_246 = tpu.scan <sum>, %scan3A_224#2 masked %reduce_sum3A_245 : vector<16xf32>, vector<16xi1> -> vector<16xf32>
    %reduce_sum3A_247 = vector.extract %reduce_sum3A_246[15] : f32 from vector<16xf32>
    %broadcast_in_dim3A_248 = vector.broadcast %reduce_sum3A_247 : f32 to vector<16xf32>
    %add3A_249 = arith.constant 2 : i32
    %add3A_250 = vector.broadcast %add3A_249 : i32 to vector<16xi32>
    %add3A_251 = arith.addi %mul3A_230, %add3A_250 : vector<16xi32>
    tpu.vector_store_idx %arg15[%add3A_251], %broadcast_in_dim3A_248 masked %eq3A_14 {add = true} : memref<2048xf32, #tpu.memory_space<vmem>>[vector<16xi32>], vector<16xf32>, vector<16xi1>
    %reduce_sum3A_252 = arith.constant true
    %reduce_sum3A_253 = vector.broadcast %reduce_sum3A_252 : i1 to vector<16xi1>
    %reduce_sum3A_254 = tpu.scan <sum>, %scan3A_224#3 masked %reduce_sum3A_253 : vector<16xf32>, vector<16xi1> -> vector<16xf32>
    %reduce_sum3A_255 = vector.extract %reduce_sum3A_254[15] : f32 from vector<16xf32>
    %broadcast_in_dim3A_256 = vector.broadcast %reduce_sum3A_255 : f32 to vector<16xf32>
    %add3A_257 = arith.constant 3 : i32
    %add3A_258 = vector.broadcast %add3A_257 : i32 to vector<16xi32>
    %add3A_259 = arith.addi %mul3A_230, %add3A_258 : vector<16xi32>
    tpu.vector_store_idx %arg15[%add3A_259], %broadcast_in_dim3A_256 masked %eq3A_14 {add = true} : memref<2048xf32, #tpu.memory_space<vmem>>[vector<16xi32>], vector<16xf32>, vector<16xi1>
    %mul3A_260 = arith.constant 4 : i32
    %mul3A_261 = arith.muli %multiple_of3A_215, %mul3A_260 : i32
    %multiple_of3A_262 = tpu.assume_multiple %mul3A_261, 8 : i32
    "tpu.region"() ({
      %run_scoped3A = tpu.sem_alloc : memref<!tpu.dma_semaphore, #tpu.memory_space<semaphore_mem>>
      %dma_start3A = arith.constant 0 : i32
      %dma_start3A_266 = tpu.memref_slice %arg13[%dma_start3A] : memref<19968xf32, #tpu.memory_space<vmem>> -> memref<19968xf32, #tpu.memory_space<vmem>>
      %dma_start3A_267 = tpu.memref_slice %arg6[%multiple_of3A_262] : memref<3200000xf32, #tpu.memory_space<hbm>> -> memref<19968xf32, #tpu.memory_space<hbm>>
      %dma_start3A_268 = tpu.memref_slice %arg6[%multiple_of3A_262] : memref<3200000xf32, #tpu.memory_space<hbm>> -> memref<19968xf32, #tpu.memory_space<hbm>>
      %dma_start3A_269 = arith.constant 0 : i32
      %dma_start3A_270 = tpu.memref_slice %arg13[%dma_start3A_269] : memref<19968xf32, #tpu.memory_space<vmem>> -> memref<19968xf32, #tpu.memory_space<vmem>>
      tpu.enqueue_dma source(%dma_start3A_270 : memref<19968xf32, #tpu.memory_space<vmem>>) target(%dma_start3A_268 : memref<19968xf32, #tpu.memory_space<hbm>>) target_semaphore(%run_scoped3A : memref<!tpu.dma_semaphore, #tpu.memory_space<semaphore_mem>>)
      %dma_wait3A = arith.constant 0 : i32
      %dma_wait3A_271 = tpu.memref_slice %arg13[%dma_wait3A] : memref<19968xf32, #tpu.memory_space<vmem>> -> memref<19968xf32, #tpu.memory_space<vmem>>
      %dma_wait3A_272 = tpu.memref_slice %arg6[%multiple_of3A_262] : memref<3200000xf32, #tpu.memory_space<hbm>> -> memref<19968xf32, #tpu.memory_space<hbm>>
      %dma_wait3A_273 = tpu.memref_slice %arg6[%multiple_of3A_262] : memref<3200000xf32, #tpu.memory_space<hbm>> -> memref<19968xf32, #tpu.memory_space<hbm>>
      %dma_wait3A_274 = arith.constant 0 : i32
      %dma_wait3A_275 = tpu.memref_slice %arg13[%dma_wait3A_274] : memref<19968xf32, #tpu.memory_space<vmem>> -> memref<19968xf32, #tpu.memory_space<vmem>>
      tpu.wait_dma2 semaphore(%run_scoped3A : memref<!tpu.dma_semaphore, #tpu.memory_space<semaphore_mem>>) src(%dma_wait3A_275 : memref<19968xf32, #tpu.memory_space<vmem>>) dst(%dma_wait3A_273 : memref<19968xf32, #tpu.memory_space<hbm>>)
      tpu.yield
    }) : () -> ()
    "tpu.region"() ({
      %run_scoped3A = tpu.sem_alloc : memref<!tpu.dma_semaphore, #tpu.memory_space<semaphore_mem>>
      %dma_start3A = arith.constant 0 : i32
      %dma_start3A_266 = tpu.memref_slice %arg14[%dma_start3A] : memref<19968xi32, #tpu.memory_space<vmem>> -> memref<19968xi32, #tpu.memory_space<vmem>>
      %dma_start3A_267 = tpu.memref_slice %arg7[%multiple_of3A_262] : memref<3200000xi32, #tpu.memory_space<hbm>> -> memref<19968xi32, #tpu.memory_space<hbm>>
      %dma_start3A_268 = tpu.memref_slice %arg7[%multiple_of3A_262] : memref<3200000xi32, #tpu.memory_space<hbm>> -> memref<19968xi32, #tpu.memory_space<hbm>>
      %dma_start3A_269 = arith.constant 0 : i32
      %dma_start3A_270 = tpu.memref_slice %arg14[%dma_start3A_269] : memref<19968xi32, #tpu.memory_space<vmem>> -> memref<19968xi32, #tpu.memory_space<vmem>>
      tpu.enqueue_dma source(%dma_start3A_270 : memref<19968xi32, #tpu.memory_space<vmem>>) target(%dma_start3A_268 : memref<19968xi32, #tpu.memory_space<hbm>>) target_semaphore(%run_scoped3A : memref<!tpu.dma_semaphore, #tpu.memory_space<semaphore_mem>>)
      %dma_wait3A = arith.constant 0 : i32
      %dma_wait3A_271 = tpu.memref_slice %arg14[%dma_wait3A] : memref<19968xi32, #tpu.memory_space<vmem>> -> memref<19968xi32, #tpu.memory_space<vmem>>
      %dma_wait3A_272 = tpu.memref_slice %arg7[%multiple_of3A_262] : memref<3200000xi32, #tpu.memory_space<hbm>> -> memref<19968xi32, #tpu.memory_space<hbm>>
      %dma_wait3A_273 = tpu.memref_slice %arg7[%multiple_of3A_262] : memref<3200000xi32, #tpu.memory_space<hbm>> -> memref<19968xi32, #tpu.memory_space<hbm>>
      %dma_wait3A_274 = arith.constant 0 : i32
      %dma_wait3A_275 = tpu.memref_slice %arg14[%dma_wait3A_274] : memref<19968xi32, #tpu.memory_space<vmem>> -> memref<19968xi32, #tpu.memory_space<vmem>>
      tpu.wait_dma2 semaphore(%run_scoped3A : memref<!tpu.dma_semaphore, #tpu.memory_space<semaphore_mem>>) src(%dma_wait3A_275 : memref<19968xi32, #tpu.memory_space<vmem>>) dst(%dma_wait3A_273 : memref<19968xi32, #tpu.memory_space<hbm>>)
      tpu.yield
    }) : () -> ()
    %lt3A_263 = arith.constant 10 : i32
    %lt3A_264 = arith.cmpi slt, %add3A, %lt3A_263 : i32
    %convert_element_type3A = arith.extui %lt3A_264 : i1 to i32
    %cond3A = arith.constant 0 : i32
    %cond3A_265 = arith.cmpi ne, %convert_element_type3A, %cond3A : i32
    scf.if %cond3A_265 {
      %add3A_266 = arith.constant 24960 : i32
      %add3A_267 = arith.addi %mul3A_6, %add3A_266 : i32
      %multiple_of3A_268 = tpu.assume_multiple %add3A_267, 8 : i32
      "tpu.region"() ({
        %run_scoped3A = tpu.sem_alloc : memref<!tpu.dma_semaphore, #tpu.memory_space<semaphore_mem>>
        %dma_start3A = arith.constant 0 : i32
        %dma_start3A_316 = tpu.memref_slice %arg11[%dma_start3A] : memref<5008xi32, #tpu.memory_space<vmem>> -> memref<128xi32, #tpu.memory_space<vmem>>
        %dma_start3A_317 = tpu.memref_slice %arg2[%multiple_of3A_268] : memref<800000xi32, #tpu.memory_space<hbm>> -> memref<128xi32, #tpu.memory_space<hbm>>
        %dma_start3A_318 = arith.constant 0 : i32
        %dma_start3A_319 = tpu.memref_slice %arg11[%dma_start3A_318] : memref<5008xi32, #tpu.memory_space<vmem>> -> memref<128xi32, #tpu.memory_space<vmem>>
        %dma_start3A_320 = tpu.memref_slice %arg2[%multiple_of3A_268] : memref<800000xi32, #tpu.memory_space<hbm>> -> memref<128xi32, #tpu.memory_space<hbm>>
        tpu.enqueue_dma source(%dma_start3A_320 : memref<128xi32, #tpu.memory_space<hbm>>) target(%dma_start3A_319 : memref<128xi32, #tpu.memory_space<vmem>>) target_semaphore(%run_scoped3A : memref<!tpu.dma_semaphore, #tpu.memory_space<semaphore_mem>>)
        %dma_wait3A = arith.constant 0 : i32
        %dma_wait3A_321 = tpu.memref_slice %arg11[%dma_wait3A] : memref<5008xi32, #tpu.memory_space<vmem>> -> memref<128xi32, #tpu.memory_space<vmem>>
        %dma_wait3A_322 = tpu.memref_slice %arg2[%multiple_of3A_268] : memref<800000xi32, #tpu.memory_space<hbm>> -> memref<128xi32, #tpu.memory_space<hbm>>
        %dma_wait3A_323 = arith.constant 0 : i32
        %dma_wait3A_324 = tpu.memref_slice %arg11[%dma_wait3A_323] : memref<5008xi32, #tpu.memory_space<vmem>> -> memref<128xi32, #tpu.memory_space<vmem>>
        %dma_wait3A_325 = tpu.memref_slice %arg2[%multiple_of3A_268] : memref<800000xi32, #tpu.memory_space<hbm>> -> memref<128xi32, #tpu.memory_space<hbm>>
        tpu.wait_dma2 semaphore(%run_scoped3A : memref<!tpu.dma_semaphore, #tpu.memory_space<semaphore_mem>>) src(%dma_wait3A_325 : memref<128xi32, #tpu.memory_space<hbm>>) dst(%dma_wait3A_324 : memref<128xi32, #tpu.memory_space<vmem>>)
        tpu.yield
      }) : () -> ()
      "tpu.region"() ({
        %run_scoped3A = tpu.sem_alloc : memref<!tpu.dma_semaphore, #tpu.memory_space<semaphore_mem>>
        %dma_start3A = arith.constant 0 : i32
        %dma_start3A_316 = tpu.memref_slice %arg12[%dma_start3A] : memref<5008xi32, #tpu.memory_space<vmem>> -> memref<128xi32, #tpu.memory_space<vmem>>
        %dma_start3A_317 = tpu.memref_slice %arg3[%multiple_of3A_268] : memref<800000xi32, #tpu.memory_space<hbm>> -> memref<128xi32, #tpu.memory_space<hbm>>
        %dma_start3A_318 = arith.constant 0 : i32
        %dma_start3A_319 = tpu.memref_slice %arg12[%dma_start3A_318] : memref<5008xi32, #tpu.memory_space<vmem>> -> memref<128xi32, #tpu.memory_space<vmem>>
        %dma_start3A_320 = tpu.memref_slice %arg3[%multiple_of3A_268] : memref<800000xi32, #tpu.memory_space<hbm>> -> memref<128xi32, #tpu.memory_space<hbm>>
        tpu.enqueue_dma source(%dma_start3A_320 : memref<128xi32, #tpu.memory_space<hbm>>) target(%dma_start3A_319 : memref<128xi32, #tpu.memory_space<vmem>>) target_semaphore(%run_scoped3A : memref<!tpu.dma_semaphore, #tpu.memory_space<semaphore_mem>>)
        %dma_wait3A = arith.constant 0 : i32
        %dma_wait3A_321 = tpu.memref_slice %arg12[%dma_wait3A] : memref<5008xi32, #tpu.memory_space<vmem>> -> memref<128xi32, #tpu.memory_space<vmem>>
        %dma_wait3A_322 = tpu.memref_slice %arg3[%multiple_of3A_268] : memref<800000xi32, #tpu.memory_space<hbm>> -> memref<128xi32, #tpu.memory_space<hbm>>
        %dma_wait3A_323 = arith.constant 0 : i32
        %dma_wait3A_324 = tpu.memref_slice %arg12[%dma_wait3A_323] : memref<5008xi32, #tpu.memory_space<vmem>> -> memref<128xi32, #tpu.memory_space<vmem>>
        %dma_wait3A_325 = tpu.memref_slice %arg3[%multiple_of3A_268] : memref<800000xi32, #tpu.memory_space<hbm>> -> memref<128xi32, #tpu.memory_space<hbm>>
        tpu.wait_dma2 semaphore(%run_scoped3A : memref<!tpu.dma_semaphore, #tpu.memory_space<semaphore_mem>>) src(%dma_wait3A_325 : memref<128xi32, #tpu.memory_space<hbm>>) dst(%dma_wait3A_324 : memref<128xi32, #tpu.memory_space<vmem>>)
        tpu.yield
      }) : () -> ()
      %broadcast_in_dim3A_269 = arith.constant 2147483647 : i32
      %broadcast_in_dim3A_270 = vector.broadcast %broadcast_in_dim3A_269 : i32 to vector<16xi32>
      %swap3A_271 = arith.constant 128 : index
      %swap3A_272 = tpu.vector_load %arg12[%swap3A_271] {strides = array<i32>} : memref<5008xi32, #tpu.memory_space<vmem>>, vector<16xi32>,
      tpu.vector_store %arg12[%swap3A_271], %broadcast_in_dim3A_270 {strides = array<i32>} : memref<5008xi32, #tpu.memory_space<vmem>>, vector<16xi32>,
      %scan3A_273 = arith.constant 0 : i32
      %scan3A_274 = arith.constant 8 : i32
      %scan3A_275 = arith.addi %scan3A_273, %scan3A_274 : i32
      %scan3A_276 = arith.constant 1 : i32
      %scan3A_277:4 = scf.for %scan3A_316 = %scan3A_273 to %scan3A_275 step %scan3A_276 iter_args(%scan3A_317 = %broadcast_in_dim3A_7, %scan3A_318 = %broadcast_in_dim3A_7, %scan3A_319 = %broadcast_in_dim3A_7, %scan3A_320 = %broadcast_in_dim3A_7) -> (vector<16xf32>, vector<16xf32>, vector<16xf32>, vector<16xf32>)  : i32 {
        %mul3A_321 = arith.constant 16 : i32
        %mul3A_322 = arith.muli %scan3A_316, %mul3A_321 : i32
        %get3A_323 = arith.index_cast %mul3A_322 : i32 to index
        %get3A_324 = tpu.vector_load %arg11[%get3A_323] {strides = array<i32>} : memref<5008xi32, #tpu.memory_space<vmem>>, vector<16xi32>,
        %get3A_325 = arith.index_cast %mul3A_322 : i32 to index
        %get3A_326 = tpu.vector_load %arg12[%get3A_325] {strides = array<i32>} : memref<5008xi32, #tpu.memory_space<vmem>>, vector<16xi32>,
        %add3A_327 = arith.constant 1 : i32
        %add3A_328 = arith.addi %mul3A_322, %add3A_327 : i32
        %get3A_329 = arith.index_cast %add3A_328 : i32 to index
        %get3A_330 = tpu.vector_load %arg12[%get3A_329] {strides = array<i32>} : memref<5008xi32, #tpu.memory_space<vmem>>, vector<16xi32>,
        %ne3A = arith.cmpi ne, %get3A_326, %get3A_330 : vector<16xi32>
        %and3A = arith.andi %ne3A, %lt3A_16 : vector<16xi1>
        %mul3A_331 = arith.constant 4 : i32
        %mul3A_332 = vector.broadcast %mul3A_331 : i32 to vector<16xi32>
        %mul3A_333 = arith.muli %get3A_324, %mul3A_332 : vector<16xi32>
        %shift_right_arithmetic3A = arith.constant 7 : i32
        %shift_right_arithmetic3A_334 = arith.shrsi %mul3A_322, %shift_right_arithmetic3A : i32
        %shift_left3A = arith.constant 9 : i32
        %shift_left3A_335 = arith.shli %shift_right_arithmetic3A_334, %shift_left3A : i32
        %and3A_336 = arith.constant 127 : i32
        %and3A_337 = arith.andi %mul3A_322, %and3A_336 : i32
        %add3A_338 = arith.addi %shift_left3A_335, %and3A_337 : i32
        %gather3A = tpu.vector_load_idx %arg9[%mul3A_333] : memref<512xf32, #tpu.memory_space<vmem>>[vector<16xi32>], vector<16xf32>,
        %gather3A_339 = tpu.vector_load_idx %arg10[%mul3A_333] : memref<512xf32, #tpu.memory_space<vmem>>[vector<16xi32>], vector<16xf32>,
        %add3A_340 = arith.constant 0 : i32
        %add3A_341 = arith.addi %add3A_338, %add3A_340 : i32
        %swap3A_342 = arith.index_cast %add3A_341 : i32 to index
        %swap3A_343 = tpu.vector_load %arg13[%swap3A_342] {strides = array<i32>} : memref<19968xf32, #tpu.memory_space<vmem>>, vector<16xf32>,
        tpu.vector_store %arg13[%swap3A_342], %gather3A_339 {strides = array<i32>} : memref<19968xf32, #tpu.memory_space<vmem>>, vector<16xf32>,
        %bitcast3A = vector.bitcast %gather3A_339 : vector<16xf32> to vector<16xi32>
        %and3A_344 = arith.constant 7 : i32
        %and3A_345 = vector.broadcast %and3A_344 : i32 to vector<16xi32>
        %and3A_346 = arith.andi %bitcast3A, %and3A_345 : vector<16xi32>
        %add3A_347 = arith.constant 0 : i32
        %add3A_348 = arith.addi %add3A_338, %add3A_347 : i32
        %swap3A_349 = arith.index_cast %add3A_348 : i32 to index
        %swap3A_350 = tpu.vector_load %arg14[%swap3A_349] {strides = array<i32>} : memref<19968xi32, #tpu.memory_space<vmem>>, vector<16xi32>,
        tpu.vector_store %arg14[%swap3A_349], %and3A_346 {strides = array<i32>} : memref<19968xi32, #tpu.memory_space<vmem>>, vector<16xi32>,
        %add3A_351 = arith.constant 1 : i32
        %add3A_352 = vector.broadcast %add3A_351 : i32 to vector<16xi32>
        %add3A_353 = arith.addi %mul3A_333, %add3A_352 : vector<16xi32>
        %gather3A_354 = tpu.vector_load_idx %arg9[%add3A_353] : memref<512xf32, #tpu.memory_space<vmem>>[vector<16xi32>], vector<16xf32>,
        %gather3A_355 = tpu.vector_load_idx %arg10[%add3A_353] : memref<512xf32, #tpu.memory_space<vmem>>[vector<16xi32>], vector<16xf32>,
        %add3A_356 = arith.constant 128 : i32
        %add3A_357 = arith.addi %add3A_338, %add3A_356 : i32
        %swap3A_358 = arith.index_cast %add3A_357 : i32 to index
        %swap3A_359 = tpu.vector_load %arg13[%swap3A_358] {strides = array<i32>} : memref<19968xf32, #tpu.memory_space<vmem>>, vector<16xf32>,
        tpu.vector_store %arg13[%swap3A_358], %gather3A_355 {strides = array<i32>} : memref<19968xf32, #tpu.memory_space<vmem>>, vector<16xf32>,
        %bitcast3A_360 = vector.bitcast %gather3A_355 : vector<16xf32> to vector<16xi32>
        %and3A_361 = arith.constant 7 : i32
        %and3A_362 = vector.broadcast %and3A_361 : i32 to vector<16xi32>
        %and3A_363 = arith.andi %bitcast3A_360, %and3A_362 : vector<16xi32>
        %add3A_364 = arith.constant 128 : i32
        %add3A_365 = arith.addi %add3A_338, %add3A_364 : i32
        %swap3A_366 = arith.index_cast %add3A_365 : i32 to index
        %swap3A_367 = tpu.vector_load %arg14[%swap3A_366] {strides = array<i32>} : memref<19968xi32, #tpu.memory_space<vmem>>, vector<16xi32>,
        tpu.vector_store %arg14[%swap3A_366], %and3A_363 {strides = array<i32>} : memref<19968xi32, #tpu.memory_space<vmem>>, vector<16xi32>,
        %add3A_368 = arith.constant 2 : i32
        %add3A_369 = vector.broadcast %add3A_368 : i32 to vector<16xi32>
        %add3A_370 = arith.addi %mul3A_333, %add3A_369 : vector<16xi32>
        %gather3A_371 = tpu.vector_load_idx %arg9[%add3A_370] : memref<512xf32, #tpu.memory_space<vmem>>[vector<16xi32>], vector<16xf32>,
        %gather3A_372 = tpu.vector_load_idx %arg10[%add3A_370] : memref<512xf32, #tpu.memory_space<vmem>>[vector<16xi32>], vector<16xf32>,
        %add3A_373 = arith.constant 256 : i32
        %add3A_374 = arith.addi %add3A_338, %add3A_373 : i32
        %swap3A_375 = arith.index_cast %add3A_374 : i32 to index
        %swap3A_376 = tpu.vector_load %arg13[%swap3A_375] {strides = array<i32>} : memref<19968xf32, #tpu.memory_space<vmem>>, vector<16xf32>,
        tpu.vector_store %arg13[%swap3A_375], %gather3A_372 {strides = array<i32>} : memref<19968xf32, #tpu.memory_space<vmem>>, vector<16xf32>,
        %bitcast3A_377 = vector.bitcast %gather3A_372 : vector<16xf32> to vector<16xi32>
        %and3A_378 = arith.constant 7 : i32
        %and3A_379 = vector.broadcast %and3A_378 : i32 to vector<16xi32>
        %and3A_380 = arith.andi %bitcast3A_377, %and3A_379 : vector<16xi32>
        %add3A_381 = arith.constant 256 : i32
        %add3A_382 = arith.addi %add3A_338, %add3A_381 : i32
        %swap3A_383 = arith.index_cast %add3A_382 : i32 to index
        %swap3A_384 = tpu.vector_load %arg14[%swap3A_383] {strides = array<i32>} : memref<19968xi32, #tpu.memory_space<vmem>>, vector<16xi32>,
        tpu.vector_store %arg14[%swap3A_383], %and3A_380 {strides = array<i32>} : memref<19968xi32, #tpu.memory_space<vmem>>, vector<16xi32>,
        %add3A_385 = arith.constant 3 : i32
        %add3A_386 = vector.broadcast %add3A_385 : i32 to vector<16xi32>
        %add3A_387 = arith.addi %mul3A_333, %add3A_386 : vector<16xi32>
        %gather3A_388 = tpu.vector_load_idx %arg9[%add3A_387] : memref<512xf32, #tpu.memory_space<vmem>>[vector<16xi32>], vector<16xf32>,
        %gather3A_389 = tpu.vector_load_idx %arg10[%add3A_387] : memref<512xf32, #tpu.memory_space<vmem>>[vector<16xi32>], vector<16xf32>,
        %add3A_390 = arith.constant 384 : i32
        %add3A_391 = arith.addi %add3A_338, %add3A_390 : i32
        %swap3A_392 = arith.index_cast %add3A_391 : i32 to index
        %swap3A_393 = tpu.vector_load %arg13[%swap3A_392] {strides = array<i32>} : memref<19968xf32, #tpu.memory_space<vmem>>, vector<16xf32>,
        tpu.vector_store %arg13[%swap3A_392], %gather3A_389 {strides = array<i32>} : memref<19968xf32, #tpu.memory_space<vmem>>, vector<16xf32>,
        %bitcast3A_394 = vector.bitcast %gather3A_389 : vector<16xf32> to vector<16xi32>
        %and3A_395 = arith.constant 7 : i32
        %and3A_396 = vector.broadcast %and3A_395 : i32 to vector<16xi32>
        %and3A_397 = arith.andi %bitcast3A_394, %and3A_396 : vector<16xi32>
        %add3A_398 = arith.constant 384 : i32
        %add3A_399 = arith.addi %add3A_338, %add3A_398 : i32
        %swap3A_400 = arith.index_cast %add3A_399 : i32 to index
        %swap3A_401 = tpu.vector_load %arg14[%swap3A_400] {strides = array<i32>} : memref<19968xi32, #tpu.memory_space<vmem>>, vector<16xi32>,
        tpu.vector_store %arg14[%swap3A_400], %and3A_397 {strides = array<i32>} : memref<19968xi32, #tpu.memory_space<vmem>>, vector<16xi32>,
        %slice3A = vector.extract_strided_slice %get3A_326 {offsets = [0], sizes = [1], strides = [1]} : vector<16xi32> to vector<1xi32>
        %squeeze3A = vector.extract %slice3A[0] : i32 from vector<1xi32>
        %slice3A_402 = vector.extract_strided_slice %get3A_330 {offsets = [15], sizes = [1], strides = [1]} : vector<16xi32> to vector<1xi32>
        %squeeze3A_403 = vector.extract %slice3A_402[0] : i32 from vector<1xi32>
        %ne3A_404 = arith.cmpi ne, %squeeze3A, %squeeze3A_403 : i32
        %convert_element_type3A_405 = arith.extui %ne3A_404 : i1 to i32
        %cond3A_406 = arith.constant 0 : i32
        %cond3A_407 = arith.cmpi ne, %convert_element_type3A_405, %cond3A_406 : i32
        %cond3A_408:4 = scf.if %cond3A_407 -> (vector<16xf32>, vector<16xf32>, vector<16xf32>, vector<16xf32>) {
          %mul3A_409 = arith.constant 4 : i32
          %mul3A_410 = vector.broadcast %mul3A_409 : i32 to vector<16xi32>
          %mul3A_411 = arith.muli %get3A_326, %mul3A_410 : vector<16xi32>
          %jit3A = arith.constant 0 : i32
          %broadcast_in_dim3A_412 = vector.broadcast %jit3A : i32 to vector<16xi32>
          %select_n3A = arith.select %and3A, %get3A_330, %broadcast_in_dim3A_412 : vector<16xi1>, vector<16xi32>
          %mul3A_413 = arith.constant 4 : i32
          %mul3A_414 = vector.broadcast %mul3A_413 : i32 to vector<16xi32>
          %mul3A_415 = arith.muli %select_n3A, %mul3A_414 : vector<16xi32>
          %or3A = arith.ori %and3A, %eq3A_14 : vector<16xi1>
          %broadcast_in_dim3A_416 = arith.constant true
          %broadcast_in_dim3A_417 = vector.broadcast %broadcast_in_dim3A_416 : i1 to vector<16xi1>
          %masked_cumsum3A = tpu.scan <sum>, %gather3A masked %broadcast_in_dim3A_417 : vector<16xf32>, vector<16xi1> -> vector<16xf32>
          %reduce_sum3A_418 = arith.constant true
          %reduce_sum3A_419 = vector.broadcast %reduce_sum3A_418 : i1 to vector<16xi1>
          %reduce_sum3A_420 = tpu.scan <sum>, %scan3A_317 masked %reduce_sum3A_419 : vector<16xf32>, vector<16xi1> -> vector<16xf32>
          %reduce_sum3A_421 = vector.extract %reduce_sum3A_420[15] : f32 from vector<16xf32>
          %add3A_422 = vector.broadcast %reduce_sum3A_421 : f32 to vector<16xf32>
          %add3A_423 = arith.addf %masked_cumsum3A, %add3A_422 : vector<16xf32>
          tpu.vector_store_idx %arg15[%mul3A_411], %add3A_423 masked %or3A {add = true} : memref<2048xf32, #tpu.memory_space<vmem>>[vector<16xi32>], vector<16xf32>, vector<16xi1>
          %neg3A = arith.constant 0.000000e+00 : f32
          %neg3A_424 = vector.broadcast %neg3A : f32 to vector<16xf32>
          %neg3A_425 = arith.subf %neg3A_424, %add3A_423 : vector<16xf32>
          tpu.vector_store_idx %arg15[%mul3A_415], %neg3A_425 masked %and3A {add = true} : memref<2048xf32, #tpu.memory_space<vmem>>[vector<16xi32>], vector<16xf32>, vector<16xi1>
          %broadcast_in_dim3A_426 = arith.constant true
          %broadcast_in_dim3A_427 = vector.broadcast %broadcast_in_dim3A_426 : i1 to vector<16xi1>
          %masked_cumsum3A_428 = tpu.scan <sum>, %gather3A_354 masked %broadcast_in_dim3A_427 : vector<16xf32>, vector<16xi1> -> vector<16xf32>
          %reduce_sum3A_429 = arith.constant true
          %reduce_sum3A_430 = vector.broadcast %reduce_sum3A_429 : i1 to vector<16xi1>
          %reduce_sum3A_431 = tpu.scan <sum>, %scan3A_318 masked %reduce_sum3A_430 : vector<16xf32>, vector<16xi1> -> vector<16xf32>
          %reduce_sum3A_432 = vector.extract %reduce_sum3A_431[15] : f32 from vector<16xf32>
          %add3A_433 = vector.broadcast %reduce_sum3A_432 : f32 to vector<16xf32>
          %add3A_434 = arith.addf %masked_cumsum3A_428, %add3A_433 : vector<16xf32>
          %add3A_435 = arith.constant 1 : i32
          %add3A_436 = vector.broadcast %add3A_435 : i32 to vector<16xi32>
          %add3A_437 = arith.addi %mul3A_411, %add3A_436 : vector<16xi32>
          %add3A_438 = arith.constant 1 : i32
          %add3A_439 = vector.broadcast %add3A_438 : i32 to vector<16xi32>
          %add3A_440 = arith.addi %mul3A_415, %add3A_439 : vector<16xi32>
          tpu.vector_store_idx %arg15[%add3A_437], %add3A_434 masked %or3A {add = true} : memref<2048xf32, #tpu.memory_space<vmem>>[vector<16xi32>], vector<16xf32>, vector<16xi1>
          %neg3A_441 = arith.constant 0.000000e+00 : f32
          %neg3A_442 = vector.broadcast %neg3A_441 : f32 to vector<16xf32>
          %neg3A_443 = arith.subf %neg3A_442, %add3A_434 : vector<16xf32>
          tpu.vector_store_idx %arg15[%add3A_440], %neg3A_443 masked %and3A {add = true} : memref<2048xf32, #tpu.memory_space<vmem>>[vector<16xi32>], vector<16xf32>, vector<16xi1>
          %broadcast_in_dim3A_444 = arith.constant true
          %broadcast_in_dim3A_445 = vector.broadcast %broadcast_in_dim3A_444 : i1 to vector<16xi1>
          %masked_cumsum3A_446 = tpu.scan <sum>, %gather3A_371 masked %broadcast_in_dim3A_445 : vector<16xf32>, vector<16xi1> -> vector<16xf32>
          %reduce_sum3A_447 = arith.constant true
          %reduce_sum3A_448 = vector.broadcast %reduce_sum3A_447 : i1 to vector<16xi1>
          %reduce_sum3A_449 = tpu.scan <sum>, %scan3A_319 masked %reduce_sum3A_448 : vector<16xf32>, vector<16xi1> -> vector<16xf32>
          %reduce_sum3A_450 = vector.extract %reduce_sum3A_449[15] : f32 from vector<16xf32>
          %add3A_451 = vector.broadcast %reduce_sum3A_450 : f32 to vector<16xf32>
          %add3A_452 = arith.addf %masked_cumsum3A_446, %add3A_451 : vector<16xf32>
          %add3A_453 = arith.constant 2 : i32
          %add3A_454 = vector.broadcast %add3A_453 : i32 to vector<16xi32>
          %add3A_455 = arith.addi %mul3A_411, %add3A_454 : vector<16xi32>
          %add3A_456 = arith.constant 2 : i32
          %add3A_457 = vector.broadcast %add3A_456 : i32 to vector<16xi32>
          %add3A_458 = arith.addi %mul3A_415, %add3A_457 : vector<16xi32>
          tpu.vector_store_idx %arg15[%add3A_455], %add3A_452 masked %or3A {add = true} : memref<2048xf32, #tpu.memory_space<vmem>>[vector<16xi32>], vector<16xf32>, vector<16xi1>
          %neg3A_459 = arith.constant 0.000000e+00 : f32
          %neg3A_460 = vector.broadcast %neg3A_459 : f32 to vector<16xf32>
          %neg3A_461 = arith.subf %neg3A_460, %add3A_452 : vector<16xf32>
          tpu.vector_store_idx %arg15[%add3A_458], %neg3A_461 masked %and3A {add = true} : memref<2048xf32, #tpu.memory_space<vmem>>[vector<16xi32>], vector<16xf32>, vector<16xi1>
          %broadcast_in_dim3A_462 = arith.constant true
          %broadcast_in_dim3A_463 = vector.broadcast %broadcast_in_dim3A_462 : i1 to vector<16xi1>
          %masked_cumsum3A_464 = tpu.scan <sum>, %gather3A_388 masked %broadcast_in_dim3A_463 : vector<16xf32>, vector<16xi1> -> vector<16xf32>
          %reduce_sum3A_465 = arith.constant true
          %reduce_sum3A_466 = vector.broadcast %reduce_sum3A_465 : i1 to vector<16xi1>
          %reduce_sum3A_467 = tpu.scan <sum>, %scan3A_320 masked %reduce_sum3A_466 : vector<16xf32>, vector<16xi1> -> vector<16xf32>
          %reduce_sum3A_468 = vector.extract %reduce_sum3A_467[15] : f32 from vector<16xf32>
          %add3A_469 = vector.broadcast %reduce_sum3A_468 : f32 to vector<16xf32>
          %add3A_470 = arith.addf %masked_cumsum3A_464, %add3A_469 : vector<16xf32>
          %add3A_471 = arith.constant 3 : i32
          %add3A_472 = vector.broadcast %add3A_471 : i32 to vector<16xi32>
          %add3A_473 = arith.addi %mul3A_411, %add3A_472 : vector<16xi32>
          %add3A_474 = arith.constant 3 : i32
          %add3A_475 = vector.broadcast %add3A_474 : i32 to vector<16xi32>
          %add3A_476 = arith.addi %mul3A_415, %add3A_475 : vector<16xi32>
          tpu.vector_store_idx %arg15[%add3A_473], %add3A_470 masked %or3A {add = true} : memref<2048xf32, #tpu.memory_space<vmem>>[vector<16xi32>], vector<16xf32>, vector<16xi1>
          %neg3A_477 = arith.constant 0.000000e+00 : f32
          %neg3A_478 = vector.broadcast %neg3A_477 : f32 to vector<16xf32>
          %neg3A_479 = arith.subf %neg3A_478, %add3A_470 : vector<16xf32>
          tpu.vector_store_idx %arg15[%add3A_476], %neg3A_479 masked %and3A {add = true} : memref<2048xf32, #tpu.memory_space<vmem>>[vector<16xi32>], vector<16xf32>, vector<16xi1>
          scf.yield %broadcast_in_dim3A_7, %broadcast_in_dim3A_7, %broadcast_in_dim3A_7, %broadcast_in_dim3A_7 : vector<16xf32>, vector<16xf32>, vector<16xf32>, vector<16xf32>
        } else {
          %add3A_409 = arith.addf %scan3A_317, %gather3A : vector<16xf32>
          %add3A_410 = arith.addf %scan3A_318, %gather3A_354 : vector<16xf32>
          %add3A_411 = arith.addf %scan3A_319, %gather3A_371 : vector<16xf32>
          %add3A_412 = arith.addf %scan3A_320, %gather3A_388 : vector<16xf32>
          scf.yield %add3A_409, %add3A_410, %add3A_411, %add3A_412 : vector<16xf32>, vector<16xf32>, vector<16xf32>, vector<16xf32>
        }
        scf.yield %cond3A_408#0, %cond3A_408#1, %cond3A_408#2, %cond3A_408#3 : vector<16xf32>, vector<16xf32>, vector<16xf32>, vector<16xf32>
      }
      %scan3A_278 = arith.constant 8 : i32
      %get3A_279 = arith.constant 112 : index
      %get3A_280 = tpu.vector_load %arg12[%get3A_279] {strides = array<i32>} : memref<5008xi32, #tpu.memory_space<vmem>>, vector<16xi32>,
      %mul3A_281 = arith.constant 4 : i32
      %mul3A_282 = vector.broadcast %mul3A_281 : i32 to vector<16xi32>
      %mul3A_283 = arith.muli %get3A_280, %mul3A_282 : vector<16xi32>
      %reduce_sum3A_284 = arith.constant true
      %reduce_sum3A_285 = vector.broadcast %reduce_sum3A_284 : i1 to vector<16xi1>
      %reduce_sum3A_286 = tpu.scan <sum>, %scan3A_277#0 masked %reduce_sum3A_285 : vector<16xf32>, vector<16xi1> -> vector<16xf32>
      %reduce_sum3A_287 = vector.extract %reduce_sum3A_286[15] : f32 from vector<16xf32>
      %broadcast_in_dim3A_288 = vector.broadcast %reduce_sum3A_287 : f32 to vector<16xf32>
      tpu.vector_store_idx %arg15[%mul3A_283], %broadcast_in_dim3A_288 masked %eq3A_14 {add = true} : memref<2048xf32, #tpu.memory_space<vmem>>[vector<16xi32>], vector<16xf32>, vector<16xi1>
      %reduce_sum3A_289 = arith.constant true
      %reduce_sum3A_290 = vector.broadcast %reduce_sum3A_289 : i1 to vector<16xi1>
      %reduce_sum3A_291 = tpu.scan <sum>, %scan3A_277#1 masked %reduce_sum3A_290 : vector<16xf32>, vector<16xi1> -> vector<16xf32>
      %reduce_sum3A_292 = vector.extract %reduce_sum3A_291[15] : f32 from vector<16xf32>
      %broadcast_in_dim3A_293 = vector.broadcast %reduce_sum3A_292 : f32 to vector<16xf32>
      %add3A_294 = arith.constant 1 : i32
      %add3A_295 = vector.broadcast %add3A_294 : i32 to vector<16xi32>
      %add3A_296 = arith.addi %mul3A_283, %add3A_295 : vector<16xi32>
      tpu.vector_store_idx %arg15[%add3A_296], %broadcast_in_dim3A_293 masked %eq3A_14 {add = true} : memref<2048xf32, #tpu.memory_space<vmem>>[vector<16xi32>], vector<16xf32>, vector<16xi1>
      %reduce_sum3A_297 = arith.constant true
      %reduce_sum3A_298 = vector.broadcast %reduce_sum3A_297 : i1 to vector<16xi1>
      %reduce_sum3A_299 = tpu.scan <sum>, %scan3A_277#2 masked %reduce_sum3A_298 : vector<16xf32>, vector<16xi1> -> vector<16xf32>
      %reduce_sum3A_300 = vector.extract %reduce_sum3A_299[15] : f32 from vector<16xf32>
      %broadcast_in_dim3A_301 = vector.broadcast %reduce_sum3A_300 : f32 to vector<16xf32>
      %add3A_302 = arith.constant 2 : i32
      %add3A_303 = vector.broadcast %add3A_302 : i32 to vector<16xi32>
      %add3A_304 = arith.addi %mul3A_283, %add3A_303 : vector<16xi32>
      tpu.vector_store_idx %arg15[%add3A_304], %broadcast_in_dim3A_301 masked %eq3A_14 {add = true} : memref<2048xf32, #tpu.memory_space<vmem>>[vector<16xi32>], vector<16xf32>, vector<16xi1>
      %reduce_sum3A_305 = arith.constant true
      %reduce_sum3A_306 = vector.broadcast %reduce_sum3A_305 : i1 to vector<16xi1>
      %reduce_sum3A_307 = tpu.scan <sum>, %scan3A_277#3 masked %reduce_sum3A_306 : vector<16xf32>, vector<16xi1> -> vector<16xf32>
      %reduce_sum3A_308 = vector.extract %reduce_sum3A_307[15] : f32 from vector<16xf32>
      %broadcast_in_dim3A_309 = vector.broadcast %reduce_sum3A_308 : f32 to vector<16xf32>
      %add3A_310 = arith.constant 3 : i32
      %add3A_311 = vector.broadcast %add3A_310 : i32 to vector<16xi32>
      %add3A_312 = arith.addi %mul3A_283, %add3A_311 : vector<16xi32>
      tpu.vector_store_idx %arg15[%add3A_312], %broadcast_in_dim3A_309 masked %eq3A_14 {add = true} : memref<2048xf32, #tpu.memory_space<vmem>>[vector<16xi32>], vector<16xf32>, vector<16xi1>
      %mul3A_313 = arith.constant 4 : i32
      %mul3A_314 = arith.muli %multiple_of3A_268, %mul3A_313 : i32
      %multiple_of3A_315 = tpu.assume_multiple %mul3A_314, 8 : i32
      "tpu.region"() ({
        %run_scoped3A = tpu.sem_alloc : memref<!tpu.dma_semaphore, #tpu.memory_space<semaphore_mem>>
        %dma_start3A = arith.constant 0 : i32
        %dma_start3A_316 = tpu.memref_slice %arg13[%dma_start3A] : memref<19968xf32, #tpu.memory_space<vmem>> -> memref<512xf32, #tpu.memory_space<vmem>>
        %dma_start3A_317 = tpu.memref_slice %arg6[%multiple_of3A_315] : memref<3200000xf32, #tpu.memory_space<hbm>> -> memref<512xf32, #tpu.memory_space<hbm>>
        %dma_start3A_318 = tpu.memref_slice %arg6[%multiple_of3A_315] : memref<3200000xf32, #tpu.memory_space<hbm>> -> memref<512xf32, #tpu.memory_space<hbm>>
        %dma_start3A_319 = arith.constant 0 : i32
        %dma_start3A_320 = tpu.memref_slice %arg13[%dma_start3A_319] : memref<19968xf32, #tpu.memory_space<vmem>> -> memref<512xf32, #tpu.memory_space<vmem>>
        tpu.enqueue_dma source(%dma_start3A_320 : memref<512xf32, #tpu.memory_space<vmem>>) target(%dma_start3A_318 : memref<512xf32, #tpu.memory_space<hbm>>) target_semaphore(%run_scoped3A : memref<!tpu.dma_semaphore, #tpu.memory_space<semaphore_mem>>)
        %dma_wait3A = arith.constant 0 : i32
        %dma_wait3A_321 = tpu.memref_slice %arg13[%dma_wait3A] : memref<19968xf32, #tpu.memory_space<vmem>> -> memref<512xf32, #tpu.memory_space<vmem>>
        %dma_wait3A_322 = tpu.memref_slice %arg6[%multiple_of3A_315] : memref<3200000xf32, #tpu.memory_space<hbm>> -> memref<512xf32, #tpu.memory_space<hbm>>
        %dma_wait3A_323 = tpu.memref_slice %arg6[%multiple_of3A_315] : memref<3200000xf32, #tpu.memory_space<hbm>> -> memref<512xf32, #tpu.memory_space<hbm>>
        %dma_wait3A_324 = arith.constant 0 : i32
        %dma_wait3A_325 = tpu.memref_slice %arg13[%dma_wait3A_324] : memref<19968xf32, #tpu.memory_space<vmem>> -> memref<512xf32, #tpu.memory_space<vmem>>
        tpu.wait_dma2 semaphore(%run_scoped3A : memref<!tpu.dma_semaphore, #tpu.memory_space<semaphore_mem>>) src(%dma_wait3A_325 : memref<512xf32, #tpu.memory_space<vmem>>) dst(%dma_wait3A_323 : memref<512xf32, #tpu.memory_space<hbm>>)
        tpu.yield
      }) : () -> ()
      "tpu.region"() ({
        %run_scoped3A = tpu.sem_alloc : memref<!tpu.dma_semaphore, #tpu.memory_space<semaphore_mem>>
        %dma_start3A = arith.constant 0 : i32
        %dma_start3A_316 = tpu.memref_slice %arg14[%dma_start3A] : memref<19968xi32, #tpu.memory_space<vmem>> -> memref<512xi32, #tpu.memory_space<vmem>>
        %dma_start3A_317 = tpu.memref_slice %arg7[%multiple_of3A_315] : memref<3200000xi32, #tpu.memory_space<hbm>> -> memref<512xi32, #tpu.memory_space<hbm>>
        %dma_start3A_318 = tpu.memref_slice %arg7[%multiple_of3A_315] : memref<3200000xi32, #tpu.memory_space<hbm>> -> memref<512xi32, #tpu.memory_space<hbm>>
        %dma_start3A_319 = arith.constant 0 : i32
        %dma_start3A_320 = tpu.memref_slice %arg14[%dma_start3A_319] : memref<19968xi32, #tpu.memory_space<vmem>> -> memref<512xi32, #tpu.memory_space<vmem>>
        tpu.enqueue_dma source(%dma_start3A_320 : memref<512xi32, #tpu.memory_space<vmem>>) target(%dma_start3A_318 : memref<512xi32, #tpu.memory_space<hbm>>) target_semaphore(%run_scoped3A : memref<!tpu.dma_semaphore, #tpu.memory_space<semaphore_mem>>)
        %dma_wait3A = arith.constant 0 : i32
        %dma_wait3A_321 = tpu.memref_slice %arg14[%dma_wait3A] : memref<19968xi32, #tpu.memory_space<vmem>> -> memref<512xi32, #tpu.memory_space<vmem>>
        %dma_wait3A_322 = tpu.memref_slice %arg7[%multiple_of3A_315] : memref<3200000xi32, #tpu.memory_space<hbm>> -> memref<512xi32, #tpu.memory_space<hbm>>
        %dma_wait3A_323 = tpu.memref_slice %arg7[%multiple_of3A_315] : memref<3200000xi32, #tpu.memory_space<hbm>> -> memref<512xi32, #tpu.memory_space<hbm>>
        %dma_wait3A_324 = arith.constant 0 : i32
        %dma_wait3A_325 = tpu.memref_slice %arg14[%dma_wait3A_324] : memref<19968xi32, #tpu.memory_space<vmem>> -> memref<512xi32, #tpu.memory_space<vmem>>
        tpu.wait_dma2 semaphore(%run_scoped3A : memref<!tpu.dma_semaphore, #tpu.memory_space<semaphore_mem>>) src(%dma_wait3A_325 : memref<512xi32, #tpu.memory_space<vmem>>) dst(%dma_wait3A_323 : memref<512xi32, #tpu.memory_space<hbm>>)
        tpu.yield
      }) : () -> ()
    } else {
    }
    "tpu.region"() ({
      %run_scoped3A = tpu.sem_alloc : memref<!tpu.dma_semaphore, #tpu.memory_space<semaphore_mem>>
      %dma_start3A = arith.constant 0 : i32
      %dma_start3A_266 = tpu.memref_slice %arg8[%add3A, %dma_start3A] : memref<32x2048xf32, #tpu.memory_space<hbm>> -> memref<1x2048xf32, #tpu.memory_space<hbm>>
      %dma_start3A_267 = tpu.memref_squeeze %dma_start3A_266 : memref<1x2048xf32, #tpu.memory_space<hbm>> -> memref<2048xf32, #tpu.memory_space<hbm>>
      %dma_start3A_268 = arith.constant 0 : i32
      %dma_start3A_269 = tpu.memref_slice %arg8[%add3A, %dma_start3A_268] : memref<32x2048xf32, #tpu.memory_space<hbm>> -> memref<1x2048xf32, #tpu.memory_space<hbm>>
      %dma_start3A_270 = tpu.memref_squeeze %dma_start3A_269 : memref<1x2048xf32, #tpu.memory_space<hbm>> -> memref<2048xf32, #tpu.memory_space<hbm>>
      tpu.enqueue_dma source(%arg15 : memref<2048xf32, #tpu.memory_space<vmem>>) target(%dma_start3A_270 : memref<2048xf32, #tpu.memory_space<hbm>>) target_semaphore(%run_scoped3A : memref<!tpu.dma_semaphore, #tpu.memory_space<semaphore_mem>>)
      %dma_wait3A = arith.constant 0 : i32
      %dma_wait3A_271 = tpu.memref_slice %arg8[%add3A, %dma_wait3A] : memref<32x2048xf32, #tpu.memory_space<hbm>> -> memref<1x2048xf32, #tpu.memory_space<hbm>>
      %dma_wait3A_272 = tpu.memref_squeeze %dma_wait3A_271 : memref<1x2048xf32, #tpu.memory_space<hbm>> -> memref<2048xf32, #tpu.memory_space<hbm>>
      %dma_wait3A_273 = arith.constant 0 : i32
      %dma_wait3A_274 = tpu.memref_slice %arg8[%add3A, %dma_wait3A_273] : memref<32x2048xf32, #tpu.memory_space<hbm>> -> memref<1x2048xf32, #tpu.memory_space<hbm>>
      %dma_wait3A_275 = tpu.memref_squeeze %dma_wait3A_274 : memref<1x2048xf32, #tpu.memory_space<hbm>> -> memref<2048xf32, #tpu.memory_space<hbm>>
      tpu.wait_dma2 semaphore(%run_scoped3A : memref<!tpu.dma_semaphore, #tpu.memory_space<semaphore_mem>>) src(%arg15 : memref<2048xf32, #tpu.memory_space<vmem>>) dst(%dma_wait3A_275 : memref<2048xf32, #tpu.memory_space<hbm>>)
      tpu.yield
    }) : () -> ()
    return
  }
}

module attributes {stable_mosaic.version = 14 : i64} {
  func.func @_tables_body(%arg0: memref<4x8x128xf32, #tpu.memory_space<vmem>>, %arg1: memref<4x8xf32, #tpu.memory_space<vmem>>, %arg2: memref<4x128xf32, #tpu.memory_space<vmem>>, %arg3: memref<4x128xf32, #tpu.memory_space<vmem>>) attributes {dimension_semantics = [], scalar_prefetch = 0 : i64, scratch_operands = 0 : i64, tpu.core_type = #tpu.core_type<tc>} {
    %get3A = arith.constant 0 : index
    %get3A_0 = arith.constant 0 : index
    %get3A_1 = arith.constant 0 : index
    %get3A_2 = vector.load %arg0[%get3A, %get3A_0, %get3A_1] : memref<4x8x128xf32, #tpu.memory_space<vmem>>, vector<4x8x128xf32>
    %reduce_max3A = arith.constant dense<0xFF800000> : vector<4x8xf32>
    %reduce_max3A_3 = vector.multi_reduction <maximumf>, %get3A_2, %reduce_max3A [2] : vector<4x8x128xf32> to vector<4x8xf32>
    %broadcast_in_dim3A = vector.shape_cast %reduce_max3A_3 : vector<4x8xf32> to vector<4x8x1xf32>
    %sub3A = vector.broadcast %broadcast_in_dim3A : vector<4x8x1xf32> to vector<4x8x128xf32>
    %sub3A_4 = arith.subf %get3A_2, %sub3A : vector<4x8x128xf32>
    %exp3A = math.exp %sub3A_4 : vector<4x8x128xf32>
    %reduce_sum3A = arith.constant dense<0.000000e+00> : vector<4x8xf32>
    %reduce_sum3A_5 = vector.multi_reduction <add>, %exp3A, %reduce_sum3A [2] : vector<4x8x128xf32> to vector<4x8xf32>
    %broadcast_in_dim3A_6 = vector.shape_cast %reduce_sum3A_5 : vector<4x8xf32> to vector<4x8x1xf32>
    %div3A = vector.broadcast %broadcast_in_dim3A_6 : vector<4x8x1xf32> to vector<4x8x128xf32>
    %div3A_7 = arith.divf %exp3A, %div3A : vector<4x8x128xf32>
    %get3A_8 = arith.constant 0 : index
    %get3A_9 = arith.constant 0 : index
    %get3A_10 = vector.load %arg1[%get3A_8, %get3A_9] : memref<4x8xf32, #tpu.memory_space<vmem>>, vector<4x8xf32>
    %reduce_max3A_11 = arith.constant dense<0xFF800000> : vector<4xf32>
    %reduce_max3A_12 = vector.multi_reduction <maximumf>, %get3A_10, %reduce_max3A_11 [1] : vector<4x8xf32> to vector<4xf32>
    %broadcast_in_dim3A_13 = vector.shape_cast %reduce_max3A_12 : vector<4xf32> to vector<4x1xf32>
    %sub3A_14 = vector.broadcast %broadcast_in_dim3A_13 : vector<4x1xf32> to vector<4x8xf32>
    %sub3A_15 = arith.subf %get3A_10, %sub3A_14 : vector<4x8xf32>
    %exp3A_16 = math.exp %sub3A_15 : vector<4x8xf32>
    %reduce_sum3A_17 = arith.constant dense<0.000000e+00> : vector<4xf32>
    %reduce_sum3A_18 = vector.multi_reduction <add>, %exp3A_16, %reduce_sum3A_17 [1] : vector<4x8xf32> to vector<4xf32>
    %broadcast_in_dim3A_19 = vector.shape_cast %reduce_sum3A_18 : vector<4xf32> to vector<4x1xf32>
    %div3A_20 = vector.broadcast %broadcast_in_dim3A_19 : vector<4x1xf32> to vector<4x8xf32>
    %div3A_21 = arith.divf %exp3A_16, %div3A_20 : vector<4x8xf32>
    %broadcast_in_dim3A_22 = vector.shape_cast %div3A_21 : vector<4x8xf32> to vector<4x8x1xf32>
    %mul3A = vector.broadcast %broadcast_in_dim3A_22 : vector<4x8x1xf32> to vector<4x8x128xf32>
    %mul3A_23 = arith.mulf %mul3A, %div3A_7 : vector<4x8x128xf32>
    %reduce_sum3A_24 = arith.constant dense<0.000000e+00> : vector<4x128xf32>
    %reduce_sum3A_25 = vector.multi_reduction <add>, %mul3A_23, %reduce_sum3A_24 [1] : vector<4x8x128xf32> to vector<4x128xf32>
    %broadcast_in_dim3A_26 = vector.shape_cast %reduce_sum3A_25 : vector<4x128xf32> to vector<4x1x128xf32>
    %div3A_27 = vector.broadcast %broadcast_in_dim3A_26 : vector<4x1x128xf32> to vector<4x8x128xf32>
    %div3A_28 = arith.divf %mul3A_23, %div3A_27 : vector<4x8x128xf32>
    %log3A = math.log %mul3A_23 : vector<4x8x128xf32>
    %mul3A_29 = arith.mulf %div3A_28, %log3A : vector<4x8x128xf32>
    %reduce_sum3A_30 = arith.constant dense<0.000000e+00> : vector<4x128xf32>
    %reduce_sum3A_31 = vector.multi_reduction <add>, %mul3A_29, %reduce_sum3A_30 [1] : vector<4x8x128xf32> to vector<4x128xf32>
    %swap3A = arith.constant 0 : index
    %swap3A_32 = arith.constant 0 : index
    %swap3A_33 = vector.load %arg2[%swap3A, %swap3A_32] : memref<4x128xf32, #tpu.memory_space<vmem>>, vector<4x128xf32>
    tpu.vector_store %arg2[%swap3A, %swap3A_32], %reduce_sum3A_31 {strides = array<i32>} : memref<4x128xf32, #tpu.memory_space<vmem>>, vector<4x128xf32>,
    %reduce_max3A_34 = arith.constant dense<0xFF800000> : vector<4x128xf32>
    %reduce_max3A_35 = vector.multi_reduction <maximumf>, %div3A_28, %reduce_max3A_34 [1] : vector<4x8x128xf32> to vector<4x128xf32>
    %iota3A = tpu.iota {dimensions = array<i32: 1>} : vector<4x8x128xi32>
    %broadcast_in_dim3A_36 = vector.shape_cast %reduce_max3A_35 : vector<4x128xf32> to vector<4x1x128xf32>
    %eq3A = vector.broadcast %broadcast_in_dim3A_36 : vector<4x1x128xf32> to vector<4x8x128xf32>
    %eq3A_37 = arith.cmpf oeq, %div3A_28, %eq3A : vector<4x8x128xf32>
    %jit3A = arith.constant 8 : i32
    %broadcast_in_dim3A_38 = vector.broadcast %jit3A : i32 to vector<4x8x128xi32>
    %select_n3A = arith.select %eq3A_37, %iota3A, %broadcast_in_dim3A_38 : vector<4x8x128xi1>, vector<4x8x128xi32>
    %reduce_min3A = arith.constant dense<2147483647> : vector<4x128xi32>
    %reduce_min3A_39 = vector.multi_reduction <minsi>, %select_n3A, %reduce_min3A [1] : vector<4x8x128xi32> to vector<4x128xi32>
    %bitcast_convert_type3A = tpu.bitcast %reduce_max3A_35 : vector<4x128xf32> -> vector<4x128xi32>
    %and3A = arith.constant -8 : i32
    %and3A_40 = vector.broadcast %and3A : i32 to vector<4x128xi32>
    %and3A_41 = arith.andi %bitcast_convert_type3A, %and3A_40 : vector<4x128xi32>
    %or3A = arith.ori %and3A_41, %reduce_min3A_39 : vector<4x128xi32>
    %bitcast_convert_type3A_42 = tpu.bitcast %or3A : vector<4x128xi32> -> vector<4x128xf32>
    %swap3A_43 = arith.constant 0 : index
    %swap3A_44 = arith.constant 0 : index
    %swap3A_45 = vector.load %arg3[%swap3A_43, %swap3A_44] : memref<4x128xf32, #tpu.memory_space<vmem>>, vector<4x128xf32>
    tpu.vector_store %arg3[%swap3A_43, %swap3A_44], %bitcast_convert_type3A_42 {strides = array<i32>} : memref<4x128xf32, #tpu.memory_space<vmem>>, vector<4x128xf32>,
    return
  }
}

module attributes {stable_mosaic.version = 14 : i64} {
  func.func @_combine_body(%arg0: memref<32x2048xf32, #tpu.memory_space<vmem>>, %arg1: memref<1x2048xf32, #tpu.memory_space<vmem>>) attributes {dimension_semantics = [], scalar_prefetch = 0 : i64, scratch_operands = 0 : i64, tpu.core_type = #tpu.core_type<tc>} {
    %get3A = arith.constant 0 : index
    %get3A_0 = arith.constant 0 : index
    %get3A_1 = vector.load %arg0[%get3A, %get3A_0] : memref<32x2048xf32, #tpu.memory_space<vmem>>, vector<32x2048xf32>
    %reduce_sum3A = arith.constant dense<0.000000e+00> : vector<2048xf32>
    %reduce_sum3A_2 = vector.multi_reduction <add>, %get3A_1, %reduce_sum3A [0] : vector<32x2048xf32> to vector<2048xf32>
    %broadcast_in_dim3A = vector.shape_cast %reduce_sum3A_2 : vector<2048xf32> to vector<1x2048xf32>
    %swap3A = arith.constant 0 : index
    %swap3A_3 = arith.constant 0 : index
    %swap3A_4 = vector.load %arg1[%swap3A, %swap3A_3] : memref<1x2048xf32, #tpu.memory_space<vmem>>, vector<1x2048xf32>
    tpu.vector_store %arg1[%swap3A, %swap3A_3], %broadcast_in_dim3A {strides = array<i32>} : memref<1x2048xf32, #tpu.memory_space<vmem>>, vector<1x2048xf32>,
    return
  }
}

</mosaic_0001>

<sc_bundles>
// kernel: kernel.5.cloned.1.call-start
scs
__scs_entry_jumppad:
0x0: {  	(pc) =	sbr.rel $0x88, $3  }
0x1: {  	(tag) =	ssettag $0x0;
	lr =	simm.s32 $0x1  }
0x2: {  	[smem:$0x3F9D] =	sst lr;
	_ =	strace $0xD0000000  }
0x3: {  	_ = 	snop  }
0x4: {  	_ = 	snop  }
0x5: {  	_ = 	snop  }
0x6: {  	_ = 	snop  }
0x7: {  	_ = 	snop  }
__scs_overlays_trampoline_lowered:
0x8: {  	[smem:$0x3FAC] =	sst s0  }
0x9: {  	[smem:$0x3FAD] =	sst s1  }
0xa: {  	[smem:$0x3FAE] =	sst s2  }
0xb: {  	[smem:$0x3FAF] =	sst s3  }
0xc: {  	[smem:$0x3FB0] =	sst s4  }
0xd: {  	[smem:$0x3FB1] =	sst s5  }
0xe: {  	[smem:$0x3FB2] =	sst s6  }
0xf: {  	[smem:$0x3FB3] =	sst s7  }
0x10: {  	[smem:$0x3FB4] =	sst s8  }
0x11: {  	[smem:$0x3FB5] =	sst s9;
	s0 =	simm.s32 @!p0 $0x0  }
0x12: {  	s1 =	sld [smem:$0x3F9B];
	s0 =	simm.s32 @p0 $0x1  }
0x13: {  	[smem:$0x3FB6] =	sst s0;
	s0 =	simm.s32 @!p1 $0x0  }
0x14: {  	s2 =	sld [smem:$0x3F9A];
	s0 =	simm.s32 @p1 $0x1  }
0x15: {  	[smem:$0x3FB7] =	sst s0;
	s0 =	simm.s32 @!p2 $0x0  }
0x16: {  	s3 =	sld [smem:$0x3FDB];
	s0 =	simm.s32 @p2 $0x1  }
0x17: {  	s4 =	simm.s32 $0x1BF5;
	[smem:$0x3FB9] =	sst s0  }
0x18: {  	s0 =	sld [smem:$0x3F9C];
	_ =	swait.ge [sflag:s4], $0x0  }
0x19: {  	s7 =	sld [smem:$0x3F9D]  }
0x1a: {  	s8 =	sadd.s32 $0xFFFFE003, lr  }
0x1b: {  	s9 =	sadd.s32 $0xFFFFFEF7, lr;
	s5 =	simm.s32 $0xFFFFFFFF;
	p2 =	slt.u32 s8, $0xFFFFF086  }
0x1c: {  	p1 =	slt.u32 s9, $0xF7A;
	s5 =	simm.s32 @!p2 $0x0  }
0x1d: {  	s5 =	simm.s32 @p1 $0x1;
	p0 =	seq.s32 s7, s2  }
0x1e: {  	s7 =	smul.u32 @!p0 $0xF7A, s2;
	p2 =	seq.s32 @!p0 s5, $0x0  }
0x1f: {  	s9 =	smul.u32 $0xF7A, s1;
	s8 =	simm.s32 @!p0 $0x1BF5;
	p2 =	por !p2, p0  }
0x20: {  	[sflag:s8] =	ssyncset.s32 @!p0 $0xFFFFF086;
	s6 =	sadd.s32 @!p0 s3, s7;
	s7 =	simm.s32 @!p0 $0x108  }
0x21: {  	s3 =	sadd.s32 s3, s9;
	s6 =	sadd.s32 @!p0 $0x88, s6;
	s7 =	simm.s32 @p2 $0x1082  }
0x22: {  	[simem:s7], [sflag:s8] =	dma.local @!p0 [hbm:s6], $0xF7A  }
0x23: {  	s9 =	sor.u32 $0xD0000000, s2;
	s6 =	simm.s32 $0x108;
	_ =	swait.ge @!p0 [sflag:s8], $0x0  }
0x24: {  	s3 =	sadd.s32 $0x88, s3;
	s6 =	simm.s32 @!p1 $0x1082;
	[sflag:s4] =	ssyncset.s32 $0xFFFFF086  }
0x25: {  	[simem:s6], [sflag:s4] =	dma.local [hbm:s3], $0xF7A  }
0x26: {  	[smem:$0x3F9D] =	sst s1;
	(tag) =	ssettag s2;
	_ =	strace s9  }
0x27: {  	s1 =	sld [smem:$0x3FAD]  }
0x28: {  	s2 =	sld [smem:$0x3FAE]  }
0x29: {  	s4 =	sld [smem:$0x3FB0]  }
0x2a: {  	p0 =	seq.s32 s5, $0x0;
	s5 =	sld [smem:$0x3FB1]  }
0x2b: {  	s6 =	sld [smem:$0x3FB2]  }
0x2c: {  	s7 =	sld [smem:$0x3FB3]  }
0x2d: {  	s3 =	simm.s32 $0x108;
	s8 =	sld [smem:$0x3FB4]  }
0x2e: {  	s3 =	simm.s32 @!p0 $0x1082;
	s9 =	sld [smem:$0x3FB5]  }
0x2f: {  	lr =	sadd.s32 s0, s3;
	s0 =	sld [smem:$0x3FAC]  }
0x30: {  	s3 =	sld [smem:$0x3FAF]  }
0x31: {  	[smem:$0x3FB8] =	sst s10  }
0x32: {  	s10 =	sld [smem:$0x3FB6];
	_ =	sdelay $0x3  }
0x33: {  	p0 =	seq.s32 s10, $0x1;
	s10 =	sld [smem:$0x3FB8];
	_ =	sdelay $0x3  }
0x34: {  	[smem:$0x3FB8] =	sst s10  }
0x35: {  	s10 =	sld [smem:$0x3FB7];
	_ =	sdelay $0x3  }
0x36: {  	p1 =	seq.s32 s10, $0x1;
	s10 =	sld [smem:$0x3FB8];
	_ =	sdelay $0x3  }
0x37: {  	[smem:$0x3FB8] =	sst s10  }
0x38: {  	s10 =	sld [smem:$0x3FB9]  }
0x39: {  	_ = 	snop;
	(pc) =	sbr.ind lr, $3  }
0x3a: {  	_ = 	snop  }
0x3b: {  	_ = 	snop  }
0x3c: {  	p2 =	seq.s32 s10, $0x1;
	s10 =	sld [smem:$0x3FB8]  }
0x3d: {  	_ =	shalt  }
0x3e: {  	_ =	shalt  }
0x3f: {  	_ =	shalt  }
0x40: {  	_ =	shalt  }
0x41: {  	_ =	shalt  }
0x42: {  	_ =	shalt  }
0x43: {  	_ =	shalt  }
0x44: {  	_ =	shalt  }
0x45: {  	_ =	shalt  }
0x46: {  	_ =	shalt  }
0x47: {  	_ =	shalt  }
0x48: {  	_ =	shalt  }
0x49: {  	_ =	shalt  }
0x4a: {  	_ =	shalt  }
0x4b: {  	_ =	shalt  }
0x4c: {  	_ =	shalt  }
0x4d: {  	_ =	shalt  }
0x4e: {  	_ =	shalt  }
0x4f: {  	_ =	shalt  }
0x50: {  	_ =	shalt  }
0x51: {  	_ =	shalt  }
0x52: {  	_ =	shalt  }
0x53: {  	_ =	shalt  }
0x54: {  	_ =	shalt  }
0x55: {  	_ =	shalt  }
0x56: {  	_ =	shalt  }
0x57: {  	_ =	shalt  }
0x58: {  	_ =	shalt  }
0x59: {  	_ =	shalt  }
0x5a: {  	_ =	shalt  }
0x5b: {  	_ =	shalt  }
0x5c: {  	_ =	shalt  }
0x5d: {  	_ =	shalt  }
0x5e: {  	_ =	shalt  }
0x5f: {  	_ =	shalt  }
0x60: {  	_ =	shalt  }
0x61: {  	_ =	shalt  }
0x62: {  	_ =	shalt  }
0x63: {  	_ =	shalt  }
0x64: {  	_ =	shalt  }
0x65: {  	_ =	shalt  }
0x66: {  	_ =	shalt  }
0x67: {  	_ =	shalt  }
0x68: {  	_ =	shalt  }
0x69: {  	_ =	shalt  }
0x6a: {  	_ =	shalt  }
0x6b: {  	_ =	shalt  }
0x6c: {  	_ =	shalt  }
0x6d: {  	_ =	shalt  }
0x6e: {  	_ =	shalt  }
0x6f: {  	_ =	shalt  }
0x70: {  	_ =	shalt  }
0x71: {  	_ =	shalt  }
0x72: {  	_ =	shalt  }
0x73: {  	_ =	shalt  }
0x74: {  	_ =	shalt  }
0x75: {  	_ =	shalt  }
0x76: {  	_ =	shalt  }
0x77: {  	_ =	shalt  }
0x78: {  	_ =	shalt  }
0x79: {  	_ =	shalt  }
0x7a: {  	_ =	shalt  }
0x7b: {  	_ =	shalt  }
0x7c: {  	_ =	shalt  }
0x7d: {  	_ =	shalt  }
0x7e: {  	_ =	shalt  }
0x7f: {  	_ =	shalt  }
0x80: {  	_ =	shalt  }
0x81: {  	_ =	shalt  }
0x82: {  	_ =	shalt  }
0x83: {  	_ =	shalt  }
0x84: {  	_ =	shalt  }
0x85: {  	_ =	shalt  }
0x86: {  	_ =	shalt  }
0x87: {  	_ =	shalt  }
.Lfunc_end0:
.L_simem_size_0:
called_computation_lowered:
.L_overlay_start_0:
0x88: {  	s2 =	sld [smem:$0x3FD9]  }
0x89: {  	s3 =	sld [smem:$0x3FFE];
	_ =	sdelay $0x1  }
0x8a: {  	s1 =	srdreg.scid  }
0x8b: {  	s0 =	sand.u32 $0x1, s1  }
0x8c: {  	s14 =	sshll.u32 s0, $0xA;
	s2 =	sadd.s32 s3, s2  }
0x8d: {  	s2 =	sadd.s32 s2, s14  }
0x8e: {  	[smem:$0x3FC4] =	sst s2  }
0x8f: {  	_ = 	snop  }
0x90: {  	s2 =	sld [smem:$0x3FD0];
	_ =	sdelay $0x1  }
0x91: {  	s15 =	sld [smem:$0x3FC9]  }
0x92: {  	s5 =	simm.s32 $0xA;
	s6 =	simm.s32 $0x10;
	s4 =	sld [smem:$0x3FC8]  }
0x93: {  	[smem:s6], [sflag:s5] =	dma.local [hbm:s2], $0x1  }
0x94: {  	_ =	swait.eq [sflag:s5], $0x1  }
0x95: {  	s16 =	sld [smem:$0x10];
	[sflag:s5] =	ssyncset.done $0x0  }
0x96: {  	s17 =	sld [smem:$0x11];
	[sflag:s5] =	ssyncadd.s32 $0xFFFFFFFF  }
0x97: {  	s18 =	sld [smem:$0x12];
	(tm) =	ssettm $0x1  }
0x98: {  	s7 =	sld [smem:$0x3FFB];
	_ =	sdelay $0x3  }
0x99: {  	_ =	strace s7  }
0x9a: {  	s7 =	sld [smem:$0x3FFC];
	_ =	sdelay $0x3  }
0x9b: {  	_ =	strace s7  }
0x9c: {  	s7 =	sld [smem:$0x3FFD];
	_ =	sdelay $0x3  }
0x9d: {  	_ =	strace s7  }
0x9e: {  	_ =	strace $0x8FFFFFFF  }
0x9f: {  	s19 =	sld [smem:$0x3FDB];
	_ =	sdelay $0x1  }
0xa0: {  	s8 =	simm.s32 $_scs_section_size  }
0xa1: {  	s9 =	simm.s32 $_size__tile_overlayer_lowered;
	s10 =	simm.s32 $_tile_overlayer_lowered  }
0xa2: {  	s22 =	simm.s32 $0x1BFF;
	s21 =	sshll.u32 s10, $0x1;
	s7 =	sadd.s32 s8, s19  }
0xa3: {  	s11 =	simm.s32 $0x0;
	s20 =	sshll.u32 s9, $0x1;
	s9 =	sadd.s32 s21, s7  }
0xa4: {  	[timem:s11], [sflag:s22] =	dma.local [hbm:s9], s20  }
0xa5: {  	_ =	swait.ge [sflag:s22], s20  }
0xa6: {  	s8 =	ssub.s32 $0x0, s20;
	[sflag:s22] =	ssyncset.done $0x0  }
0xa7: {  	[sflag:s22] =	ssyncadd.s32 s8;
	_ =	sdelay $0x1  }
0xa8: {  	s23 =	simm.s32 $0x1B8B  }
0xa9: {  	_ =	swait.ge [sflag:s23], $0x1  }
0xaa: {  	[sflag:s23] =	ssyncset.done $0x0  }
0xab: {  	s25 =	simm.s32 $0x1B8E;
	s24 =	sld [smem:$0x3FFE];
	[sflag:s23] =	ssyncadd.s32 $0xFFFFFFFF  }
0xac: {  	s26 =	simm.s32 $execute0_lowered;
	[smem:$0x3FD2] =	sst s25  }
0xad: {  	s9 =	sshll.u32 s26, $0x1;
	_ =	strace $0x80000046;
	[dreg:$0x1] =	wrdreg $0xFFFFFFFF  }
0xae: {  	s28 =	simm.s32 $_size_execute0_lowered;
	s7 =	sadd.s32 s7, s9;
	[dreg:$0x0] =	wrdreg $0x0  }
0xaf: {  	s9 =	sshll.u32 s28, $0x1;
	[dreg:$0x2] =	wrdreg s7  }
0xb0: {  	[dreg:$0x3] =	wrdreg s9  }
0xb1: {  	[dreg:$0x4] =	wrdreg $0xC0  }
0xb2: {  	_ =	task [dreg:s11], $0x5FFFF  }
0xb3: {  	[dreg:$0x1] =	wrdreg $0xFFFFFFFF  }
0xb4: {  	[dreg:$0x0] =	wrdreg $0x60  }
0xb5: {  	[dreg:$0x2] =	wrdreg s15  }
0xb6: {  	[dreg:$0x3] =	wrdreg s4  }
0xb7: {  	[dreg:$0x4] =	wrdreg s16  }
0xb8: {  	[dreg:$0x5] =	wrdreg s24  }
0xb9: {  	[dreg:$0x6] =	wrdreg s17  }
0xba: {  	[dreg:$0x7] =	wrdreg s18  }
0xbb: {  	[dreg:$0x8] =	wrdreg $0x9  }
0xbc: {  	_ =	task.clear_ibuf [dreg:s11], $0x9FFFF;
	_ =	strace $0x90000046  }
0xbd: {  	s29 =	simm.s32 $0x9;
	_ =	strace $0x80000048  }
0xbe: {  	_ =	swait.ge [sflag:s29], $0x1  }
0xbf: {  	[sflag:s29] =	ssyncadd.s32 $0xFFFFFFFF  }
0xc0: {  	_ =	strace $0x90000048  }
0xc1: {  	_ =	sfence  }
0xc2: {  	s30 =	sld [smem:$0x0];
	_ =	sdelay $0x2  }
0xc3: {  	s31 =	sshll.u32 s1, $0xD;
	s1 =	sshrl.u32 s1, $0x2  }
0xc4: {  	s3 =	sand.u32 $0x4000, s31;
	s1 =	sadd.s32 s1, s30  }
0xc5: {  	s0 =	sor.u32 s3, s0;
	s1 =	sshll.u32 s1, $0x11  }
0xc6: {  	s0 =	sor.u32 s1, s0  }
0xc7: {  	s0 =	sadd.s32 $0x8F2B, s0  }
0xc8: {  	[sflag:s0] =	ssyncadd.remote.s32 $0x1  }
0xc9: {  	_ =	sfence.sel $0xFFFF  }
0xca: {  	[dreg:$0x0] =	wrdreg $0xFFFFFFFF;
	(pc) =	sbr.abs _section_cstart, $3  }
0xcb: {  	[dreg:$0x1] =	wrdreg $0xFFFFFFFF  }
0xcc: {  	_ =	task.clear_ibuf [dreg:s11], $0x2FFFF;
	_ =	strace $0x9FFFFFFF  }
0xcd: {  	(tm) =	ssettm $0x7FFFFFFF  }
tec
execute0_lowered:
.L_overlay_start_1:
0x0: {  	(tag) =	ssettag $0x1  }
0x1: {  	s2 =	rddreg [dreg:$0x0]  }
0x2: {  	s24 =	stileid.u32;
	s3 =	rddreg [dreg:$0x1]  }
0x3: {  	s0 =	srdreg.scid;
	s5 =	rddreg [dreg:$0x4]  }
0x4: {  	s14 =	rddreg [dreg:$0x5];
	s0 =	sand.u32 $0x1, s0;
	s1 =	sshll.u32 s24, $0x1  }
0x5: {  	s29 =	rddreg [dreg:$0x2];
	s28 =	simm.s32 $0x1;
	s4 =	sor.u32 s0, s1  }
0x6: {  	p0 =	sgt.u32 s24, $0x4;
	s0 =	ssub.s32 $0x2, s0;
	s6 =	smul.u32 $0xC3, s4  }
0x7: {  	s1 =	simm.s32 $0x0;
	s7 =	smin.u32 s4, $0xA;
	s22 =	sshrl.u32 s0, $0x1  }
0x8: {  	[smem:$0x7FF] =	sst s1;
	s0 =	ssub.s32 s0, s22;
	s6 =	sadd.s32 s7, s6  }
0x9: {  	s11 =	sshll.u32 s6, $0x7;
	s8 =	sshll.u32 s6, $0x4;
	s6 =	sshll.u32 s6, $0x6  }
0xa: {  	s23 =	sadd.s32 s2, s8;
	s9 =	sadd.s32 $0x1380, s11;
	s8 =	sadd.s32 s3, s8  }
0xb: {  	s10 =	sadd.s32 s5, s6;
	s6 =	sadd.s32 s14, s6;
	s15 =	sadd.s32 $0x2700, s11  }
0xc: {  	s18 =	sadd.s32 $0x3A80, s11;
	s20 =	sadd.s32 $0x4E00, s11;
	[dreg:$0x7] =	wrdreg s23  }
0xd: {  	s21 =	sadd.s32 $0x6180, s11;
	s25 =	sshrl.u32 s9, $0x3;
	[dreg:$0x8] =	wrdreg s10  }
0xe: {  	[dreg:$0x9] =	wrdreg s6;
	s12 =	sshrl.u32 s9, $0x1;
	s13 =	sshrl.u32 s15, $0x3  }
0xf: {  	s19 =	sshrl.u32 s15, $0x1;
	s22 =	sshrl.u32 s18, $0x1;
	s15 =	sshll.u32 s24, $0x9  }
0x10: {  	s24 =	simm.s32 $0x1800;
	s26 =	sadd.s32 s2, s25;
	s10 =	sadd.s32 s3, s25  }
0x11: {  	s6 =	sand.u32 $0x1FFFFFC0, s12;
	s16 =	sadd.s32 s2, s13;
	s9 =	sadd.s32 s3, s13  }
0x12: {  	s12 =	sshrl.u32 s18, $0x3;
	s13 =	sshrl.u32 s20, $0x3;
	[dreg:$0xa] =	wrdreg s26  }
0x13: {  	s23 =	sand.u32 $0x1FFFFFC0, s22;
	s25 =	sshrl.u32 s20, $0x1;
	[dreg:$0xb] =	wrdreg s10  }
0x14: {  	[dreg:$0xc] =	wrdreg s16;
	s10 =	sadd.s32 s2, s12;
	s11 =	sadd.s32 s3, s12  }
0x15: {  	s16 =	sshrl.u32 s21, $0x3;
	s12 =	sadd.s32 s2, s13;
	s13 =	sadd.s32 s3, s13  }
0x16: {  	s26 =	sshrl.u32 s21, $0x1;
	s20 =	sadd.s32 s5, s23;
	s21 =	sadd.s32 s14, s23  }
0x17: {  	s2 =	sadd.s32 s2, s16;
	s17 =	sadd.s32 s3, s16;
	s16 =	sadd.s32 s5, s6  }
0x18: {  	s3 =	sand.u32 $0x1FFFFFC0, s25;
	s25 =	sshll.u32 s4, $0x4;
	[dreg:$0xd] =	wrdreg s2  }
0x19: {  	[dreg:$0xe] =	wrdreg s17;
	s17 =	sadd.s32 s14, s6;
	s2 =	sand.u32 $0x1FFFFFC0, s19  }
0x1a: {  	s6 =	sand.u32 $0x1FFFFFC0, s26;
	s22 =	sadd.s32 s5, s3;
	s23 =	sadd.s32 s14, s3  }
0x1b: {  	s26 =	rddreg [dreg:$0x3];
	s3 =	sand.u32 $0x70, s25;
	s25 =	simm.s32 $0x7A00  }
0x1c: {  	s18 =	sadd.s32 s5, s2;
	s19 =	sadd.s32 s14, s2;
	s7 =	sadd.s32 s5, s6  }
.Ltmp0:
0x1d: {  	s14 =	sadd.s32 s14, s6;
	s2 =	sand.u32 $0x1800, s15;
	(pc) =	sbr.rel .LBB2_1-.Ltmp0, $4  }
0x1e: {  	s30 =	sadd.s32 $0xA00, s26;
	s15 =	simm.s32 $0xC800;
	[dreg:$0xf] =	wrdreg s7  }
0x1f: {  	[dreg:$0x10] =	wrdreg s14;
	s2 =	sadd.s32 s2, s26;
	s14 =	smax.u32 s0, $0x1  }
0x20: {  	v1 =	vimm.s32 $0x7FFFFFFF;
	s0 =	simm.s32 $0x200;
	s26 =	simm.s32 $0x400;
	s2 =	sadd.s32 s3, s2  }
0x21: {  	v0 =	vimm.f32 $0.0e+00;
	vm0 =	vcmask $0x3F3C;
	_ =	strace $0x80000047;
	s31 =	sadd.s32 $0xC00, s2;
	s2 =	simm.s32 $0x0  }
.LBB2_16:
0x22: {  	_ =	sdelay $0x3  }
0x23: {  	v12 =	vld.idx.msk [tilespmem:v10+s0+$0x0], $0xffff;
	_ =	sdelay $0x4  }
0x24: {  	v13 =	vld.idx.msk [tilespmem:v10+s1+$0x0], $0xffff;
	[tilespmem:s4+$0x2C00] =	vst v12;
	v12 =	vand.u32 $0x7, v12  }
0x25: {  	[tilespmem:s4+$0x7A00] =	vst v12  }
0x26: {  	v12 =	vld.idx.msk [tilespmem:v11+s0+$0x0], $0xffff;
	_ =	sdelay $0x1  }
0x27: {  	v14 =	vor.u32 $0x2, v10  }
0x28: {  	v11 =	vld.idx.msk [tilespmem:v11+s1+$0x0], $0xffff  }
0x29: {  	s5 =	spop (v2sf)  }
0x2a: {  	s6 =	spop (v2sf);
	v15 =	vand.u32 $0x7, v12;
	[tilespmem:s4+$0x2C80] =	vst v12  }
0x2b: {  	p1 =	seq.s32 s5, s6;
	[tilespmem:s4+$0x7A80] =	vst v15  }
0x2c: {  	(xrf2) =	vadd.scan.msk.f32 @!p1 $0xffff, v5;
	v12 =	vld.idx.msk [tilespmem:v14+s0+$0x0], $0xffff  }
0x2d: {  	(xrf2) =	vadd.scan.msk.f32 @!p1 $0xffff, v11  }
0x2e: {  	v51 =	vor.u32 $0x3, v10;
	(xrf2) =	vadd.scan.msk.f32 @!p1 $0xffff, v6  }
0x2f: {  	(xrf2) =	vadd.scan.msk.f32 @!p1 $0xffff, v7  }
0x30: {  	(xrf2) =	vadd.scan.msk.f32 @!p1 $0xffff, v3  }
0x31: {  	v6 =	vld.idx.msk [tilespmem:v14+s1+$0x0], $0xffff;
	(xrf2) =	vadd.scan.msk.f32 @!p1 $0xffff, v13;
	[tilespmem:s4+$0x2D00] =	vst v12;
	v52 =	vand.u32 $0x7, v12  }
0x32: {  	[tilespmem:s4+$0x7B00] =	vst v52  }
0x33: {  	v7 =	vld.idx.msk [tilespmem:v51+s1+$0x0], $0xffff;
	_ =	sdelay $0x2  }
0x34: {  	(xrf2) =	vadd.scan.msk.f32 @!p1 $0xffff, v6;
	v12, _, _ =	vpop @!p1 (xrf2)  }
0x35: {  	v14, _, _ =	vpop @!p1 (xrf2)  }
0x36: {  	v15, _, _ =	vpop @!p1 (xrf2);
	(xrf2) =	vadd.scan.msk.f32 @!p1 $0xffff, v7  }
0x37: {  	vm2 =	vne.s32 @!p1 v9, v8;
	vm1 =	vcmask @!p1 $0x3F3C;
	v10 =	vld.idx.msk [tilespmem:v51+s0+$0x0], $0xffff;
	v16, _, _ =	vpop @!p1 (xrf2)  }
0x38: {  	vm3 =	vmmov @!p1 $0x7fff;
	vm1 =	vmor @!p1 vm2, vm1;
	v15 =	vbroadcast @!p1 v15, $0xF;
	v17, _, _ =	vpop @!p1 (xrf2)  }
0x39: {  	v9 =	vshll.u32 @!p1 v9, $0x2;
	v8 =	vshll.u32 @!p1 v8, $0x2;
	vm2 =	vmand @!p1 vm2, vm3;
	v18, _, _ =	vpop @!p1 (xrf2)  }
0x3a: {  	v8 =	vnsel @!p1 vm2, $0x0, v8;
	v16 =	vbroadcast @!p1 v16, $0xF;
	v15 =	vadd.f32 @!p1 v18, v15  }
0x3b: {  	v19 =	vor.u32 @!p1 $0x1, v9  }
0x3c: {  	v20 =	vor.u32 @!p1 $0x1, v8;
	[tilespmem:s4+$0x2D80] =	vst v10;
	v10 =	vand.u32 $0x7, v10;
	v14 =	vadd.f32 @!p1 v14, v16  }
0x3d: {  	v12 =	vbroadcast @!p1 v12, $0xF;
	v18 =	vor.u32 @!p1 $0x2, v9;
	[tilespmem:s4+$0x7B80] =	vst v10;
	s4 =	simm.s32 @!p1 $0xC800;
	v10 =	vsub.f32 @!p1 $0.0e+00, v15  }
0x3e: {  	v16 =	vor.u32 @!p1 $0x3, v9;
	[tilespmem:v9+s4+$0x0] =	vst.idx.add.f32.msk @!p1 vm1, v15;
	v9 =	vor.u32 @!p1 $0x2, v8;
	v15, _, _ =	vpop @!p1 (xrf2)  }
0x3f: {  	v17 =	vbroadcast @!p1 v17, $0xF;
	[tilespmem:v8+s4+$0x0] =	vst.idx.add.f32.msk @!p1 vm2, v10;
	v10 =	vsub.f32 @!p1 $0.0e+00, v14;
	v12 =	vadd.f32 @!p1 v15, v12  }
0x40: {  	v8 =	vor.u32 @!p1 $0x3, v8;
	[tilespmem:v19+s4+$0x0] =	vst.idx.add.f32.msk @!p1 vm1, v14;
	v14, _, _ =	vpop @!p1 (xrf2)  }
0x41: {  	[tilespmem:v20+s4+$0x0] =	vst.idx.add.f32.msk @!p1 vm2, v10;
	v10 =	vsub.f32 @!p1 $0.0e+00, v12;
	v14 =	vadd.f32 @!p1 v14, v17  }
0x42: {  	[tilespmem:v18+s4+$0x0] =	vst.idx.add.f32.msk @!p1 vm1, v12  }
0x43: {  	[tilespmem:v9+s4+$0x0] =	vst.idx.add.f32.msk @!p1 vm2, v10;
	v9 =	vsub.f32 @!p1 $0.0e+00, v14  }
0x44: {  	[tilespmem:v16+s4+$0x0] =	vst.idx.add.f32.msk @!p1 vm1, v14  }
0x45: {  	[tilespmem:v8+s4+$0x0] =	vst.idx.add.f32.msk @!p1 vm2, v9  }
0x46: {  	v8 =	vld [tilespmem:s3+$0x400]  }
0x47: {  	v9 =	vld [tilespmem:s3+$0x1800]  }
0x48: {  	v10 =	vld [tilespmem:s3+$0x1801];
	_ =	sdelay $0x2  }
0x49: {  	v8 =	vshll.u32 v8, $0x2  }
0x4a: {  	(v2sf) =	vpush v9, $0x0  }
0x4b: {  	(v2sf) =	vpush v10, $0xF;
	_ =	sdelay $0x2  }
0x4c: {  	v12 =	vld.idx.msk [tilespmem:v8+s0+$0x0], $0xffff;
	_ =	sdelay $0x1  }
0x4d: {  	v53 =	vor.u32 $0x1, v8;
	_ =	sdelay $0x2  }
0x4e: {  	v15 =	vld.idx.msk [tilespmem:v8+s1+$0x0], $0xffff;
	[tilespmem:s3+$0x2C00] =	vst v12;
	v12 =	vand.u32 $0x7, v12  }
0x4f: {  	[tilespmem:s3+$0x7A00] =	vst v12  }
0x50: {  	v12 =	vld.idx.msk [tilespmem:v53+s0+$0x0], $0xffff;
	_ =	sdelay $0x1  }
0x51: {  	v54 =	vor.u32 $0x2, v8  }
0x52: {  	v14 =	vld.idx.msk [tilespmem:v53+s1+$0x0], $0xffff  }
0x53: {  	v5 =	vadd.f32 @p1 v6, v5;
	s7 =	spop (v2sf)  }
0x54: {  	s8 =	spop (v2sf);
	v55 =	vand.u32 $0x7, v12;
	[tilespmem:s3+$0x2C80] =	vst v12  }
0x55: {  	v4 =	vadd.f32 @p1 v13, v4;
	v5 =	vpsel !p1, $0x0, v5;
	p2 =	seq.s32 s7, s8;
	[tilespmem:s3+$0x7A80] =	vst v55  }
0x56: {  	v2 =	vadd.f32 @p1 v11, v2;
	(xrf2) =	vadd.scan.msk.f32 @!p2 $0xffff, v5;
	v6 =	vld.idx.msk [tilespmem:v54+s0+$0x0], $0xffff  }
0x57: {  	v4 =	vpsel !p1, $0x0, v4;
	v3 =	vadd.f32 @p1 v7, v3;
	(xrf2) =	vadd.scan.msk.f32 @!p2 $0xffff, v14  }
0x58: {  	v2 =	vpsel !p1, $0x0, v2;
	v56 =	vor.u32 $0x3, v8;
	(xrf2) =	vadd.scan.msk.f32 @!p2 $0xffff, v4  }
0x59: {  	v3 =	vpsel !p1, $0x0, v3;
	(xrf2) =	vadd.scan.msk.f32 @!p2 $0xffff, v2  }
0x5a: {  	(xrf2) =	vadd.scan.msk.f32 @!p2 $0xffff, v3  }
0x5b: {  	v8 =	vld.idx.msk [tilespmem:v54+s1+$0x0], $0xffff;
	(xrf2) =	vadd.scan.msk.f32 @!p2 $0xffff, v15;
	[tilespmem:s3+$0x2D00] =	vst v6;
	v6 =	vand.u32 $0x7, v6  }
0x5c: {  	[tilespmem:s3+$0x7B00] =	vst v6  }
0x5d: {  	v6 =	vld.idx.msk [tilespmem:v56+s1+$0x0], $0xffff;
	_ =	sdelay $0x2  }
0x5e: {  	(xrf2) =	vadd.scan.msk.f32 @!p2 $0xffff, v8;
	v11, _, _ =	vpop @!p2 (xrf2)  }
0x5f: {  	v12, _, _ =	vpop @!p2 (xrf2)  }
0x60: {  	v13, _, _ =	vpop @!p2 (xrf2);
	(xrf2) =	vadd.scan.msk.f32 @!p2 $0xffff, v6  }
0x61: {  	vm2 =	vne.s32 @!p2 v9, v10;
	vm1 =	vcmask @!p2 $0x3F3C;
	v7 =	vld.idx.msk [tilespmem:v56+s0+$0x0], $0xffff;
	v16, _, _ =	vpop @!p2 (xrf2)  }
0x62: {  	vm3 =	vmmov @!p2 $0x7fff;
	vm1 =	vmor @!p2 vm2, vm1;
	v13 =	vbroadcast @!p2 v13, $0xF;
	v17, _, _ =	vpop @!p2 (xrf2)  }
0x63: {  	v9 =	vshll.u32 @!p2 v9, $0x2;
	v10 =	vshll.u32 @!p2 v10, $0x2;
	vm2 =	vmand @!p2 vm2, vm3;
	v18, _, _ =	vpop @!p2 (xrf2)  }
0x64: {  	v10 =	vnsel @!p2 vm2, $0x0, v10;
	v16 =	vbroadcast @!p2 v16, $0xF;
	v13 =	vadd.f32 @!p2 v18, v13  }
0x65: {  	v19 =	vor.u32 @!p2 $0x1, v9  }
0x66: {  	v20 =	vor.u32 @!p2 $0x1, v10;
	[tilespmem:s3+$0x2D80] =	vst v7;
	v7 =	vand.u32 $0x7, v7;
	v12 =	vadd.f32 @!p2 v12, v16  }
0x67: {  	v11 =	vbroadcast @!p2 v11, $0xF;
	[tilespmem:s3+$0x7B80] =	vst v7;
	s3 =	simm.s32 @!p2 $0xC800;
	v18 =	vor.u32 @!p2 $0x2, v9;
	v7 =	vsub.f32 @!p2 $0.0e+00, v13  }
0x68: {  	v16 =	vor.u32 @!p2 $0x3, v9;
	[tilespmem:v9+s3+$0x0] =	vst.idx.add.f32.msk @!p2 vm1, v13;
	v9 =	vor.u32 @!p2 $0x2, v10;
	v13, _, _ =	vpop @!p2 (xrf2)  }
0x69: {  	[tilespmem:v10+s3+$0x0] =	vst.idx.add.f32.msk @!p2 vm2, v7;
	v7 =	vbroadcast @!p2 v17, $0xF;
	v11 =	vadd.f32 @!p2 v13, v11;
	v13 =	vsub.f32 @!p2 $0.0e+00, v12  }
0x6a: {  	v4 =	vadd.f32 @p2 v15, v4;
	v2 =	vadd.f32 @p2 v14, v2;
	v10 =	vor.u32 @!p2 $0x3, v10;
	[tilespmem:v19+s3+$0x0] =	vst.idx.add.f32.msk @!p2 vm1, v12;
	v12, _, _ =	vpop @!p2 (xrf2)  }
0x6b: {  	[tilespmem:v20+s3+$0x0] =	vst.idx.add.f32.msk @!p2 vm2, v13;
	v13 =	vsub.f32 @!p2 $0.0e+00, v11;
	v7 =	vadd.f32 @!p2 v12, v7  }
0x6c: {  	v4 =	vpsel !p2, $0x0, v4;
	v2 =	vpsel !p2, $0x0, v2;
	v5 =	vadd.f32 @p2 v8, v5;
	[tilespmem:v18+s3+$0x0] =	vst.idx.add.f32.msk @!p2 vm1, v11  }
0x6d: {  	v3 =	vadd.f32 @p2 v6, v3;
	(xrf2) =	vadd.scan.msk.f32 $0xffff, v4;
	[tilespmem:v9+s3+$0x0] =	vst.idx.add.f32.msk @!p2 vm2, v13;
	v6 =	vsub.f32 @!p2 $0.0e+00, v7  }
0x6e: {  	v57 =	vpsel !p2, $0x0, v5;
	(xrf2) =	vadd.scan.msk.f32 $0xffff, v2;
	[tilespmem:v16+s3+$0x0] =	vst.idx.add.f32.msk @!p2 vm1, v7  }
0x6f: {  	v2 =	vpsel !p2, $0x0, v3;
	(xrf2) =	vadd.scan.msk.f32 $0xffff, v57;
	[tilespmem:v10+s3+$0x0] =	vst.idx.add.f32.msk @!p2 vm2, v6  }
0x70: {  	(xrf2) =	vadd.scan.msk.f32 $0xffff, v2;
	v3 =	vld [tilespmem:$0x1870];
	_ =	sdelay $0x4  }
0x71: {  	v2 =	vshll.u32 v3, $0x2  }
0x72: {  	v3 =	vor.u32 $0x1, v2  }
0x73: {  	v58, _, _ =	vpop (xrf2);
	v59 =	vor.u32 $0x2, v2  }
0x74: {  	v4 =	vbroadcast v58, $0xF;
	v60, _, _ =	vpop (xrf2);
	v61 =	vor.u32 $0x3, v2  }
0x75: {  	v6 =	vbroadcast v60, $0xF;
	v62, _, _ =	vpop (xrf2)  }
0x76: {  	v63, _, _ =	vpop (xrf2);
	[tilespmem:v2+s15+$0x0] =	vst.idx.add.f32.msk vm0, v4;
	v2 =	vbroadcast v62, $0xF  }
0x77: {  	[tilespmem:v3+s15+$0x0] =	vst.idx.add.f32.msk vm0, v6;
	v3 =	vbroadcast v63, $0xF  }
0x78: {  	[tilespmem:v59+s15+$0x0] =	vst.idx.add.f32.msk vm0, v2  }
0x79: {  	s6 =	rddreg [dreg:$0xf];
	s7 =	simm.s32 $0x2C00;
	[tilespmem:v61+s15+$0x0] =	vst.idx.add.f32.msk vm0, v3  }
0x7a: {  	[hbm4b:s6+s1] =	stream.linear.scatter [tilespmem:s7], [sflag:$0x1], $0x200, $0x38;
	[tilespmem:$0xD000] =	vst v63  }
0x7b: {  	_ =	swait.ge [sflag:s28], $0x200  }
0x7c: {  	[sflag:s28] =	ssyncset.done $0x0  }
0x7d: {  	s8 =	rddreg [dreg:$0x10];
	[sflag:s28] =	ssyncadd.s32 $0xFFFFFE00  }
0x7e: {  	[hbm4b:s8+s1] =	stream.linear.scatter [tilespmem:s25], [sflag:$0x1], $0x200, $0x38;
	[tilespmem:$0xD000] =	vst v63  }
0x7f: {  	s8 =	smov.u32 s9  }
0x80: {  	s9 =	smov.u32 s10;
	s10 =	smov.u32 s11;
	s11 =	smov.u32 s12  }
0x81: {  	s12 =	smov.u32 s13;
	s13 =	smov.u32 s16;
	s16 =	smov.u32 s17  }
0x82: {  	s17 =	smov.u32 s18;
	s18 =	smov.u32 s19;
	s19 =	smov.u32 s20  }
0x83: {  	s20 =	smov.u32 s21;
	s21 =	smov.u32 s22;
	s22 =	smov.u32 s23  }
0x84: {  	s23 =	smov.u32 s29;
	s29 =	smov.u32 s30;
	_ =	swait.ge [sflag:s28], $0x200  }
0x85: {  	s30 =	smov.u32 s31;
	s31 =	smov.u32 s14;
	[sflag:s28] =	ssyncset.done $0x0  }
0x86: {  	s14 =	smov.u32 s24;
	s24 =	simm.s32 $0x1800;
	[sflag:s28] =	ssyncadd.s32 $0xFFFFFE00  }
.LBB2_17:
0x87: {  	s2 =	sadd.s32 $0x1, s2  }
0x88: {  	p1 =	sne.s32 s2, s14  }
.Ltmp1:
0x89: {  	s3 =	simm.s32 $0x80;
	(pc) =	sbr.rel @!p1 .LBB2_18-.Ltmp1, $4  }
0x8a: {  	[hbm4b:s31+s3] =	stream.strided.scatter [tilespmem:s15], [sflag:$0x1], $0x800, s26, s3, $0x38;
	[tilespmem:$0xD000] =	vst v63  }
0x8b: {  	_ =	swait.ge [sflag:s28], $0x800  }
0x8c: {  	[sflag:s28] =	ssyncset.done $0x0  }
0x8d: {  	[sflag:s28] =	ssyncadd.s32 $0xFFFFF800  }
.LBB2_1:
0x8e: {  	[tilespmem:s1], [sflag:$0x1] =	stream.linear.gather [hbm4b:s29+s1], $0x200, $0x38;
	[tilespmem:$0xD000] =	vst v63  }
0x8f: {  	_ =	swait.ge [sflag:s28], $0x200  }
0x90: {  	[sflag:s28] =	ssyncset.done $0x0  }
0x91: {  	[sflag:s28] =	ssyncadd.s32 $0xFFFFFE00  }
0x92: {  	[tilespmem:s0], [sflag:$0x1] =	stream.linear.gather [hbm4b:s30+s1], $0x200, $0x38;
	[tilespmem:$0xD000] =	vst v63  }
0x93: {  	_ =	swait.ge [sflag:s28], $0x200  }
0x94: {  	[sflag:s28] =	ssyncset.done $0x0  }
0x95: {  	s3 =	simm.s32 $0x40;
	s4 =	simm.s32 $0x0;
	[sflag:s28] =	ssyncadd.s32 $0xFFFFFE00  }
.LBB2_2:
0x96: {  	p1 =	sne.s32 s3, $0x1FC0;
	[tilespmem:s4+$0xC800] =	vst v0;
	s4 =	smov.u32 s3;
	s3 =	sadd.s32 $0x40, s3  }
.Ltmp2:
0x97: {  	(pc) =	sbr.rel @p1 .LBB2_2-.Ltmp2, $2  }
0x98: {  	_ =	sdelay $0x2  }
0x99: {  	s4 =	sshra.s32 s4, $0x2  }
0x9a: {  	[tilespmem:s4+$0xC800] =	vst v0;
	s3 =	simm.s32 $0x0;
	s7 =	rddreg [dreg:$0x7]  }
0x9b: {  	[tilespmem:s26], [sflag:$0x1] =	stream.linear.gather [hbm4b:s7+s3], $0x1380, $0x38;
	[tilespmem:$0xD000] =	vst v63  }
0x9c: {  	_ =	swait.ge [sflag:s28], $0x1380  }
0x9d: {  	[sflag:s28] =	ssyncset.done $0x0  }
0x9e: {  	[sflag:s28] =	ssyncadd.s32 $0xFFFFEC80  }
0x9f: {  	[tilespmem:s24], [sflag:$0x1] =	stream.linear.gather [hbm4b:s8+s3], $0x1380, $0x38;
	[tilespmem:$0xD000] =	vst v63  }
0xa0: {  	_ =	swait.ge [sflag:s28], $0x1380  }
0xa1: {  	[sflag:s28] =	ssyncset.done $0x0  }
0xa2: {  	v2 =	vimm.f32 $0.0e+00;
	[sflag:s28] =	ssyncadd.s32 $0xFFFFEC80  }
0xa3: {  	s4 =	simm.s32 $0x0;
	v3 =	vimm.f32 $0.0e+00;
	v4 =	vimm.f32 $0.0e+00;
	v5 =	vimm.f32 $0.0e+00;
	[tilespmem:$0x2B80] =	vst v1  }
.LBB2_4:
0xa4: {  	s5 =	sshra.s32 s3, $0x2  }
0xa5: {  	v6 =	vld [tilespmem:s5+$0x400];
	_ =	sdelay $0x3  }
0xa6: {  	v7 =	vld [tilespmem:s5+$0x1800]  }
0xa7: {  	v8 =	vld [tilespmem:s5+$0x1801];
	v6 =	vshll.u32 v6, $0x2;
	_ =	sdelay $0x3  }
0xa8: {  	(v2sf) =	vpush v7, $0x0  }
0xa9: {  	(v2sf) =	vpush v8, $0xF;
	v9 =	vld.idx.msk [tilespmem:v6+s0+$0x0], $0xffff;
	_ =	sdelay $0x1  }
0xaa: {  	v10 =	vor.u32 $0x1, v6  }
0xab: {  	s7 =	sand.u32 $0x7E00, s3;
	s6 =	sand.u32 $0x70, s4  }
0xac: {  	s5 =	sor.u32 s6, s7  }
0xad: {  	v11 =	vld.idx.msk [tilespmem:v6+s1+$0x0], $0xffff;
	[tilespmem:s5+$0x2C00] =	vst v9;
	v9 =	vand.u32 $0x7, v9  }
0xae: {  	[tilespmem:s5+$0x7A00] =	vst v9  }
0xaf: {  	v9 =	vld.idx.msk [tilespmem:v10+s0+$0x0], $0xffff;
	_ =	sdelay $0x1  }
0xb0: {  	v12 =	vor.u32 $0x2, v6;
	_ =	sdelay $0x2  }
0xb1: {  	v10 =	vld.idx.msk [tilespmem:v10+s1+$0x0], $0xffff;
	[tilespmem:s5+$0x2C80] =	vst v9;
	v9 =	vand.u32 $0x7, v9  }
0xb2: {  	[tilespmem:s5+$0x7A80] =	vst v9  }
0xb3: {  	s6 =	spop (v2sf);
	v9 =	vld.idx.msk [tilespmem:v12+s0+$0x0], $0xffff  }
0xb4: {  	s7 =	spop (v2sf)  }
0xb5: {  	v6 =	vor.u32 $0x3, v6;
	p1 =	seq.s32 s6, s7;
	v12 =	vld.idx.msk [tilespmem:v12+s1+$0x0], $0xffff  }
0xb6: {  	(xrf2) =	vadd.scan.msk.f32 @!p1 $0xffff, v11  }
0xb7: {  	(xrf2) =	vadd.scan.msk.f32 @!p1 $0xffff, v5  }
0xb8: {  	(xrf2) =	vadd.scan.msk.f32 @!p1 $0xffff, v10;
	[tilespmem:s5+$0x2D00] =	vst v9;
	v9 =	vand.u32 $0x7, v9  }
0xb9: {  	(xrf2) =	vadd.scan.msk.f32 @!p1 $0xffff, v4;
	[tilespmem:s5+$0x7B00] =	vst v9  }
0xba: {  	(xrf2) =	vadd.scan.msk.f32 @!p1 $0xffff, v12;
	v9 =	vld.idx.msk [tilespmem:v6+s1+$0x0], $0xffff  }
0xbb: {  	(xrf2) =	vadd.scan.msk.f32 @!p1 $0xffff, v3;
	_ =	sdelay $0x3  }
0xbc: {  	(xrf2) =	vadd.scan.msk.f32 @!p1 $0xffff, v9  }
0xbd: {  	v13, _, _ =	vpop @!p1 (xrf2);
	(xrf2) =	vadd.scan.msk.f32 @!p1 $0xffff, v2  }
0xbe: {  	v14, _, _ =	vpop @!p1 (xrf2)  }
0xbf: {  	v15, _, _ =	vpop @!p1 (xrf2)  }
0xc0: {  	vm2 =	vne.s32 @!p1 v7, v8;
	vm1 =	vmmov @!p1 $0x7fff;
	vm3 =	vcmask @!p1 $0x3F3C;
	v6 =	vld.idx.msk [tilespmem:v6+s0+$0x0], $0xffff;
	v16, _, _ =	vpop @!p1 (xrf2)  }
0xc1: {  	vm1 =	vmand @!p1 vm2, vm1;
	vm2 =	vmor @!p1 vm2, vm3;
	v17, _, _ =	vpop @!p1 (xrf2)  }
0xc2: {  	v7 =	vshll.u32 @!p1 v7, $0x2;
	v8 =	vshll.u32 @!p1 v8, $0x2;
	v14 =	vbroadcast @!p1 v14, $0xF;
	v18, _, _ =	vpop @!p1 (xrf2)  }
0xc3: {  	v8 =	vnsel @!p1 vm1, $0x0, v8;
	v18 =	vbroadcast @!p1 v18, $0xF  }
0xc4: {  	v13 =	vadd.f32 @!p1 v13, v14;
	v14 =	vbroadcast @!p1 v16, $0xF;
	v16 =	vor.u32 @!p1 $0x1, v7  }
0xc5: {  	v19 =	vor.u32 @!p1 $0x1, v8;
	[tilespmem:s5+$0x2D80] =	vst v6;
	v6 =	vand.u32 $0x7, v6  }
0xc6: {  	[tilespmem:s5+$0x7B80] =	vst v6;
	s5 =	simm.s32 @!p1 $0xC800;
	v6 =	vsub.f32 @!p1 $0.0e+00, v13;
	v14 =	vadd.f32 @!p1 v15, v14;
	v15 =	vor.u32 @!p1 $0x2, v7;
	v20, _, _ =	vpop @!p1 (xrf2)  }
0xc7: {  	[tilespmem:v7+s5+$0x0] =	vst.idx.add.f32.msk @!p1 vm2, v13;
	v13 =	vadd.f32 @!p1 v17, v18;
	v17 =	vor.u32 @!p1 $0x2, v8;
	v18, _, _ =	vpop @!p1 (xrf2)  }
0xc8: {  	s4 =	sadd.s32 $0x10, s4;
	v7 =	vor.u32 @!p1 $0x3, v7;
	[tilespmem:v8+s5+$0x0] =	vst.idx.add.f32.msk @!p1 vm1, v6;
	v6 =	vsub.f32 @!p1 $0.0e+00, v14;
	v18 =	vbroadcast @!p1 v18, $0xF  }
0xc9: {  	p2 =	sne.s32 s4, $0x1380;
	v5 =	vadd.f32 @p1 v11, v5;
	[tilespmem:v16+s5+$0x0] =	vst.idx.add.f32.msk @!p1 vm2, v14;
	v8 =	vor.u32 @!p1 $0x3, v8  }
.Ltmp3:
0xca: {  	[tilespmem:v19+s5+$0x0] =	vst.idx.add.f32.msk @!p1 vm1, v6;
	v11 =	vsub.f32 @!p1 $0.0e+00, v13;
	v6 =	vadd.f32 @!p1 v20, v18;
	(pc) =	sbr.rel @p2 .LBB2_4-.Ltmp3, $4  }
0xcb: {  	v4 =	vadd.f32 @p1 v10, v4;
	v3 =	vadd.f32 @p1 v12, v3;
	[tilespmem:v15+s5+$0x0] =	vst.idx.add.f32.msk @!p1 vm2, v13  }
0xcc: {  	v2 =	vadd.f32 @p1 v9, v2;
	[tilespmem:v17+s5+$0x0] =	vst.idx.add.f32.msk @!p1 vm1, v11;
	v9 =	vsub.f32 @!p1 $0.0e+00, v6  }
0xcd: {  	v5 =	vpsel !p1, $0x0, v5;
	[tilespmem:v7+s5+$0x0] =	vst.idx.add.f32.msk @!p1 vm2, v6  }
0xce: {  	s3 =	sadd.s32 $0x40, s3;
	v4 =	vpsel !p1, $0x0, v4;
	v3 =	vpsel !p1, $0x0, v3;
	v2 =	vpsel !p1, $0x0, v2;
	[tilespmem:v8+s5+$0x0] =	vst.idx.add.f32.msk @!p1 vm1, v9  }
0xcf: {  	(xrf2) =	vadd.scan.msk.f32 $0xffff, v5;
	_ =	sdelay $0x2  }
0xd0: {  	(xrf2) =	vadd.scan.msk.f32 $0xffff, v4  }
0xd1: {  	(xrf2) =	vadd.scan.msk.f32 $0xffff, v3  }
0xd2: {  	v3 =	vld [tilespmem:$0x2B70];
	(xrf2) =	vadd.scan.msk.f32 $0xffff, v2;
	_ =	sdelay $0x4  }
0xd3: {  	v2 =	vshll.u32 v3, $0x2;
	v4, _, _ =	vpop (xrf2)  }
0xd4: {  	v3 =	vor.u32 $0x1, v2;
	v4 =	vbroadcast v4, $0xF  }
0xd5: {  	v5 =	vor.u32 $0x2, v2  }
0xd6: {  	v7 =	vor.u32 $0x3, v2;
	v6, _, _ =	vpop (xrf2)  }
0xd7: {  	v8, _, _ =	vpop (xrf2);
	v6 =	vbroadcast v6, $0xF  }
0xd8: {  	[tilespmem:v2+s15+$0x0] =	vst.idx.add.f32.msk vm0, v4;
	v2 =	vbroadcast v8, $0xF;
	v4, _, _ =	vpop (xrf2)  }
0xd9: {  	[tilespmem:v3+s15+$0x0] =	vst.idx.add.f32.msk vm0, v6;
	v3 =	vbroadcast v4, $0xF  }
0xda: {  	[tilespmem:v5+s15+$0x0] =	vst.idx.add.f32.msk vm0, v2  }
0xdb: {  	s3 =	simm.s32 $0x0;
	s4 =	rddreg [dreg:$0x8];
	s5 =	simm.s32 $0x2C00;
	[tilespmem:v7+s15+$0x0] =	vst.idx.add.f32.msk vm0, v3  }
0xdc: {  	[hbm4b:s4+s3] =	stream.linear.scatter [tilespmem:s5], [sflag:$0x1], $0x4E00, $0x38;
	[tilespmem:$0xD000] =	vst v63  }
0xdd: {  	_ =	swait.ge [sflag:s28], $0x4E00  }
0xde: {  	[sflag:s28] =	ssyncset.done $0x0  }
0xdf: {  	s5 =	rddreg [dreg:$0x9];
	[sflag:s28] =	ssyncadd.s32 $0xFFFFB200  }
0xe0: {  	[hbm4b:s5+s3] =	stream.linear.scatter [tilespmem:s25], [sflag:$0x1], $0x4E00, $0x38;
	[tilespmem:$0xD000] =	vst v63  }
0xe1: {  	_ =	swait.ge [sflag:s28], $0x4E00  }
0xe2: {  	[sflag:s28] =	ssyncset.done $0x0  }
0xe3: {  	s6 =	rddreg [dreg:$0xa];
	[sflag:s28] =	ssyncadd.s32 $0xFFFFB200  }
0xe4: {  	[tilespmem:s26], [sflag:$0x1] =	stream.linear.gather [hbm4b:s6+s3], $0x1380, $0x38;
	[tilespmem:$0xD000] =	vst v63  }
0xe5: {  	_ =	swait.ge [sflag:s28], $0x1380  }
0xe6: {  	[sflag:s28] =	ssyncset.done $0x0  }
0xe7: {  	s7 =	rddreg [dreg:$0xb];
	[sflag:s28] =	ssyncadd.s32 $0xFFFFEC80  }
0xe8: {  	[tilespmem:s24], [sflag:$0x1] =	stream.linear.gather [hbm4b:s7+s3], $0x1380, $0x38;
	[tilespmem:$0xD000] =	vst v63  }
0xe9: {  	_ =	swait.ge [sflag:s28], $0x1380  }
0xea: {  	[sflag:s28] =	ssyncset.done $0x0  }
0xeb: {  	v2 =	vimm.f32 $0.0e+00;
	[sflag:s28] =	ssyncadd.s32 $0xFFFFEC80  }
0xec: {  	v5 =	vimm.f32 $0.0e+00;
	v4 =	vimm.f32 $0.0e+00;
	v3 =	vimm.f32 $0.0e+00;
	s4 =	simm.s32 $0x0;
	[tilespmem:$0x2B80] =	vst v1  }
.LBB2_6:
0xed: {  	s5 =	sshra.s32 s3, $0x2  }
0xee: {  	v6 =	vld [tilespmem:s5+$0x400];
	_ =	sdelay $0x3  }
0xef: {  	v7 =	vld [tilespmem:s5+$0x1800]  }
0xf0: {  	v8 =	vld [tilespmem:s5+$0x1801];
	v6 =	vshll.u32 v6, $0x2;
	_ =	sdelay $0x3  }
0xf1: {  	(v2sf) =	vpush v7, $0x0  }
0xf2: {  	(v2sf) =	vpush v8, $0xF;
	v9 =	vld.idx.msk [tilespmem:v6+s0+$0x0], $0xffff;
	_ =	sdelay $0x1  }
0xf3: {  	v10 =	vor.u32 $0x1, v6  }
0xf4: {  	s7 =	sand.u32 $0x7E00, s3;
	s6 =	sand.u32 $0x70, s4  }
0xf5: {  	s5 =	sor.u32 s6, s7  }
0xf6: {  	v11 =	vld.idx.msk [tilespmem:v6+s1+$0x0], $0xffff;
	[tilespmem:s5+$0x2C00] =	vst v9;
	v9 =	vand.u32 $0x7, v9  }
0xf7: {  	[tilespmem:s5+$0x7A00] =	vst v9  }
0xf8: {  	v9 =	vld.idx.msk [tilespmem:v10+s0+$0x0], $0xffff;
	_ =	sdelay $0x1  }
0xf9: {  	v12 =	vor.u32 $0x2, v6;
	_ =	sdelay $0x2  }
0xfa: {  	v10 =	vld.idx.msk [tilespmem:v10+s1+$0x0], $0xffff;
	[tilespmem:s5+$0x2C80] =	vst v9;
	v9 =	vand.u32 $0x7, v9  }
0xfb: {  	[tilespmem:s5+$0x7A80] =	vst v9  }
0xfc: {  	s6 =	spop (v2sf);
	v9 =	vld.idx.msk [tilespmem:v12+s0+$0x0], $0xffff  }
0xfd: {  	s7 =	spop (v2sf)  }
0xfe: {  	v6 =	vor.u32 $0x3, v6;
	p1 =	seq.s32 s6, s7;
	v12 =	vld.idx.msk [tilespmem:v12+s1+$0x0], $0xffff  }
0xff: {  	(xrf2) =	vadd.scan.msk.f32 @!p1 $0xffff, v11  }
0x100: {  	(xrf2) =	vadd.scan.msk.f32 @!p1 $0xffff, v5  }
0x101: {  	(xrf2) =	vadd.scan.msk.f32 @!p1 $0xffff, v10;
	[tilespmem:s5+$0x2D00] =	vst v9;
	v9 =	vand.u32 $0x7, v9  }
0x102: {  	(xrf2) =	vadd.scan.msk.f32 @!p1 $0xffff, v4;
	[tilespmem:s5+$0x7B00] =	vst v9  }
0x103: {  	(xrf2) =	vadd.scan.msk.f32 @!p1 $0xffff, v12;
	v9 =	vld.idx.msk [tilespmem:v6+s1+$0x0], $0xffff  }
0x104: {  	(xrf2) =	vadd.scan.msk.f32 @!p1 $0xffff, v3;
	_ =	sdelay $0x3  }
0x105: {  	(xrf2) =	vadd.scan.msk.f32 @!p1 $0xffff, v9  }
0x106: {  	v13, _, _ =	vpop @!p1 (xrf2);
	(xrf2) =	vadd.scan.msk.f32 @!p1 $0xffff, v2  }
0x107: {  	v14, _, _ =	vpop @!p1 (xrf2)  }
0x108: {  	v15, _, _ =	vpop @!p1 (xrf2)  }
0x109: {  	vm2 =	vne.s32 @!p1 v7, v8;
	vm1 =	vmmov @!p1 $0x7fff;
	vm3 =	vcmask @!p1 $0x3F3C;
	v6 =	vld.idx.msk [tilespmem:v6+s0+$0x0], $0xffff;
	v16, _, _ =	vpop @!p1 (xrf2)  }
0x10a: {  	vm1 =	vmand @!p1 vm2, vm1;
	vm2 =	vmor @!p1 vm2, vm3;
	v17, _, _ =	vpop @!p1 (xrf2)  }
0x10b: {  	v7 =	vshll.u32 @!p1 v7, $0x2;
	v8 =	vshll.u32 @!p1 v8, $0x2;
	v14 =	vbroadcast @!p1 v14, $0xF;
	v18, _, _ =	vpop @!p1 (xrf2)  }
0x10c: {  	v8 =	vnsel @!p1 vm1, $0x0, v8;
	v18 =	vbroadcast @!p1 v18, $0xF  }
0x10d: {  	v13 =	vadd.f32 @!p1 v13, v14;
	v14 =	vbroadcast @!p1 v16, $0xF;
	v16 =	vor.u32 @!p1 $0x1, v7  }
0x10e: {  	v19 =	vor.u32 @!p1 $0x1, v8;
	[tilespmem:s5+$0x2D80] =	vst v6;
	v6 =	vand.u32 $0x7, v6  }
0x10f: {  	[tilespmem:s5+$0x7B80] =	vst v6;
	s5 =	simm.s32 @!p1 $0xC800;
	v6 =	vsub.f32 @!p1 $0.0e+00, v13;
	v14 =	vadd.f32 @!p1 v15, v14;
	v15 =	vor.u32 @!p1 $0x2, v7;
	v20, _, _ =	vpop @!p1 (xrf2)  }
0x110: {  	[tilespmem:v7+s5+$0x0] =	vst.idx.add.f32.msk @!p1 vm2, v13;
	v13 =	vadd.f32 @!p1 v17, v18;
	v17 =	vor.u32 @!p1 $0x2, v8;
	v18, _, _ =	vpop @!p1 (xrf2)  }
0x111: {  	s4 =	sadd.s32 $0x10, s4;
	v7 =	vor.u32 @!p1 $0x3, v7;
	[tilespmem:v8+s5+$0x0] =	vst.idx.add.f32.msk @!p1 vm1, v6;
	v6 =	vsub.f32 @!p1 $0.0e+00, v14;
	v18 =	vbroadcast @!p1 v18, $0xF  }
0x112: {  	p2 =	sne.s32 s4, $0x1380;
	v5 =	vadd.f32 @p1 v11, v5;
	[tilespmem:v16+s5+$0x0] =	vst.idx.add.f32.msk @!p1 vm2, v14;
	v8 =	vor.u32 @!p1 $0x3, v8  }
.Ltmp4:
0x113: {  	[tilespmem:v19+s5+$0x0] =	vst.idx.add.f32.msk @!p1 vm1, v6;
	v11 =	vsub.f32 @!p1 $0.0e+00, v13;
	v6 =	vadd.f32 @!p1 v20, v18;
	(pc) =	sbr.rel @p2 .LBB2_6-.Ltmp4, $4  }
0x114: {  	v4 =	vadd.f32 @p1 v10, v4;
	v3 =	vadd.f32 @p1 v12, v3;
	[tilespmem:v15+s5+$0x0] =	vst.idx.add.f32.msk @!p1 vm2, v13  }
0x115: {  	v2 =	vadd.f32 @p1 v9, v2;
	[tilespmem:v17+s5+$0x0] =	vst.idx.add.f32.msk @!p1 vm1, v11;
	v9 =	vsub.f32 @!p1 $0.0e+00, v6  }
0x116: {  	v5 =	vpsel !p1, $0x0, v5;
	[tilespmem:v7+s5+$0x0] =	vst.idx.add.f32.msk @!p1 vm2, v6  }
0x117: {  	s3 =	sadd.s32 $0x40, s3;
	v4 =	vpsel !p1, $0x0, v4;
	v3 =	vpsel !p1, $0x0, v3;
	v2 =	vpsel !p1, $0x0, v2;
	[tilespmem:v8+s5+$0x0] =	vst.idx.add.f32.msk @!p1 vm1, v9  }
0x118: {  	(xrf2) =	vadd.scan.msk.f32 $0xffff, v5;
	_ =	sdelay $0x2  }
0x119: {  	(xrf2) =	vadd.scan.msk.f32 $0xffff, v4  }
0x11a: {  	(xrf2) =	vadd.scan.msk.f32 $0xffff, v3  }
0x11b: {  	v3 =	vld [tilespmem:$0x2B70];
	(xrf2) =	vadd.scan.msk.f32 $0xffff, v2;
	_ =	sdelay $0x4  }
0x11c: {  	v2 =	vshll.u32 v3, $0x2;
	v4, _, _ =	vpop (xrf2)  }
0x11d: {  	v3 =	vor.u32 $0x1, v2;
	v4 =	vbroadcast v4, $0xF  }
0x11e: {  	v5 =	vor.u32 $0x2, v2  }
0x11f: {  	v7 =	vor.u32 $0x3, v2;
	v6, _, _ =	vpop (xrf2)  }
0x120: {  	v8, _, _ =	vpop (xrf2);
	v6 =	vbroadcast v6, $0xF  }
0x121: {  	[tilespmem:v2+s15+$0x0] =	vst.idx.add.f32.msk vm0, v4;
	v2 =	vbroadcast v8, $0xF;
	v4, _, _ =	vpop (xrf2)  }
0x122: {  	[tilespmem:v3+s15+$0x0] =	vst.idx.add.f32.msk vm0, v6;
	v3 =	vbroadcast v4, $0xF  }
0x123: {  	[tilespmem:v5+s15+$0x0] =	vst.idx.add.f32.msk vm0, v2  }
0x124: {  	s3 =	simm.s32 $0x0;
	s4 =	simm.s32 $0x2C00;
	[tilespmem:v7+s15+$0x0] =	vst.idx.add.f32.msk vm0, v3  }
0x125: {  	[hbm4b:s16+s3] =	stream.linear.scatter [tilespmem:s4], [sflag:$0x1], $0x4E00, $0x38;
	[tilespmem:$0xD000] =	vst v63  }
0x126: {  	_ =	swait.ge [sflag:s28], $0x4E00  }
0x127: {  	[sflag:s28] =	ssyncset.done $0x0  }
0x128: {  	[sflag:s28] =	ssyncadd.s32 $0xFFFFB200  }
0x129: {  	[hbm4b:s17+s3] =	stream.linear.scatter [tilespmem:s25], [sflag:$0x1], $0x4E00, $0x38;
	[tilespmem:$0xD000] =	vst v63  }
0x12a: {  	_ =	swait.ge [sflag:s28], $0x4E00  }
0x12b: {  	[sflag:s28] =	ssyncset.done $0x0  }
0x12c: {  	s7 =	rddreg [dreg:$0xc];
	[sflag:s28] =	ssyncadd.s32 $0xFFFFB200  }
0x12d: {  	[tilespmem:s26], [sflag:$0x1] =	stream.linear.gather [hbm4b:s7+s3], $0x1380, $0x38;
	[tilespmem:$0xD000] =	vst v63  }
0x12e: {  	_ =	swait.ge [sflag:s28], $0x1380  }
0x12f: {  	[sflag:s28] =	ssyncset.done $0x0  }
0x130: {  	[sflag:s28] =	ssyncadd.s32 $0xFFFFEC80  }
0x131: {  	[tilespmem:s24], [sflag:$0x1] =	stream.linear.gather [hbm4b:s9+s3], $0x1380, $0x38;
	[tilespmem:$0xD000] =	vst v63  }
0x132: {  	_ =	swait.ge [sflag:s28], $0x1380  }
0x133: {  	[sflag:s28] =	ssyncset.done $0x0  }
0x134: {  	v2 =	vimm.f32 $0.0e+00;
	[sflag:s28] =	ssyncadd.s32 $0xFFFFEC80  }
0x135: {  	v5 =	vimm.f32 $0.0e+00;
	v4 =	vimm.f32 $0.0e+00;
	v3 =	vimm.f32 $0.0e+00;
	s4 =	simm.s32 $0x0;
	[tilespmem:$0x2B80] =	vst v1  }
.LBB2_8:
0x136: {  	s5 =	sshra.s32 s3, $0x2  }
0x137: {  	v6 =	vld [tilespmem:s5+$0x400];
	_ =	sdelay $0x3  }
0x138: {  	v7 =	vld [tilespmem:s5+$0x1800]  }
0x139: {  	v8 =	vld [tilespmem:s5+$0x1801];
	v6 =	vshll.u32 v6, $0x2;
	_ =	sdelay $0x3  }
0x13a: {  	(v2sf) =	vpush v7, $0x0  }
0x13b: {  	(v2sf) =	vpush v8, $0xF;
	v9 =	vld.idx.msk [tilespmem:v6+s0+$0x0], $0xffff;
	_ =	sdelay $0x1  }
0x13c: {  	v10 =	vor.u32 $0x1, v6  }
0x13d: {  	s7 =	sand.u32 $0x7E00, s3;
	s6 =	sand.u32 $0x70, s4  }
0x13e: {  	s5 =	sor.u32 s6, s7  }
0x13f: {  	v11 =	vld.idx.msk [tilespmem:v6+s1+$0x0], $0xffff;
	[tilespmem:s5+$0x2C00] =	vst v9;
	v9 =	vand.u32 $0x7, v9  }
0x140: {  	[tilespmem:s5+$0x7A00] =	vst v9  }
0x141: {  	v9 =	vld.idx.msk [tilespmem:v10+s0+$0x0], $0xffff;
	_ =	sdelay $0x1  }
0x142: {  	v12 =	vor.u32 $0x2, v6;
	_ =	sdelay $0x2  }
0x143: {  	v10 =	vld.idx.msk [tilespmem:v10+s1+$0x0], $0xffff;
	[tilespmem:s5+$0x2C80] =	vst v9;
	v9 =	vand.u32 $0x7, v9  }
0x144: {  	[tilespmem:s5+$0x7A80] =	vst v9  }
0x145: {  	s6 =	spop (v2sf);
	v9 =	vld.idx.msk [tilespmem:v12+s0+$0x0], $0xffff  }
0x146: {  	s7 =	spop (v2sf)  }
0x147: {  	v6 =	vor.u32 $0x3, v6;
	p1 =	seq.s32 s6, s7;
	v12 =	vld.idx.msk [tilespmem:v12+s1+$0x0], $0xffff  }
0x148: {  	(xrf2) =	vadd.scan.msk.f32 @!p1 $0xffff, v11  }
0x149: {  	(xrf2) =	vadd.scan.msk.f32 @!p1 $0xffff, v5  }
0x14a: {  	(xrf2) =	vadd.scan.msk.f32 @!p1 $0xffff, v10;
	[tilespmem:s5+$0x2D00] =	vst v9;
	v9 =	vand.u32 $0x7, v9  }
0x14b: {  	(xrf2) =	vadd.scan.msk.f32 @!p1 $0xffff, v4;
	[tilespmem:s5+$0x7B00] =	vst v9  }
0x14c: {  	(xrf2) =	vadd.scan.msk.f32 @!p1 $0xffff, v12;
	v9 =	vld.idx.msk [tilespmem:v6+s1+$0x0], $0xffff  }
0x14d: {  	(xrf2) =	vadd.scan.msk.f32 @!p1 $0xffff, v3;
	_ =	sdelay $0x3  }
0x14e: {  	(xrf2) =	vadd.scan.msk.f32 @!p1 $0xffff, v9  }
0x14f: {  	v13, _, _ =	vpop @!p1 (xrf2);
	(xrf2) =	vadd.scan.msk.f32 @!p1 $0xffff, v2  }
0x150: {  	v14, _, _ =	vpop @!p1 (xrf2)  }
0x151: {  	v15, _, _ =	vpop @!p1 (xrf2)  }
0x152: {  	vm2 =	vne.s32 @!p1 v7, v8;
	vm1 =	vmmov @!p1 $0x7fff;
	vm3 =	vcmask @!p1 $0x3F3C;
	v6 =	vld.idx.msk [tilespmem:v6+s0+$0x0], $0xffff;
	v16, _, _ =	vpop @!p1 (xrf2)  }
0x153: {  	vm1 =	vmand @!p1 vm2, vm1;
	vm2 =	vmor @!p1 vm2, vm3;
	v17, _, _ =	vpop @!p1 (xrf2)  }
0x154: {  	v7 =	vshll.u32 @!p1 v7, $0x2;
	v8 =	vshll.u32 @!p1 v8, $0x2;
	v14 =	vbroadcast @!p1 v14, $0xF;
	v18, _, _ =	vpop @!p1 (xrf2)  }
0x155: {  	v8 =	vnsel @!p1 vm1, $0x0, v8;
	v18 =	vbroadcast @!p1 v18, $0xF  }
0x156: {  	v13 =	vadd.f32 @!p1 v13, v14;
	v14 =	vbroadcast @!p1 v16, $0xF;
	v16 =	vor.u32 @!p1 $0x1, v7  }
0x157: {  	v19 =	vor.u32 @!p1 $0x1, v8;
	[tilespmem:s5+$0x2D80] =	vst v6;
	v6 =	vand.u32 $0x7, v6  }
0x158: {  	[tilespmem:s5+$0x7B80] =	vst v6;
	s5 =	simm.s32 @!p1 $0xC800;
	v6 =	vsub.f32 @!p1 $0.0e+00, v13;
	v14 =	vadd.f32 @!p1 v15, v14;
	v15 =	vor.u32 @!p1 $0x2, v7;
	v20, _, _ =	vpop @!p1 (xrf2)  }
0x159: {  	[tilespmem:v7+s5+$0x0] =	vst.idx.add.f32.msk @!p1 vm2, v13;
	v13 =	vadd.f32 @!p1 v17, v18;
	v17 =	vor.u32 @!p1 $0x2, v8;
	v18, _, _ =	vpop @!p1 (xrf2)  }
0x15a: {  	s4 =	sadd.s32 $0x10, s4;
	v7 =	vor.u32 @!p1 $0x3, v7;
	[tilespmem:v8+s5+$0x0] =	vst.idx.add.f32.msk @!p1 vm1, v6;
	v6 =	vsub.f32 @!p1 $0.0e+00, v14;
	v18 =	vbroadcast @!p1 v18, $0xF  }
0x15b: {  	p2 =	sne.s32 s4, $0x1380;
	v5 =	vadd.f32 @p1 v11, v5;
	[tilespmem:v16+s5+$0x0] =	vst.idx.add.f32.msk @!p1 vm2, v14;
	v8 =	vor.u32 @!p1 $0x3, v8  }
.Ltmp5:
0x15c: {  	[tilespmem:v19+s5+$0x0] =	vst.idx.add.f32.msk @!p1 vm1, v6;
	v11 =	vsub.f32 @!p1 $0.0e+00, v13;
	v6 =	vadd.f32 @!p1 v20, v18;
	(pc) =	sbr.rel @p2 .LBB2_8-.Ltmp5, $4  }
0x15d: {  	v4 =	vadd.f32 @p1 v10, v4;
	v3 =	vadd.f32 @p1 v12, v3;
	[tilespmem:v15+s5+$0x0] =	vst.idx.add.f32.msk @!p1 vm2, v13  }
0x15e: {  	v2 =	vadd.f32 @p1 v9, v2;
	[tilespmem:v17+s5+$0x0] =	vst.idx.add.f32.msk @!p1 vm1, v11;
	v9 =	vsub.f32 @!p1 $0.0e+00, v6  }
0x15f: {  	v5 =	vpsel !p1, $0x0, v5;
	[tilespmem:v7+s5+$0x0] =	vst.idx.add.f32.msk @!p1 vm2, v6  }
0x160: {  	s3 =	sadd.s32 $0x40, s3;
	v4 =	vpsel !p1, $0x0, v4;
	v3 =	vpsel !p1, $0x0, v3;
	v2 =	vpsel !p1, $0x0, v2;
	[tilespmem:v8+s5+$0x0] =	vst.idx.add.f32.msk @!p1 vm1, v9  }
0x161: {  	(xrf2) =	vadd.scan.msk.f32 $0xffff, v5;
	_ =	sdelay $0x2  }
0x162: {  	(xrf2) =	vadd.scan.msk.f32 $0xffff, v4  }
0x163: {  	(xrf2) =	vadd.scan.msk.f32 $0xffff, v3  }
0x164: {  	v3 =	vld [tilespmem:$0x2B70];
	(xrf2) =	vadd.scan.msk.f32 $0xffff, v2;
	_ =	sdelay $0x4  }
0x165: {  	v2 =	vshll.u32 v3, $0x2;
	v4, _, _ =	vpop (xrf2)  }
0x166: {  	v3 =	vor.u32 $0x1, v2;
	v4 =	vbroadcast v4, $0xF  }
0x167: {  	v5 =	vor.u32 $0x2, v2  }
0x168: {  	v7 =	vor.u32 $0x3, v2;
	v6, _, _ =	vpop (xrf2)  }
0x169: {  	v8, _, _ =	vpop (xrf2);
	v6 =	vbroadcast v6, $0xF  }
0x16a: {  	[tilespmem:v2+s15+$0x0] =	vst.idx.add.f32.msk vm0, v4;
	v2 =	vbroadcast v8, $0xF;
	v4, _, _ =	vpop (xrf2)  }
0x16b: {  	[tilespmem:v3+s15+$0x0] =	vst.idx.add.f32.msk vm0, v6;
	v3 =	vbroadcast v4, $0xF  }
0x16c: {  	[tilespmem:v5+s15+$0x0] =	vst.idx.add.f32.msk vm0, v2  }
0x16d: {  	s3 =	simm.s32 $0x0;
	s4 =	simm.s32 $0x2C00;
	[tilespmem:v7+s15+$0x0] =	vst.idx.add.f32.msk vm0, v3  }
0x16e: {  	[hbm4b:s18+s3] =	stream.linear.scatter [tilespmem:s4], [sflag:$0x1], $0x4E00, $0x38;
	[tilespmem:$0xD000] =	vst v63  }
0x16f: {  	_ =	swait.ge [sflag:s28], $0x4E00  }
0x170: {  	[sflag:s28] =	ssyncset.done $0x0  }
0x171: {  	[sflag:s28] =	ssyncadd.s32 $0xFFFFB200  }
0x172: {  	[hbm4b:s19+s3] =	stream.linear.scatter [tilespmem:s25], [sflag:$0x1], $0x4E00, $0x38;
	[tilespmem:$0xD000] =	vst v63  }
0x173: {  	_ =	swait.ge [sflag:s28], $0x4E00  }
0x174: {  	[sflag:s28] =	ssyncset.done $0x0  }
0x175: {  	[sflag:s28] =	ssyncadd.s32 $0xFFFFB200  }
0x176: {  	[tilespmem:s26], [sflag:$0x1] =	stream.linear.gather [hbm4b:s10+s3], $0x1380, $0x38;
	[tilespmem:$0xD000] =	vst v63  }
0x177: {  	_ =	swait.ge [sflag:s28], $0x1380  }
0x178: {  	[sflag:s28] =	ssyncset.done $0x0  }
0x179: {  	[sflag:s28] =	ssyncadd.s32 $0xFFFFEC80  }
0x17a: {  	[tilespmem:s24], [sflag:$0x1] =	stream.linear.gather [hbm4b:s11+s3], $0x1380, $0x38;
	[tilespmem:$0xD000] =	vst v63  }
0x17b: {  	_ =	swait.ge [sflag:s28], $0x1380  }
0x17c: {  	[sflag:s28] =	ssyncset.done $0x0  }
0x17d: {  	v2 =	vimm.f32 $0.0e+00;
	[sflag:s28] =	ssyncadd.s32 $0xFFFFEC80  }
0x17e: {  	v5 =	vimm.f32 $0.0e+00;
	v4 =	vimm.f32 $0.0e+00;
	v3 =	vimm.f32 $0.0e+00;
	s4 =	simm.s32 $0x0;
	[tilespmem:$0x2B80] =	vst v1  }
.LBB2_10:
0x17f: {  	s5 =	sshra.s32 s3, $0x2  }
0x180: {  	v6 =	vld [tilespmem:s5+$0x400];
	_ =	sdelay $0x3  }
0x181: {  	v7 =	vld [tilespmem:s5+$0x1800]  }
0x182: {  	v8 =	vld [tilespmem:s5+$0x1801];
	v6 =	vshll.u32 v6, $0x2;
	_ =	sdelay $0x3  }
0x183: {  	(v2sf) =	vpush v7, $0x0  }
0x184: {  	(v2sf) =	vpush v8, $0xF;
	v9 =	vld.idx.msk [tilespmem:v6+s0+$0x0], $0xffff;
	_ =	sdelay $0x1  }
0x185: {  	v10 =	vor.u32 $0x1, v6  }
0x186: {  	s7 =	sand.u32 $0x7E00, s3;
	s6 =	sand.u32 $0x70, s4  }
0x187: {  	s5 =	sor.u32 s6, s7  }
0x188: {  	v11 =	vld.idx.msk [tilespmem:v6+s1+$0x0], $0xffff;
	[tilespmem:s5+$0x2C00] =	vst v9;
	v9 =	vand.u32 $0x7, v9  }
0x189: {  	[tilespmem:s5+$0x7A00] =	vst v9  }
0x18a: {  	v9 =	vld.idx.msk [tilespmem:v10+s0+$0x0], $0xffff;
	_ =	sdelay $0x1  }
0x18b: {  	v12 =	vor.u32 $0x2, v6;
	_ =	sdelay $0x2  }
0x18c: {  	v10 =	vld.idx.msk [tilespmem:v10+s1+$0x0], $0xffff;
	[tilespmem:s5+$0x2C80] =	vst v9;
	v9 =	vand.u32 $0x7, v9  }
0x18d: {  	[tilespmem:s5+$0x7A80] =	vst v9  }
0x18e: {  	s6 =	spop (v2sf);
	v9 =	vld.idx.msk [tilespmem:v12+s0+$0x0], $0xffff  }
0x18f: {  	s7 =	spop (v2sf)  }
0x190: {  	v6 =	vor.u32 $0x3, v6;
	p1 =	seq.s32 s6, s7;
	v12 =	vld.idx.msk [tilespmem:v12+s1+$0x0], $0xffff  }
0x191: {  	(xrf2) =	vadd.scan.msk.f32 @!p1 $0xffff, v11  }
0x192: {  	(xrf2) =	vadd.scan.msk.f32 @!p1 $0xffff, v5  }
0x193: {  	(xrf2) =	vadd.scan.msk.f32 @!p1 $0xffff, v10;
	[tilespmem:s5+$0x2D00] =	vst v9;
	v9 =	vand.u32 $0x7, v9  }
0x194: {  	(xrf2) =	vadd.scan.msk.f32 @!p1 $0xffff, v4;
	[tilespmem:s5+$0x7B00] =	vst v9  }
0x195: {  	(xrf2) =	vadd.scan.msk.f32 @!p1 $0xffff, v12;
	v9 =	vld.idx.msk [tilespmem:v6+s1+$0x0], $0xffff  }
0x196: {  	(xrf2) =	vadd.scan.msk.f32 @!p1 $0xffff, v3;
	_ =	sdelay $0x3  }
0x197: {  	(xrf2) =	vadd.scan.msk.f32 @!p1 $0xffff, v9  }
0x198: {  	v13, _, _ =	vpop @!p1 (xrf2);
	(xrf2) =	vadd.scan.msk.f32 @!p1 $0xffff, v2  }
0x199: {  	v14, _, _ =	vpop @!p1 (xrf2)  }
0x19a: {  	v15, _, _ =	vpop @!p1 (xrf2)  }
0x19b: {  	vm2 =	vne.s32 @!p1 v7, v8;
	vm1 =	vmmov @!p1 $0x7fff;
	vm3 =	vcmask @!p1 $0x3F3C;
	v6 =	vld.idx.msk [tilespmem:v6+s0+$0x0], $0xffff;
	v16, _, _ =	vpop @!p1 (xrf2)  }
0x19c: {  	vm1 =	vmand @!p1 vm2, vm1;
	vm2 =	vmor @!p1 vm2, vm3;
	v17, _, _ =	vpop @!p1 (xrf2)  }
0x19d: {  	v7 =	vshll.u32 @!p1 v7, $0x2;
	v8 =	vshll.u32 @!p1 v8, $0x2;
	v14 =	vbroadcast @!p1 v14, $0xF;
	v18, _, _ =	vpop @!p1 (xrf2)  }
0x19e: {  	v8 =	vnsel @!p1 vm1, $0x0, v8;
	v18 =	vbroadcast @!p1 v18, $0xF  }
0x19f: {  	v13 =	vadd.f32 @!p1 v13, v14;
	v14 =	vbroadcast @!p1 v16, $0xF;
	v16 =	vor.u32 @!p1 $0x1, v7  }
0x1a0: {  	v19 =	vor.u32 @!p1 $0x1, v8;
	[tilespmem:s5+$0x2D80] =	vst v6;
	v6 =	vand.u32 $0x7, v6  }
0x1a1: {  	[tilespmem:s5+$0x7B80] =	vst v6;
	s5 =	simm.s32 @!p1 $0xC800;
	v6 =	vsub.f32 @!p1 $0.0e+00, v13;
	v14 =	vadd.f32 @!p1 v15, v14;
	v15 =	vor.u32 @!p1 $0x2, v7;
	v20, _, _ =	vpop @!p1 (xrf2)  }
0x1a2: {  	[tilespmem:v7+s5+$0x0] =	vst.idx.add.f32.msk @!p1 vm2, v13;
	v13 =	vadd.f32 @!p1 v17, v18;
	v17 =	vor.u32 @!p1 $0x2, v8;
	v18, _, _ =	vpop @!p1 (xrf2)  }
0x1a3: {  	s4 =	sadd.s32 $0x10, s4;
	v7 =	vor.u32 @!p1 $0x3, v7;
	[tilespmem:v8+s5+$0x0] =	vst.idx.add.f32.msk @!p1 vm1, v6;
	v6 =	vsub.f32 @!p1 $0.0e+00, v14;
	v18 =	vbroadcast @!p1 v18, $0xF  }
0x1a4: {  	p2 =	sne.s32 s4, $0x1380;
	v5 =	vadd.f32 @p1 v11, v5;
	[tilespmem:v16+s5+$0x0] =	vst.idx.add.f32.msk @!p1 vm2, v14;
	v8 =	vor.u32 @!p1 $0x3, v8  }
.Ltmp6:
0x1a5: {  	[tilespmem:v19+s5+$0x0] =	vst.idx.add.f32.msk @!p1 vm1, v6;
	v11 =	vsub.f32 @!p1 $0.0e+00, v13;
	v6 =	vadd.f32 @!p1 v20, v18;
	(pc) =	sbr.rel @p2 .LBB2_10-.Ltmp6, $4  }
0x1a6: {  	v4 =	vadd.f32 @p1 v10, v4;
	v3 =	vadd.f32 @p1 v12, v3;
	[tilespmem:v15+s5+$0x0] =	vst.idx.add.f32.msk @!p1 vm2, v13  }
0x1a7: {  	v2 =	vadd.f32 @p1 v9, v2;
	[tilespmem:v17+s5+$0x0] =	vst.idx.add.f32.msk @!p1 vm1, v11;
	v9 =	vsub.f32 @!p1 $0.0e+00, v6  }
0x1a8: {  	v5 =	vpsel !p1, $0x0, v5;
	[tilespmem:v7+s5+$0x0] =	vst.idx.add.f32.msk @!p1 vm2, v6  }
0x1a9: {  	s3 =	sadd.s32 $0x40, s3;
	v4 =	vpsel !p1, $0x0, v4;
	v3 =	vpsel !p1, $0x0, v3;
	v2 =	vpsel !p1, $0x0, v2;
	[tilespmem:v8+s5+$0x0] =	vst.idx.add.f32.msk @!p1 vm1, v9  }
0x1aa: {  	(xrf2) =	vadd.scan.msk.f32 $0xffff, v5;
	_ =	sdelay $0x2  }
0x1ab: {  	(xrf2) =	vadd.scan.msk.f32 $0xffff, v4  }
0x1ac: {  	(xrf2) =	vadd.scan.msk.f32 $0xffff, v3  }
0x1ad: {  	v3 =	vld [tilespmem:$0x2B70];
	(xrf2) =	vadd.scan.msk.f32 $0xffff, v2;
	_ =	sdelay $0x4  }
0x1ae: {  	v2 =	vshll.u32 v3, $0x2;
	v4, _, _ =	vpop (xrf2)  }
0x1af: {  	v3 =	vor.u32 $0x1, v2;
	v4 =	vbroadcast v4, $0xF  }
0x1b0: {  	v5 =	vor.u32 $0x2, v2  }
0x1b1: {  	v7 =	vor.u32 $0x3, v2;
	v6, _, _ =	vpop (xrf2)  }
0x1b2: {  	v8, _, _ =	vpop (xrf2);
	v6 =	vbroadcast v6, $0xF  }
0x1b3: {  	[tilespmem:v2+s15+$0x0] =	vst.idx.add.f32.msk vm0, v4;
	v2 =	vbroadcast v8, $0xF;
	v4, _, _ =	vpop (xrf2)  }
0x1b4: {  	[tilespmem:v3+s15+$0x0] =	vst.idx.add.f32.msk vm0, v6;
	v3 =	vbroadcast v4, $0xF  }
0x1b5: {  	[tilespmem:v5+s15+$0x0] =	vst.idx.add.f32.msk vm0, v2  }
0x1b6: {  	s3 =	simm.s32 $0x0;
	s4 =	simm.s32 $0x2C00;
	[tilespmem:v7+s15+$0x0] =	vst.idx.add.f32.msk vm0, v3  }
0x1b7: {  	[hbm4b:s20+s3] =	stream.linear.scatter [tilespmem:s4], [sflag:$0x1], $0x4E00, $0x38;
	[tilespmem:$0xD000] =	vst v63  }
0x1b8: {  	_ =	swait.ge [sflag:s28], $0x4E00  }
0x1b9: {  	[sflag:s28] =	ssyncset.done $0x0  }
0x1ba: {  	[sflag:s28] =	ssyncadd.s32 $0xFFFFB200  }
0x1bb: {  	[hbm4b:s21+s3] =	stream.linear.scatter [tilespmem:s25], [sflag:$0x1], $0x4E00, $0x38;
	[tilespmem:$0xD000] =	vst v63  }
0x1bc: {  	_ =	swait.ge [sflag:s28], $0x4E00  }
0x1bd: {  	[sflag:s28] =	ssyncset.done $0x0  }
0x1be: {  	[sflag:s28] =	ssyncadd.s32 $0xFFFFB200  }
0x1bf: {  	[tilespmem:s26], [sflag:$0x1] =	stream.linear.gather [hbm4b:s12+s3], $0x1380, $0x38;
	[tilespmem:$0xD000] =	vst v63  }
0x1c0: {  	_ =	swait.ge [sflag:s28], $0x1380  }
0x1c1: {  	[sflag:s28] =	ssyncset.done $0x0  }
0x1c2: {  	[sflag:s28] =	ssyncadd.s32 $0xFFFFEC80  }
0x1c3: {  	[tilespmem:s24], [sflag:$0x1] =	stream.linear.gather [hbm4b:s13+s3], $0x1380, $0x38;
	[tilespmem:$0xD000] =	vst v63  }
0x1c4: {  	_ =	swait.ge [sflag:s28], $0x1380  }
0x1c5: {  	[sflag:s28] =	ssyncset.done $0x0  }
0x1c6: {  	v2 =	vimm.f32 $0.0e+00;
	[sflag:s28] =	ssyncadd.s32 $0xFFFFEC80  }
0x1c7: {  	v5 =	vimm.f32 $0.0e+00;
	v4 =	vimm.f32 $0.0e+00;
	v3 =	vimm.f32 $0.0e+00;
	s4 =	simm.s32 $0x0;
	[tilespmem:$0x2B80] =	vst v1  }
.LBB2_12:
0x1c8: {  	s5 =	sshra.s32 s3, $0x2  }
0x1c9: {  	v6 =	vld [tilespmem:s5+$0x400];
	_ =	sdelay $0x3  }
0x1ca: {  	v7 =	vld [tilespmem:s5+$0x1800]  }
0x1cb: {  	v8 =	vld [tilespmem:s5+$0x1801];
	v6 =	vshll.u32 v6, $0x2;
	_ =	sdelay $0x3  }
0x1cc: {  	(v2sf) =	vpush v7, $0x0  }
0x1cd: {  	(v2sf) =	vpush v8, $0xF;
	v9 =	vld.idx.msk [tilespmem:v6+s0+$0x0], $0xffff;
	_ =	sdelay $0x1  }
0x1ce: {  	v10 =	vor.u32 $0x1, v6  }
0x1cf: {  	s7 =	sand.u32 $0x7E00, s3;
	s6 =	sand.u32 $0x70, s4  }
0x1d0: {  	s5 =	sor.u32 s6, s7  }
0x1d1: {  	v11 =	vld.idx.msk [tilespmem:v6+s1+$0x0], $0xffff;
	[tilespmem:s5+$0x2C00] =	vst v9;
	v9 =	vand.u32 $0x7, v9  }
0x1d2: {  	[tilespmem:s5+$0x7A00] =	vst v9  }
0x1d3: {  	v9 =	vld.idx.msk [tilespmem:v10+s0+$0x0], $0xffff;
	_ =	sdelay $0x1  }
0x1d4: {  	v12 =	vor.u32 $0x2, v6;
	_ =	sdelay $0x2  }
0x1d5: {  	v10 =	vld.idx.msk [tilespmem:v10+s1+$0x0], $0xffff;
	[tilespmem:s5+$0x2C80] =	vst v9;
	v9 =	vand.u32 $0x7, v9  }
0x1d6: {  	[tilespmem:s5+$0x7A80] =	vst v9  }
0x1d7: {  	s6 =	spop (v2sf);
	v9 =	vld.idx.msk [tilespmem:v12+s0+$0x0], $0xffff  }
0x1d8: {  	s7 =	spop (v2sf)  }
0x1d9: {  	v6 =	vor.u32 $0x3, v6;
	p1 =	seq.s32 s6, s7;
	v12 =	vld.idx.msk [tilespmem:v12+s1+$0x0], $0xffff  }
0x1da: {  	(xrf2) =	vadd.scan.msk.f32 @!p1 $0xffff, v11  }
0x1db: {  	(xrf2) =	vadd.scan.msk.f32 @!p1 $0xffff, v5  }
0x1dc: {  	(xrf2) =	vadd.scan.msk.f32 @!p1 $0xffff, v10;
	[tilespmem:s5+$0x2D00] =	vst v9;
	v9 =	vand.u32 $0x7, v9  }
0x1dd: {  	(xrf2) =	vadd.scan.msk.f32 @!p1 $0xffff, v4;
	[tilespmem:s5+$0x7B00] =	vst v9  }
0x1de: {  	(xrf2) =	vadd.scan.msk.f32 @!p1 $0xffff, v12;
	v9 =	vld.idx.msk [tilespmem:v6+s1+$0x0], $0xffff  }
0x1df: {  	(xrf2) =	vadd.scan.msk.f32 @!p1 $0xffff, v3;
	_ =	sdelay $0x3  }
0x1e0: {  	(xrf2) =	vadd.scan.msk.f32 @!p1 $0xffff, v9  }
0x1e1: {  	v13, _, _ =	vpop @!p1 (xrf2);
	(xrf2) =	vadd.scan.msk.f32 @!p1 $0xffff, v2  }
0x1e2: {  	v14, _, _ =	vpop @!p1 (xrf2)  }
0x1e3: {  	v15, _, _ =	vpop @!p1 (xrf2)  }
0x1e4: {  	vm2 =	vne.s32 @!p1 v7, v8;
	vm1 =	vmmov @!p1 $0x7fff;
	vm3 =	vcmask @!p1 $0x3F3C;
	v6 =	vld.idx.msk [tilespmem:v6+s0+$0x0], $0xffff;
	v16, _, _ =	vpop @!p1 (xrf2)  }
0x1e5: {  	vm1 =	vmand @!p1 vm2, vm1;
	vm2 =	vmor @!p1 vm2, vm3;
	v17, _, _ =	vpop @!p1 (xrf2)  }
0x1e6: {  	v7 =	vshll.u32 @!p1 v7, $0x2;
	v8 =	vshll.u32 @!p1 v8, $0x2;
	v14 =	vbroadcast @!p1 v14, $0xF;
	v18, _, _ =	vpop @!p1 (xrf2)  }
0x1e7: {  	v8 =	vnsel @!p1 vm1, $0x0, v8;
	v18 =	vbroadcast @!p1 v18, $0xF  }
0x1e8: {  	v13 =	vadd.f32 @!p1 v13, v14;
	v14 =	vbroadcast @!p1 v16, $0xF;
	v16 =	vor.u32 @!p1 $0x1, v7  }
0x1e9: {  	v19 =	vor.u32 @!p1 $0x1, v8;
	[tilespmem:s5+$0x2D80] =	vst v6;
	v6 =	vand.u32 $0x7, v6  }
0x1ea: {  	[tilespmem:s5+$0x7B80] =	vst v6;
	s5 =	simm.s32 @!p1 $0xC800;
	v6 =	vsub.f32 @!p1 $0.0e+00, v13;
	v14 =	vadd.f32 @!p1 v15, v14;
	v15 =	vor.u32 @!p1 $0x2, v7;
	v20, _, _ =	vpop @!p1 (xrf2)  }
0x1eb: {  	[tilespmem:v7+s5+$0x0] =	vst.idx.add.f32.msk @!p1 vm2, v13;
	v13 =	vadd.f32 @!p1 v17, v18;
	v17 =	vor.u32 @!p1 $0x2, v8;
	v18, _, _ =	vpop @!p1 (xrf2)  }
0x1ec: {  	s4 =	sadd.s32 $0x10, s4;
	v7 =	vor.u32 @!p1 $0x3, v7;
	[tilespmem:v8+s5+$0x0] =	vst.idx.add.f32.msk @!p1 vm1, v6;
	v6 =	vsub.f32 @!p1 $0.0e+00, v14;
	v18 =	vbroadcast @!p1 v18, $0xF  }
0x1ed: {  	p2 =	sne.s32 s4, $0x1380;
	v5 =	vadd.f32 @p1 v11, v5;
	[tilespmem:v16+s5+$0x0] =	vst.idx.add.f32.msk @!p1 vm2, v14;
	v8 =	vor.u32 @!p1 $0x3, v8  }
.Ltmp7:
0x1ee: {  	[tilespmem:v19+s5+$0x0] =	vst.idx.add.f32.msk @!p1 vm1, v6;
	v11 =	vsub.f32 @!p1 $0.0e+00, v13;
	v6 =	vadd.f32 @!p1 v20, v18;
	(pc) =	sbr.rel @p2 .LBB2_12-.Ltmp7, $4  }
0x1ef: {  	v4 =	vadd.f32 @p1 v10, v4;
	v3 =	vadd.f32 @p1 v12, v3;
	[tilespmem:v15+s5+$0x0] =	vst.idx.add.f32.msk @!p1 vm2, v13  }
0x1f0: {  	v2 =	vadd.f32 @p1 v9, v2;
	[tilespmem:v17+s5+$0x0] =	vst.idx.add.f32.msk @!p1 vm1, v11;
	v9 =	vsub.f32 @!p1 $0.0e+00, v6  }
0x1f1: {  	v5 =	vpsel !p1, $0x0, v5;
	[tilespmem:v7+s5+$0x0] =	vst.idx.add.f32.msk @!p1 vm2, v6  }
0x1f2: {  	s3 =	sadd.s32 $0x40, s3;
	v4 =	vpsel !p1, $0x0, v4;
	v3 =	vpsel !p1, $0x0, v3;
	v2 =	vpsel !p1, $0x0, v2;
	[tilespmem:v8+s5+$0x0] =	vst.idx.add.f32.msk @!p1 vm1, v9  }
0x1f3: {  	(xrf2) =	vadd.scan.msk.f32 $0xffff, v5  }
0x1f4: {  	(xrf2) =	vadd.scan.msk.f32 $0xffff, v4  }
0x1f5: {  	(xrf2) =	vadd.scan.msk.f32 $0xffff, v3  }
0x1f6: {  	v3 =	vld [tilespmem:$0x2B70];
	(xrf2) =	vadd.scan.msk.f32 $0xffff, v2;
	_ =	sdelay $0x4  }
0x1f7: {  	v2 =	vshll.u32 v3, $0x2  }
0x1f8: {  	v3 =	vor.u32 $0x1, v2  }
0x1f9: {  	v62 =	vor.u32 $0x2, v2;
	v61, _, _ =	vpop (xrf2)  }
0x1fa: {  	v7 =	vor.u32 $0x3, v2;
	v6, _, _ =	vpop (xrf2);
	v4 =	vbroadcast v61, $0xF  }
0x1fb: {  	v8, _, _ =	vpop (xrf2);
	v6 =	vbroadcast v6, $0xF  }
0x1fc: {  	[tilespmem:v2+s15+$0x0] =	vst.idx.add.f32.msk vm0, v4;
	v2 =	vbroadcast v8, $0xF;
	v63, _, _ =	vpop (xrf2)  }
0x1fd: {  	[tilespmem:v3+s15+$0x0] =	vst.idx.add.f32.msk vm0, v6;
	v3 =	vbroadcast v63, $0xF  }
0x1fe: {  	[tilespmem:v62+s15+$0x0] =	vst.idx.add.f32.msk vm0, v2  }
0x1ff: {  	s3 =	simm.s32 $0x2C00;
	[tilespmem:v7+s15+$0x0] =	vst.idx.add.f32.msk vm0, v3  }
0x200: {  	[hbm4b:s22+s1] =	stream.linear.scatter [tilespmem:s3], [sflag:$0x1], $0x4E00, $0x38;
	[tilespmem:$0xD000] =	vst v63  }
0x201: {  	_ =	swait.ge [sflag:s28], $0x4E00  }
0x202: {  	[sflag:s28] =	ssyncset.done $0x0  }
.Ltmp8:
0x203: {  	[sflag:s28] =	ssyncadd.s32 $0xFFFFB200;
	(pc) =	sbr.rel @p0 .LBB2_17-.Ltmp8, $4  }
0x204: {  	[hbm4b:s23+s1] =	stream.linear.scatter [tilespmem:s25], [sflag:$0x1], $0x4E00, $0x38;
	[tilespmem:$0xD000] =	vst v63  }
0x205: {  	_ =	swait.ge [sflag:s28], $0x4E00  }
0x206: {  	[sflag:s28] =	ssyncset.done $0x0  }
0x207: {  	[sflag:s28] =	ssyncadd.s32 $0xFFFFB200  }
0x208: {  	s5 =	simm.s32 $0x1800  }
0x209: {  	s24 =	smov.u32 s14;
	s14 =	smov.u32 s31;
	s31 =	smov.u32 s30  }
0x20a: {  	s30 =	smov.u32 s29;
	s29 =	smov.u32 s23;
	s23 =	smov.u32 s22  }
0x20b: {  	s22 =	smov.u32 s21;
	s21 =	smov.u32 s20;
	s20 =	smov.u32 s19  }
0x20c: {  	s19 =	smov.u32 s18;
	s18 =	smov.u32 s17;
	s17 =	smov.u32 s16  }
0x20d: {  	s16 =	smov.u32 s13;
	s3 =	simm.s32 $0x0;
	s4 =	rddreg [dreg:$0xd]  }
0x20e: {  	[tilespmem:s26], [sflag:$0x1] =	stream.linear.gather [hbm4b:s4+s3], $0x80, $0x38;
	[tilespmem:$0xD000] =	vst v63  }
0x20f: {  	s13 =	smov.u32 s12;
	s12 =	smov.u32 s11;
	_ =	swait.ge [sflag:s28], $0x80  }
0x210: {  	s11 =	smov.u32 s10;
	s10 =	smov.u32 s9;
	[sflag:s28] =	ssyncset.done $0x0  }
0x211: {  	s9 =	smov.u32 s8;
	s8 =	rddreg [dreg:$0xe];
	[sflag:s28] =	ssyncadd.s32 $0xFFFFFF80  }
0x212: {  	[tilespmem:s5], [sflag:$0x1] =	stream.linear.gather [hbm4b:s8+s3], $0x80, $0x38;
	[tilespmem:$0xD000] =	vst v63  }
0x213: {  	_ =	swait.ge [sflag:s28], $0x80  }
0x214: {  	[sflag:s28] =	ssyncset.done $0x0  }
0x215: {  	[sflag:s28] =	ssyncadd.s32 $0xFFFFFF80  }
0x216: {  	s4 =	simm.s32 $0x0;
	[tilespmem:$0x1880] =	vst v1  }
0x217: {  	v9 =	vld [tilespmem:s4+$0x1800]  }
0x218: {  	v8 =	vld [tilespmem:s4+$0x1801]  }
0x219: {  	v2 =	vld [tilespmem:s4+$0x400];
	_ =	sdelay $0x2  }
0x21a: {  	(v2sf) =	vpush v9, $0x0  }
0x21b: {  	(v2sf) =	vpush v8, $0xF  }
0x21c: {  	v10 =	vshll.u32 v2, $0x2  }
0x21d: {  	v4 =	vimm.f32 $0.0e+00  }
0x21e: {  	v5 =	vimm.f32 $0.0e+00;
	v6 =	vimm.f32 $0.0e+00;
	v7 =	vimm.f32 $0.0e+00  }
0x21f: {  	v3 =	vimm.f32 $0.0e+00;
	s5 =	simm.s32 $0x80;
	s3 =	simm.s32 $0x10;
	v2 =	vimm.f32 $0.0e+00;
	v11 =	vor.u32 $0x1, v10  }
.LBB2_15:
0x220: {  	s6 =	smov.u32 s5;
	s5 =	sadd.s32 $0x40, s5  }
0x221: {  	p1 =	sne.s32 s5, $0x200;
	v12 =	vld.idx.msk [tilespmem:v10+s0+$0x0], $0xffff;
	_ =	sdelay $0x3  }
0x222: {  	s6 =	sshra.s32 s6, $0x2  }
0x223: {  	v13 =	vld.idx.msk [tilespmem:v10+s1+$0x0], $0xffff  }
0x224: {  	[tilespmem:s4+$0x2C00] =	vst v12;
	v12 =	vand.u32 $0x7, v12  }
0x225: {  	[tilespmem:s4+$0x7A00] =	vst v12  }
0x226: {  	v12 =	vld.idx.msk [tilespmem:v11+s1+$0x0], $0xffff;
	s7 =	spop (v2sf)  }
0x227: {  	v11 =	vld.idx.msk [tilespmem:v11+s0+$0x0], $0xffff;
	s8 =	spop (v2sf)  }
0x228: {  	p2 =	seq.s32 s7, s8  }
0x229: {  	v4 =	vadd.f32 @p2 v13, v4;
	vm1 =	vne.s32 @!p2 v9, v8;
	vm3 =	vcmask @!p2 $0x3F3C;
	(xrf2) =	vadd.scan.msk.f32 @!p2 $0xffff, v5  }
0x22a: {  	vm2 =	vmmov @!p2 $0x7fff;
	v9 =	vshll.u32 @!p2 v9, $0x2;
	v8 =	vshll.u32 @!p2 v8, $0x2  }
0x22b: {  	v14 =	vor.u32 $0x2, v10;
	v15 =	vor.u32 @!p2 $0x1, v9;
	v16 =	vor.u32 @!p2 $0x2, v9  }
0x22c: {  	v17 =	vor.u32 @!p2 $0x3, v9;
	v2 =	vadd.f32 @p2 v12, v2;
	v4 =	vpsel !p2, $0x0, v4;
	(xrf2) =	vadd.scan.msk.f32 @!p2 $0xffff, v12  }
0x22d: {  	v12 =	vand.u32 $0x7, v11  }
0x22e: {  	v2 =	vpsel !p2, $0x0, v2;
	[tilespmem:s4+$0x2C80] =	vst v11  }
0x22f: {  	[tilespmem:s4+$0x7A80] =	vst v12;
	(xrf2) =	vadd.scan.msk.f32 @!p2 $0xffff, v6;
	v6 =	vmov v4  }
0x230: {  	v11 =	vld.idx.msk [tilespmem:v14+s0+$0x0], $0xffff;
	_ =	sdelay $0x1  }
0x231: {  	(xrf2) =	vadd.scan.msk.f32 @!p2 $0xffff, v7;
	v7 =	vmov v2  }
0x232: {  	v10 =	vor.u32 $0x3, v10;
	v12, _, _ =	vpop @!p2 (xrf2)  }
0x233: {  	v12 =	vbroadcast @!p2 v12, $0xF  }
0x234: {  	v14 =	vld.idx.msk [tilespmem:v14+s1+$0x0], $0xffff;
	(xrf2) =	vadd.scan.msk.f32 @!p2 $0xffff, v3  }
0x235: {  	[tilespmem:s4+$0x2D00] =	vst v11;
	v11 =	vand.u32 $0x7, v11;
	v18, _, _ =	vpop @!p2 (xrf2)  }
0x236: {  	[tilespmem:s4+$0x7B00] =	vst v11  }
0x237: {  	v11 =	vld.idx.msk [tilespmem:v10+s1+$0x0], $0xffff;
	(xrf2) =	vadd.scan.msk.f32 @!p2 $0xffff, v13  }
0x238: {  	v13, _, _ =	vpop @!p2 (xrf2)  }
0x239: {  	v13 =	vbroadcast @!p2 v13, $0xF  }
0x23a: {  	v5 =	vadd.f32 @p2 v14, v5;
	(xrf2) =	vadd.scan.msk.f32 @!p2 $0xffff, v14  }
0x23b: {  	v14, _, _ =	vpop @!p2 (xrf2)  }
0x23c: {  	v5 =	vpsel !p2, $0x0, v5;
	v10 =	vld.idx.msk [tilespmem:v10+s0+$0x0], $0xffff;
	v19 =	vbroadcast @!p2 v14, $0xF  }
0x23d: {  	v3 =	vadd.f32 @p2 v11, v3;
	(xrf2) =	vadd.scan.msk.f32 @!p2 $0xffff, v11  }
0x23e: {  	vm3 =	vmor @!p2 vm1, vm3;
	v11 =	vadd.f32 @!p2 v18, v19;
	v14, _, _ =	vpop @!p2 (xrf2)  }
0x23f: {  	v3 =	vpsel !p2, $0x0, v3;
	v14 =	vbroadcast @!p2 v14, $0xF  }
0x240: {  	vm1 =	vmand @!p2 vm1, vm2;
	v18 =	vsub.f32 @!p2 $0.0e+00, v11  }
0x241: {  	v8 =	vnsel @!p2 vm1, $0x0, v8;
	v19, _, _ =	vpop @!p2 (xrf2)  }
0x242: {  	[tilespmem:s4+$0x2D80] =	vst v10;
	v10 =	vand.u32 $0x7, v10;
	v21 =	vadd.f32 @!p2 v19, v13;
	v19 =	vor.u32 @!p2 $0x2, v8  }
0x243: {  	s7 =	simm.s32 @!p2 $0xC800;
	v20 =	vor.u32 @!p2 $0x3, v8;
	[tilespmem:s4+$0x7B80] =	vst v10;
	v10 =	vor.u32 @!p2 $0x1, v8;
	s4 =	smov.u32 s3;
	s3 =	smov.u32 s6  }
0x244: {  	[tilespmem:v9+s7+$0x0] =	vst.idx.add.f32.msk @!p2 vm3, v21;
	v21 =	vsub.f32 @!p2 $0.0e+00, v21;
	v13, _, _ =	vpop @!p2 (xrf2);
	_ =	sdelay $0x1  }
0x245: {  	[tilespmem:v8+s7+$0x0] =	vst.idx.add.f32.msk @!p2 vm1, v21;
	v8 =	vadd.f32 @!p2 v13, v12  }
0x246: {  	[tilespmem:v15+s7+$0x0] =	vst.idx.add.f32.msk @!p2 vm3, v11;
	v9, _, _ =	vpop @!p2 (xrf2)  }
0x247: {  	[tilespmem:v10+s7+$0x0] =	vst.idx.add.f32.msk @!p2 vm1, v18;
	v10 =	vsub.f32 @!p2 $0.0e+00, v8;
	v9 =	vadd.f32 @!p2 v9, v14  }
0x248: {  	[tilespmem:v16+s7+$0x0] =	vst.idx.add.f32.msk @!p2 vm3, v8  }
0x249: {  	[tilespmem:v19+s7+$0x0] =	vst.idx.add.f32.msk @!p2 vm1, v10;
	v8 =	vsub.f32 @!p2 $0.0e+00, v9  }
0x24a: {  	[tilespmem:v17+s7+$0x0] =	vst.idx.add.f32.msk @!p2 vm3, v9  }
0x24b: {  	[tilespmem:v20+s7+$0x0] =	vst.idx.add.f32.msk @!p2 vm1, v8;
	_ =	sdelay $0x1  }
0x24c: {  	v9 =	vld [tilespmem:s4+$0x1800]  }
0x24d: {  	v8 =	vld [tilespmem:s4+$0x1801]  }
0x24e: {  	v10 =	vld [tilespmem:s4+$0x400];
	_ =	sdelay $0x2  }
0x24f: {  	(v2sf) =	vpush v9, $0x0  }
.Ltmp9:
0x250: {  	(v2sf) =	vpush v8, $0xF;
	(pc) =	sbr.rel @p1 .LBB2_15-.Ltmp9, $2  }
0x251: {  	v10 =	vshll.u32 v10, $0x2;
	_ =	sdelay $0x2  }
0x252: {  	v11 =	vor.u32 $0x1, v10  }
.Ltmp10:
0x253: {  	_ = 	snop;
	(pc) =	sbr.rel .LBB2_16-.Ltmp10, $1  }
0x254: {  	_ =	sdelay $0x3  }
.LBB2_18:
0x255: {  	_ =	sfence.sel $0x180000  }
0x256: {  	[bflag:$0x0] =	sbarrier.arrive $0xFFFF  }
0x257: {  	_ =	strace $0x90000047  }
0x258: {  	s0 =	stileid.u32;
	[bflag:$0x2] =	sbarrier.arrive $0xFFFF  }
0x259: {  	p0 =	sne.s32 s0, $0x0;
	s0 =	rddreg [dreg:$0x6]  }
0x25a: {  	s0 =	sadd.s32 @!p0 $0x100000, s0  }
0x25b: {  	[sflag:s0] =	ssyncadd.tile.s32 @!p0 $0x1;
	_ =	shalt  }
.Lfunc_end2:
_tile_overlayer_lowered:
.L_overlay_start_2:
0x25c: {  	(tag) =	ssettag $0x2  }
0x25d: {  	s0 =	rddreg [dreg:$0x0];
	s2 =	stileid.u32  }
0x25e: {  	s1 =	rddreg [dreg:$0x1];
	p0 =	sne.s32 s2, $0x0  }
0x25f: {  	s3 =	rddreg [dreg:$0x2];
	[bflag:$0x3] =	sbarrier.arrive $0xFFFF;
	s2 =	simm.s32 @!p0 $0x1C01  }
0x260: {  	[timem:s3], [sflag:s2] =	dma.local @!p0 [hbm:s0], s1  }
0x261: {  	s0 =	simm.s32 @!p0 $0x1  }
0x262: {  	_ =	swait.ge @!p0 [sflag:s0], s1  }
0x263: {  	s1 =	ssub.s32 @!p0 $0x0, s1;
	[sflag:s0] =	ssyncset.done @!p0 $0x0  }
0x264: {  	[sflag:s0] =	ssyncadd.s32 @!p0 s1  }
0x265: {  	[bflag:$0x3] =	sbarrier.arrive $0xFFFF  }
0x266: {  	_ =	shalt  }

</sc_bundles>
